<compile_context>
chip_gen: v7x
topology: tpu7x:2x2x1
jax: 0.10.2.dev20260603
libtpu: 0.0.44.dev20260713+nightly
codegen_flags: <defaults>
</compile_context>

<pallas_src>
import functools

import jax
import jax.numpy as jnp
from jax import lax
from jax.experimental import pallas as pl
from jax.experimental.pallas import tpu as pltpu
from jax.experimental.pallas import tpu_sc as plsc

EMBED_DIM = 32
BATCH = 16384
FIELDS = 26
NUM_CORES = 2
NUM_SUBCORES = 16
NUM_WORKERS = NUM_CORES * NUM_SUBCORES
BATCH_PER_WORKER = BATCH // NUM_WORKERS
NCHUNKS = FIELDS
NBUF = 6
D1 = 3
D2 = NBUF - D1


def _build():
    mesh = plsc.VectorSubcoreMesh(core_axis_name="c", subcore_axis_name="s")

    scratch = (
        [pltpu.VMEM((BATCH_PER_WORKER,), jnp.int32) for _ in range(NBUF)]
        + [pltpu.VMEM((BATCH_PER_WORKER, EMBED_DIM), jnp.float32) for _ in range(NBUF)]
        + [pltpu.SemaphoreType.DMA for _ in range(2 * NBUF)]
    )

    @functools.partial(
        pl.kernel,
        mesh=mesh,
        out_type=jax.ShapeDtypeStruct((BATCH, FIELDS, EMBED_DIM), jnp.float32),
        scratch_types=scratch,
        compiler_params=pltpu.CompilerParams(use_tc_tiling_on_sc=False),
    )
    def body(xt_ref, w_ref, out_ref, *s):
        idx = s[0:NBUF]
        rows = s[NBUF:2 * NBUF]
        gsem = s[2 * NBUF:3 * NBUF]
        wsem = s[3 * NBUF:4 * NBUF]

        wid = lax.axis_index("s") * NUM_CORES + lax.axis_index("c")
        b0 = wid * BATCH_PER_WORKER

        def fire_gather(f, b):
            pltpu.sync_copy(xt_ref.at[f, pl.ds(b0, BATCH_PER_WORKER)], idx[b])
            pltpu.async_copy(w_ref.at[idx[b]], rows[b], gsem[b])

        def wait_gather(f, b):
            pltpu.make_async_copy(w_ref.at[idx[b]], rows[b], gsem[b]).wait()

        def fire_write(f, b):
            pltpu.async_copy(
                rows[b], out_ref.at[pl.ds(b0, BATCH_PER_WORKER), f, :], wsem[b]
            )

        def wait_write(f, b):
            pltpu.make_async_copy(
                rows[b], out_ref.at[pl.ds(b0, BATCH_PER_WORKER), f, :], wsem[b]
            ).wait()

        for f in range(D1):
            fire_gather(f, f % NBUF)
        for f in range(NCHUNKS):
            b = f % NBUF
            wait_gather(f, b)
            fire_write(f, b)
            f2 = f + D1
            if f2 < NCHUNKS:
                b2 = f2 % NBUF
                if f2 - NBUF >= 0:
                    wait_write(f2 - NBUF, b2)
                fire_gather(f2, b2)
        for f in range(NCHUNKS - NBUF, NCHUNKS):
            wait_write(f, f % NBUF)

    return body


_gather_kernel = _build()


def kernel(x, weight):
    return _gather_kernel(x.T, weight)

# --- scband reference (transcript-rebuilt; emitter-appended) ---
"""Pipeline reference for scband-dev-embedding-13340168421542 (READ-ONLY COPY).

The authoritative reference and input builder live on the scoring server;
editing this copy changes nothing except your own understanding.
"""

import jax, jax.numpy as jnp
import numpy as np

NUM_EMBEDDINGS = 1000000
EMBED_DIM = 32
BATCH = 16384
FIELDS = 26

def setup_inputs(seed: int = 0) -> dict:
    key = jax.random.key(seed)
    k_idx, k_w = jax.random.split(key)
    x = jax.random.randint(k_idx, (BATCH, FIELDS), 0, NUM_EMBEDDINGS, dtype=jnp.int64 if jax.config.jax_enable_x64 else jnp.int32)
    weight = jax.random.normal(k_w, (NUM_EMBEDDINGS, EMBED_DIM), dtype=jnp.float32)
    return {"x": x, "weight": weight}

def reference(x, weight):
    # F.embedding(x, weight) == gather rows of weight by x
    return jnp.take(weight, x, axis=0)

if __name__ == "__main__":
    import jax
    _d = setup_inputs()
    print(jax.jit(kernel)(*tuple(_d.values())))

</pallas_src>

<mosaic_0001>
#map = affine_map<(d0, d1) -> (0, 0)>
#map1 = affine_map<(d0, d1) -> (0, 0, 0)>
module attributes {stable_mosaic.version = 14 : i64} {
  func.func @body(%arg0: i32, %arg1: i32, %arg2: memref<26x16384xi32, #tpu.memory_space<hbm>>, %arg3: memref<1000000x32xf32, #tpu.memory_space<hbm>>, %arg4: memref<16384x26x32xf32, #tpu.memory_space<hbm>>, %arg5: memref<512xi32, #tpu.memory_space<vmem>>, %arg6: memref<512xi32, #tpu.memory_space<vmem>>, %arg7: memref<512xi32, #tpu.memory_space<vmem>>, %arg8: memref<512xi32, #tpu.memory_space<vmem>>, %arg9: memref<512xi32, #tpu.memory_space<vmem>>, %arg10: memref<512xi32, #tpu.memory_space<vmem>>, %arg11: memref<512x32xf32, #tpu.memory_space<vmem>>, %arg12: memref<512x32xf32, #tpu.memory_space<vmem>>, %arg13: memref<512x32xf32, #tpu.memory_space<vmem>>, %arg14: memref<512x32xf32, #tpu.memory_space<vmem>>, %arg15: memref<512x32xf32, #tpu.memory_space<vmem>>, %arg16: memref<512x32xf32, #tpu.memory_space<vmem>>, %arg17: memref<!tpu.dma_semaphore, #tpu.memory_space<semaphore_mem>>, %arg18: memref<!tpu.dma_semaphore, #tpu.memory_space<semaphore_mem>>, %arg19: memref<!tpu.dma_semaphore, #tpu.memory_space<semaphore_mem>>, %arg20: memref<!tpu.dma_semaphore, #tpu.memory_space<semaphore_mem>>, %arg21: memref<!tpu.dma_semaphore, #tpu.memory_space<semaphore_mem>>, %arg22: memref<!tpu.dma_semaphore, #tpu.memory_space<semaphore_mem>>, %arg23: memref<!tpu.dma_semaphore, #tpu.memory_space<semaphore_mem>>, %arg24: memref<!tpu.dma_semaphore, #tpu.memory_space<semaphore_mem>>, %arg25: memref<!tpu.dma_semaphore, #tpu.memory_space<semaphore_mem>>, %arg26: memref<!tpu.dma_semaphore, #tpu.memory_space<semaphore_mem>>, %arg27: memref<!tpu.dma_semaphore, #tpu.memory_space<semaphore_mem>>, %arg28: memref<!tpu.dma_semaphore, #tpu.memory_space<semaphore_mem>>) attributes {dimension_semantics = [#tpu.dimension_semantics<core_parallel>, #tpu.dimension_semantics<subcore_parallel>], iteration_bounds = array<i64: 2, 16>, scalar_prefetch = 0 : i64, scratch_operands = 24 : i64, tpu.core_type = #tpu.core_type<sc_vector_subcore>, window_params = [{transform_indices = #map}, {transform_indices = #map}, {transform_indices = #map1}]} {
    %mul3A = arith.constant 2 : i32
    %mul3A_0 = arith.muli %arg1, %mul3A : i32
    %add3A = arith.addi %mul3A_0, %arg0 : i32
    %mul3A_1 = arith.constant 512 : i32
    %mul3A_2 = arith.muli %add3A, %mul3A_1 : i32
    %run_scoped3A = arith.constant 0 : i32
    "tpu.region"() ({
      %run_scoped3A_546 = tpu.sem_alloc : memref<!tpu.dma_semaphore, #tpu.memory_space<semaphore_mem>>
      %dma_start3A_547 = tpu.memref_slice %arg2[%run_scoped3A, %mul3A_2] : memref<26x16384xi32, #tpu.memory_space<hbm>> -> memref<1x512xi32, #tpu.memory_space<hbm>>
      %dma_start3A_548 = tpu.memref_squeeze %dma_start3A_547 : memref<1x512xi32, #tpu.memory_space<hbm>> -> memref<512xi32, #tpu.memory_space<hbm>>
      %dma_start3A_549 = tpu.memref_slice %arg2[%run_scoped3A, %mul3A_2] : memref<26x16384xi32, #tpu.memory_space<hbm>> -> memref<1x512xi32, #tpu.memory_space<hbm>>
      %dma_start3A_550 = tpu.memref_squeeze %dma_start3A_549 : memref<1x512xi32, #tpu.memory_space<hbm>> -> memref<512xi32, #tpu.memory_space<hbm>>
      tpu.enqueue_dma source(%dma_start3A_550 : memref<512xi32, #tpu.memory_space<hbm>>) target(%arg5 : memref<512xi32, #tpu.memory_space<vmem>>) target_semaphore(%run_scoped3A_546 : memref<!tpu.dma_semaphore, #tpu.memory_space<semaphore_mem>>)
      %dma_wait3A_551 = tpu.memref_slice %arg2[%run_scoped3A, %mul3A_2] : memref<26x16384xi32, #tpu.memory_space<hbm>> -> memref<1x512xi32, #tpu.memory_space<hbm>>
      %dma_wait3A_552 = tpu.memref_squeeze %dma_wait3A_551 : memref<1x512xi32, #tpu.memory_space<hbm>> -> memref<512xi32, #tpu.memory_space<hbm>>
      %dma_wait3A_553 = tpu.memref_slice %arg2[%run_scoped3A, %mul3A_2] : memref<26x16384xi32, #tpu.memory_space<hbm>> -> memref<1x512xi32, #tpu.memory_space<hbm>>
      %dma_wait3A_554 = tpu.memref_squeeze %dma_wait3A_553 : memref<1x512xi32, #tpu.memory_space<hbm>> -> memref<512xi32, #tpu.memory_space<hbm>>
      tpu.wait_dma2 semaphore(%run_scoped3A_546 : memref<!tpu.dma_semaphore, #tpu.memory_space<semaphore_mem>>) src(%dma_wait3A_554 : memref<512xi32, #tpu.memory_space<hbm>>) dst(%arg5 : memref<512xi32, #tpu.memory_space<vmem>>)
      tpu.yield
    }) : () -> ()
    %dma_start3A = arith.constant 0 : i32
    %dma_start3A_3 = arith.constant 0 : i32
    %dma_start3A_4 = tpu.memref_slice %arg3[%dma_start3A, %dma_start3A_3] : memref<1000000x32xf32, #tpu.memory_space<hbm>> -> memref<1000000x32xf32, #tpu.memory_space<hbm>>
    tpu.enqueue_indirect_dma source(%dma_start3A_4 : memref<1000000x32xf32, #tpu.memory_space<hbm>>) target(%arg11 : memref<512x32xf32, #tpu.memory_space<vmem>>) offsets(%arg5 : memref<512xi32, #tpu.memory_space<vmem>>) semaphore(%arg17 : memref<!tpu.dma_semaphore, #tpu.memory_space<semaphore_mem>>)
    %run_scoped3A_5 = arith.constant 1 : i32
    "tpu.region"() ({
      %run_scoped3A_546 = tpu.sem_alloc : memref<!tpu.dma_semaphore, #tpu.memory_space<semaphore_mem>>
      %dma_start3A_547 = tpu.memref_slice %arg2[%run_scoped3A_5, %mul3A_2] : memref<26x16384xi32, #tpu.memory_space<hbm>> -> memref<1x512xi32, #tpu.memory_space<hbm>>
      %dma_start3A_548 = tpu.memref_squeeze %dma_start3A_547 : memref<1x512xi32, #tpu.memory_space<hbm>> -> memref<512xi32, #tpu.memory_space<hbm>>
      %dma_start3A_549 = tpu.memref_slice %arg2[%run_scoped3A_5, %mul3A_2] : memref<26x16384xi32, #tpu.memory_space<hbm>> -> memref<1x512xi32, #tpu.memory_space<hbm>>
      %dma_start3A_550 = tpu.memref_squeeze %dma_start3A_549 : memref<1x512xi32, #tpu.memory_space<hbm>> -> memref<512xi32, #tpu.memory_space<hbm>>
      tpu.enqueue_dma source(%dma_start3A_550 : memref<512xi32, #tpu.memory_space<hbm>>) target(%arg6 : memref<512xi32, #tpu.memory_space<vmem>>) target_semaphore(%run_scoped3A_546 : memref<!tpu.dma_semaphore, #tpu.memory_space<semaphore_mem>>)
      %dma_wait3A_551 = tpu.memref_slice %arg2[%run_scoped3A_5, %mul3A_2] : memref<26x16384xi32, #tpu.memory_space<hbm>> -> memref<1x512xi32, #tpu.memory_space<hbm>>
      %dma_wait3A_552 = tpu.memref_squeeze %dma_wait3A_551 : memref<1x512xi32, #tpu.memory_space<hbm>> -> memref<512xi32, #tpu.memory_space<hbm>>
      %dma_wait3A_553 = tpu.memref_slice %arg2[%run_scoped3A_5, %mul3A_2] : memref<26x16384xi32, #tpu.memory_space<hbm>> -> memref<1x512xi32, #tpu.memory_space<hbm>>
      %dma_wait3A_554 = tpu.memref_squeeze %dma_wait3A_553 : memref<1x512xi32, #tpu.memory_space<hbm>> -> memref<512xi32, #tpu.memory_space<hbm>>
      tpu.wait_dma2 semaphore(%run_scoped3A_546 : memref<!tpu.dma_semaphore, #tpu.memory_space<semaphore_mem>>) src(%dma_wait3A_554 : memref<512xi32, #tpu.memory_space<hbm>>) dst(%arg6 : memref<512xi32, #tpu.memory_space<vmem>>)
      tpu.yield
    }) : () -> ()
    %dma_start3A_6 = arith.constant 0 : i32
    %dma_start3A_7 = arith.constant 0 : i32
    %dma_start3A_8 = tpu.memref_slice %arg3[%dma_start3A_6, %dma_start3A_7] : memref<1000000x32xf32, #tpu.memory_space<hbm>> -> memref<1000000x32xf32, #tpu.memory_space<hbm>>
    tpu.enqueue_indirect_dma source(%dma_start3A_8 : memref<1000000x32xf32, #tpu.memory_space<hbm>>) target(%arg12 : memref<512x32xf32, #tpu.memory_space<vmem>>) offsets(%arg6 : memref<512xi32, #tpu.memory_space<vmem>>) semaphore(%arg18 : memref<!tpu.dma_semaphore, #tpu.memory_space<semaphore_mem>>)
    %run_scoped3A_9 = arith.constant 2 : i32
    "tpu.region"() ({
      %run_scoped3A_546 = tpu.sem_alloc : memref<!tpu.dma_semaphore, #tpu.memory_space<semaphore_mem>>
      %dma_start3A_547 = tpu.memref_slice %arg2[%run_scoped3A_9, %mul3A_2] : memref<26x16384xi32, #tpu.memory_space<hbm>> -> memref<1x512xi32, #tpu.memory_space<hbm>>
      %dma_start3A_548 = tpu.memref_squeeze %dma_start3A_547 : memref<1x512xi32, #tpu.memory_space<hbm>> -> memref<512xi32, #tpu.memory_space<hbm>>
      %dma_start3A_549 = tpu.memref_slice %arg2[%run_scoped3A_9, %mul3A_2] : memref<26x16384xi32, #tpu.memory_space<hbm>> -> memref<1x512xi32, #tpu.memory_space<hbm>>
      %dma_start3A_550 = tpu.memref_squeeze %dma_start3A_549 : memref<1x512xi32, #tpu.memory_space<hbm>> -> memref<512xi32, #tpu.memory_space<hbm>>
      tpu.enqueue_dma source(%dma_start3A_550 : memref<512xi32, #tpu.memory_space<hbm>>) target(%arg7 : memref<512xi32, #tpu.memory_space<vmem>>) target_semaphore(%run_scoped3A_546 : memref<!tpu.dma_semaphore, #tpu.memory_space<semaphore_mem>>)
      %dma_wait3A_551 = tpu.memref_slice %arg2[%run_scoped3A_9, %mul3A_2] : memref<26x16384xi32, #tpu.memory_space<hbm>> -> memref<1x512xi32, #tpu.memory_space<hbm>>
      %dma_wait3A_552 = tpu.memref_squeeze %dma_wait3A_551 : memref<1x512xi32, #tpu.memory_space<hbm>> -> memref<512xi32, #tpu.memory_space<hbm>>
      %dma_wait3A_553 = tpu.memref_slice %arg2[%run_scoped3A_9, %mul3A_2] : memref<26x16384xi32, #tpu.memory_space<hbm>> -> memref<1x512xi32, #tpu.memory_space<hbm>>
      %dma_wait3A_554 = tpu.memref_squeeze %dma_wait3A_553 : memref<1x512xi32, #tpu.memory_space<hbm>> -> memref<512xi32, #tpu.memory_space<hbm>>
      tpu.wait_dma2 semaphore(%run_scoped3A_546 : memref<!tpu.dma_semaphore, #tpu.memory_space<semaphore_mem>>) src(%dma_wait3A_554 : memref<512xi32, #tpu.memory_space<hbm>>) dst(%arg7 : memref<512xi32, #tpu.memory_space<vmem>>)
      tpu.yield
    }) : () -> ()
    %dma_start3A_10 = arith.constant 0 : i32
    %dma_start3A_11 = arith.constant 0 : i32
    %dma_start3A_12 = tpu.memref_slice %arg3[%dma_start3A_10, %dma_start3A_11] : memref<1000000x32xf32, #tpu.memory_space<hbm>> -> memref<1000000x32xf32, #tpu.memory_space<hbm>>
    tpu.enqueue_indirect_dma source(%dma_start3A_12 : memref<1000000x32xf32, #tpu.memory_space<hbm>>) target(%arg13 : memref<512x32xf32, #tpu.memory_space<vmem>>) offsets(%arg7 : memref<512xi32, #tpu.memory_space<vmem>>) semaphore(%arg19 : memref<!tpu.dma_semaphore, #tpu.memory_space<semaphore_mem>>)
    %dma_wait3A = arith.constant 0 : i32
    %dma_wait3A_13 = arith.constant 0 : i32
    %dma_wait3A_14 = tpu.memref_slice %arg3[%dma_wait3A, %dma_wait3A_13] : memref<1000000x32xf32, #tpu.memory_space<hbm>> -> memref<1000000x32xf32, #tpu.memory_space<hbm>>
    tpu.wait_indirect_dma semaphore(%arg17 : memref<!tpu.dma_semaphore, #tpu.memory_space<semaphore_mem>>) src(%dma_wait3A_14 : memref<1000000x32xf32, #tpu.memory_space<hbm>>) dst(%arg11 : memref<512x32xf32, #tpu.memory_space<vmem>>)
    %dma_start3A_15 = arith.constant 0 : i32
    %dma_start3A_16 = arith.constant 0 : i32
    %dma_start3A_17 = tpu.memref_slice %arg4[%mul3A_2, %dma_start3A_15, %dma_start3A_16] : memref<16384x26x32xf32, #tpu.memory_space<hbm>> -> memref<512x1x32xf32, #tpu.memory_space<hbm>>
    %dma_start3A_18 = tpu.memref_squeeze %dma_start3A_17 : memref<512x1x32xf32, #tpu.memory_space<hbm>> -> memref<512x32xf32, #tpu.memory_space<hbm>>
    %dma_start3A_19 = arith.constant 0 : i32
    %dma_start3A_20 = tpu.memref_slice %arg4[%mul3A_2, %dma_start3A_15, %dma_start3A_19] : memref<16384x26x32xf32, #tpu.memory_space<hbm>> -> memref<512x1x32xf32, #tpu.memory_space<hbm>>
    %dma_start3A_21 = tpu.memref_squeeze %dma_start3A_20 : memref<512x1x32xf32, #tpu.memory_space<hbm>> -> memref<512x32xf32, #tpu.memory_space<hbm>>
    tpu.enqueue_dma source(%arg11 : memref<512x32xf32, #tpu.memory_space<vmem>>) target(%dma_start3A_21 : memref<512x32xf32, #tpu.memory_space<hbm>>) target_semaphore(%arg23 : memref<!tpu.dma_semaphore, #tpu.memory_space<semaphore_mem>>)
    %run_scoped3A_22 = arith.constant 3 : i32
    "tpu.region"() ({
      %run_scoped3A_546 = tpu.sem_alloc : memref<!tpu.dma_semaphore, #tpu.memory_space<semaphore_mem>>
      %dma_start3A_547 = tpu.memref_slice %arg2[%run_scoped3A_22, %mul3A_2] : memref<26x16384xi32, #tpu.memory_space<hbm>> -> memref<1x512xi32, #tpu.memory_space<hbm>>
      %dma_start3A_548 = tpu.memref_squeeze %dma_start3A_547 : memref<1x512xi32, #tpu.memory_space<hbm>> -> memref<512xi32, #tpu.memory_space<hbm>>
      %dma_start3A_549 = tpu.memref_slice %arg2[%run_scoped3A_22, %mul3A_2] : memref<26x16384xi32, #tpu.memory_space<hbm>> -> memref<1x512xi32, #tpu.memory_space<hbm>>
      %dma_start3A_550 = tpu.memref_squeeze %dma_start3A_549 : memref<1x512xi32, #tpu.memory_space<hbm>> -> memref<512xi32, #tpu.memory_space<hbm>>
      tpu.enqueue_dma source(%dma_start3A_550 : memref<512xi32, #tpu.memory_space<hbm>>) target(%arg8 : memref<512xi32, #tpu.memory_space<vmem>>) target_semaphore(%run_scoped3A_546 : memref<!tpu.dma_semaphore, #tpu.memory_space<semaphore_mem>>)
      %dma_wait3A_551 = tpu.memref_slice %arg2[%run_scoped3A_22, %mul3A_2] : memref<26x16384xi32, #tpu.memory_space<hbm>> -> memref<1x512xi32, #tpu.memory_space<hbm>>
      %dma_wait3A_552 = tpu.memref_squeeze %dma_wait3A_551 : memref<1x512xi32, #tpu.memory_space<hbm>> -> memref<512xi32, #tpu.memory_space<hbm>>
      %dma_wait3A_553 = tpu.memref_slice %arg2[%run_scoped3A_22, %mul3A_2] : memref<26x16384xi32, #tpu.memory_space<hbm>> -> memref<1x512xi32, #tpu.memory_space<hbm>>
      %dma_wait3A_554 = tpu.memref_squeeze %dma_wait3A_553 : memref<1x512xi32, #tpu.memory_space<hbm>> -> memref<512xi32, #tpu.memory_space<hbm>>
      tpu.wait_dma2 semaphore(%run_scoped3A_546 : memref<!tpu.dma_semaphore, #tpu.memory_space<semaphore_mem>>) src(%dma_wait3A_554 : memref<512xi32, #tpu.memory_space<hbm>>) dst(%arg8 : memref<512xi32, #tpu.memory_space<vmem>>)
      tpu.yield
    }) : () -> ()
    %dma_start3A_23 = arith.constant 0 : i32
    %dma_start3A_24 = arith.constant 0 : i32
    %dma_start3A_25 = tpu.memref_slice %arg3[%dma_start3A_23, %dma_start3A_24] : memref<1000000x32xf32, #tpu.memory_space<hbm>> -> memref<1000000x32xf32, #tpu.memory_space<hbm>>
    tpu.enqueue_indirect_dma source(%dma_start3A_25 : memref<1000000x32xf32, #tpu.memory_space<hbm>>) target(%arg14 : memref<512x32xf32, #tpu.memory_space<vmem>>) offsets(%arg8 : memref<512xi32, #tpu.memory_space<vmem>>) semaphore(%arg20 : memref<!tpu.dma_semaphore, #tpu.memory_space<semaphore_mem>>)
    %dma_wait3A_26 = arith.constant 0 : i32
    %dma_wait3A_27 = arith.constant 0 : i32
    %dma_wait3A_28 = tpu.memref_slice %arg3[%dma_wait3A_26, %dma_wait3A_27] : memref<1000000x32xf32, #tpu.memory_space<hbm>> -> memref<1000000x32xf32, #tpu.memory_space<hbm>>
    tpu.wait_indirect_dma semaphore(%arg18 : memref<!tpu.dma_semaphore, #tpu.memory_space<semaphore_mem>>) src(%dma_wait3A_28 : memref<1000000x32xf32, #tpu.memory_space<hbm>>) dst(%arg12 : memref<512x32xf32, #tpu.memory_space<vmem>>)
    %dma_start3A_29 = arith.constant 1 : i32
    %dma_start3A_30 = arith.constant 0 : i32
    %dma_start3A_31 = tpu.memref_slice %arg4[%mul3A_2, %dma_start3A_29, %dma_start3A_30] : memref<16384x26x32xf32, #tpu.memory_space<hbm>> -> memref<512x1x32xf32, #tpu.memory_space<hbm>>
    %dma_start3A_32 = tpu.memref_squeeze %dma_start3A_31 : memref<512x1x32xf32, #tpu.memory_space<hbm>> -> memref<512x32xf32, #tpu.memory_space<hbm>>
    %dma_start3A_33 = arith.constant 0 : i32
    %dma_start3A_34 = tpu.memref_slice %arg4[%mul3A_2, %dma_start3A_29, %dma_start3A_33] : memref<16384x26x32xf32, #tpu.memory_space<hbm>> -> memref<512x1x32xf32, #tpu.memory_space<hbm>>
    %dma_start3A_35 = tpu.memref_squeeze %dma_start3A_34 : memref<512x1x32xf32, #tpu.memory_space<hbm>> -> memref<512x32xf32, #tpu.memory_space<hbm>>
    tpu.enqueue_dma source(%arg12 : memref<512x32xf32, #tpu.memory_space<vmem>>) target(%dma_start3A_35 : memref<512x32xf32, #tpu.memory_space<hbm>>) target_semaphore(%arg24 : memref<!tpu.dma_semaphore, #tpu.memory_space<semaphore_mem>>)
    %run_scoped3A_36 = arith.constant 4 : i32
    "tpu.region"() ({
      %run_scoped3A_546 = tpu.sem_alloc : memref<!tpu.dma_semaphore, #tpu.memory_space<semaphore_mem>>
      %dma_start3A_547 = tpu.memref_slice %arg2[%run_scoped3A_36, %mul3A_2] : memref<26x16384xi32, #tpu.memory_space<hbm>> -> memref<1x512xi32, #tpu.memory_space<hbm>>
      %dma_start3A_548 = tpu.memref_squeeze %dma_start3A_547 : memref<1x512xi32, #tpu.memory_space<hbm>> -> memref<512xi32, #tpu.memory_space<hbm>>
      %dma_start3A_549 = tpu.memref_slice %arg2[%run_scoped3A_36, %mul3A_2] : memref<26x16384xi32, #tpu.memory_space<hbm>> -> memref<1x512xi32, #tpu.memory_space<hbm>>
      %dma_start3A_550 = tpu.memref_squeeze %dma_start3A_549 : memref<1x512xi32, #tpu.memory_space<hbm>> -> memref<512xi32, #tpu.memory_space<hbm>>
      tpu.enqueue_dma source(%dma_start3A_550 : memref<512xi32, #tpu.memory_space<hbm>>) target(%arg9 : memref<512xi32, #tpu.memory_space<vmem>>) target_semaphore(%run_scoped3A_546 : memref<!tpu.dma_semaphore, #tpu.memory_space<semaphore_mem>>)
      %dma_wait3A_551 = tpu.memref_slice %arg2[%run_scoped3A_36, %mul3A_2] : memref<26x16384xi32, #tpu.memory_space<hbm>> -> memref<1x512xi32, #tpu.memory_space<hbm>>
      %dma_wait3A_552 = tpu.memref_squeeze %dma_wait3A_551 : memref<1x512xi32, #tpu.memory_space<hbm>> -> memref<512xi32, #tpu.memory_space<hbm>>
      %dma_wait3A_553 = tpu.memref_slice %arg2[%run_scoped3A_36, %mul3A_2] : memref<26x16384xi32, #tpu.memory_space<hbm>> -> memref<1x512xi32, #tpu.memory_space<hbm>>
      %dma_wait3A_554 = tpu.memref_squeeze %dma_wait3A_553 : memref<1x512xi32, #tpu.memory_space<hbm>> -> memref<512xi32, #tpu.memory_space<hbm>>
      tpu.wait_dma2 semaphore(%run_scoped3A_546 : memref<!tpu.dma_semaphore, #tpu.memory_space<semaphore_mem>>) src(%dma_wait3A_554 : memref<512xi32, #tpu.memory_space<hbm>>) dst(%arg9 : memref<512xi32, #tpu.memory_space<vmem>>)
      tpu.yield
    }) : () -> ()
    %dma_start3A_37 = arith.constant 0 : i32
    %dma_start3A_38 = arith.constant 0 : i32
    %dma_start3A_39 = tpu.memref_slice %arg3[%dma_start3A_37, %dma_start3A_38] : memref<1000000x32xf32, #tpu.memory_space<hbm>> -> memref<1000000x32xf32, #tpu.memory_space<hbm>>
    tpu.enqueue_indirect_dma source(%dma_start3A_39 : memref<1000000x32xf32, #tpu.memory_space<hbm>>) target(%arg15 : memref<512x32xf32, #tpu.memory_space<vmem>>) offsets(%arg9 : memref<512xi32, #tpu.memory_space<vmem>>) semaphore(%arg21 : memref<!tpu.dma_semaphore, #tpu.memory_space<semaphore_mem>>)
    %dma_wait3A_40 = arith.constant 0 : i32
    %dma_wait3A_41 = arith.constant 0 : i32
    %dma_wait3A_42 = tpu.memref_slice %arg3[%dma_wait3A_40, %dma_wait3A_41] : memref<1000000x32xf32, #tpu.memory_space<hbm>> -> memref<1000000x32xf32, #tpu.memory_space<hbm>>
    tpu.wait_indirect_dma semaphore(%arg19 : memref<!tpu.dma_semaphore, #tpu.memory_space<semaphore_mem>>) src(%dma_wait3A_42 : memref<1000000x32xf32, #tpu.memory_space<hbm>>) dst(%arg13 : memref<512x32xf32, #tpu.memory_space<vmem>>)
    %dma_start3A_43 = arith.constant 2 : i32
    %dma_start3A_44 = arith.constant 0 : i32
    %dma_start3A_45 = tpu.memref_slice %arg4[%mul3A_2, %dma_start3A_43, %dma_start3A_44] : memref<16384x26x32xf32, #tpu.memory_space<hbm>> -> memref<512x1x32xf32, #tpu.memory_space<hbm>>
    %dma_start3A_46 = tpu.memref_squeeze %dma_start3A_45 : memref<512x1x32xf32, #tpu.memory_space<hbm>> -> memref<512x32xf32, #tpu.memory_space<hbm>>
    %dma_start3A_47 = arith.constant 0 : i32
    %dma_start3A_48 = tpu.memref_slice %arg4[%mul3A_2, %dma_start3A_43, %dma_start3A_47] : memref<16384x26x32xf32, #tpu.memory_space<hbm>> -> memref<512x1x32xf32, #tpu.memory_space<hbm>>
    %dma_start3A_49 = tpu.memref_squeeze %dma_start3A_48 : memref<512x1x32xf32, #tpu.memory_space<hbm>> -> memref<512x32xf32, #tpu.memory_space<hbm>>
    tpu.enqueue_dma source(%arg13 : memref<512x32xf32, #tpu.memory_space<vmem>>) target(%dma_start3A_49 : memref<512x32xf32, #tpu.memory_space<hbm>>) target_semaphore(%arg25 : memref<!tpu.dma_semaphore, #tpu.memory_space<semaphore_mem>>)
    %run_scoped3A_50 = arith.constant 5 : i32
    "tpu.region"() ({
      %run_scoped3A_546 = tpu.sem_alloc : memref<!tpu.dma_semaphore, #tpu.memory_space<semaphore_mem>>
      %dma_start3A_547 = tpu.memref_slice %arg2[%run_scoped3A_50, %mul3A_2] : memref<26x16384xi32, #tpu.memory_space<hbm>> -> memref<1x512xi32, #tpu.memory_space<hbm>>
      %dma_start3A_548 = tpu.memref_squeeze %dma_start3A_547 : memref<1x512xi32, #tpu.memory_space<hbm>> -> memref<512xi32, #tpu.memory_space<hbm>>
      %dma_start3A_549 = tpu.memref_slice %arg2[%run_scoped3A_50, %mul3A_2] : memref<26x16384xi32, #tpu.memory_space<hbm>> -> memref<1x512xi32, #tpu.memory_space<hbm>>
      %dma_start3A_550 = tpu.memref_squeeze %dma_start3A_549 : memref<1x512xi32, #tpu.memory_space<hbm>> -> memref<512xi32, #tpu.memory_space<hbm>>
      tpu.enqueue_dma source(%dma_start3A_550 : memref<512xi32, #tpu.memory_space<hbm>>) target(%arg10 : memref<512xi32, #tpu.memory_space<vmem>>) target_semaphore(%run_scoped3A_546 : memref<!tpu.dma_semaphore, #tpu.memory_space<semaphore_mem>>)
      %dma_wait3A_551 = tpu.memref_slice %arg2[%run_scoped3A_50, %mul3A_2] : memref<26x16384xi32, #tpu.memory_space<hbm>> -> memref<1x512xi32, #tpu.memory_space<hbm>>
      %dma_wait3A_552 = tpu.memref_squeeze %dma_wait3A_551 : memref<1x512xi32, #tpu.memory_space<hbm>> -> memref<512xi32, #tpu.memory_space<hbm>>
      %dma_wait3A_553 = tpu.memref_slice %arg2[%run_scoped3A_50, %mul3A_2] : memref<26x16384xi32, #tpu.memory_space<hbm>> -> memref<1x512xi32, #tpu.memory_space<hbm>>
      %dma_wait3A_554 = tpu.memref_squeeze %dma_wait3A_553 : memref<1x512xi32, #tpu.memory_space<hbm>> -> memref<512xi32, #tpu.memory_space<hbm>>
      tpu.wait_dma2 semaphore(%run_scoped3A_546 : memref<!tpu.dma_semaphore, #tpu.memory_space<semaphore_mem>>) src(%dma_wait3A_554 : memref<512xi32, #tpu.memory_space<hbm>>) dst(%arg10 : memref<512xi32, #tpu.memory_space<vmem>>)
      tpu.yield
    }) : () -> ()
    %dma_start3A_51 = arith.constant 0 : i32
    %dma_start3A_52 = arith.constant 0 : i32
    %dma_start3A_53 = tpu.memref_slice %arg3[%dma_start3A_51, %dma_start3A_52] : memref<1000000x32xf32, #tpu.memory_space<hbm>> -> memref<1000000x32xf32, #tpu.memory_space<hbm>>
    tpu.enqueue_indirect_dma source(%dma_start3A_53 : memref<1000000x32xf32, #tpu.memory_space<hbm>>) target(%arg16 : memref<512x32xf32, #tpu.memory_space<vmem>>) offsets(%arg10 : memref<512xi32, #tpu.memory_space<vmem>>) semaphore(%arg22 : memref<!tpu.dma_semaphore, #tpu.memory_space<semaphore_mem>>)
    %dma_wait3A_54 = arith.constant 0 : i32
    %dma_wait3A_55 = arith.constant 0 : i32
    %dma_wait3A_56 = tpu.memref_slice %arg3[%dma_wait3A_54, %dma_wait3A_55] : memref<1000000x32xf32, #tpu.memory_space<hbm>> -> memref<1000000x32xf32, #tpu.memory_space<hbm>>
    tpu.wait_indirect_dma semaphore(%arg20 : memref<!tpu.dma_semaphore, #tpu.memory_space<semaphore_mem>>) src(%dma_wait3A_56 : memref<1000000x32xf32, #tpu.memory_space<hbm>>) dst(%arg14 : memref<512x32xf32, #tpu.memory_space<vmem>>)
    %dma_start3A_57 = arith.constant 3 : i32
    %dma_start3A_58 = arith.constant 0 : i32
    %dma_start3A_59 = tpu.memref_slice %arg4[%mul3A_2, %dma_start3A_57, %dma_start3A_58] : memref<16384x26x32xf32, #tpu.memory_space<hbm>> -> memref<512x1x32xf32, #tpu.memory_space<hbm>>
    %dma_start3A_60 = tpu.memref_squeeze %dma_start3A_59 : memref<512x1x32xf32, #tpu.memory_space<hbm>> -> memref<512x32xf32, #tpu.memory_space<hbm>>
    %dma_start3A_61 = arith.constant 0 : i32
    %dma_start3A_62 = tpu.memref_slice %arg4[%mul3A_2, %dma_start3A_57, %dma_start3A_61] : memref<16384x26x32xf32, #tpu.memory_space<hbm>> -> memref<512x1x32xf32, #tpu.memory_space<hbm>>
    %dma_start3A_63 = tpu.memref_squeeze %dma_start3A_62 : memref<512x1x32xf32, #tpu.memory_space<hbm>> -> memref<512x32xf32, #tpu.memory_space<hbm>>
    tpu.enqueue_dma source(%arg14 : memref<512x32xf32, #tpu.memory_space<vmem>>) target(%dma_start3A_63 : memref<512x32xf32, #tpu.memory_space<hbm>>) target_semaphore(%arg26 : memref<!tpu.dma_semaphore, #tpu.memory_space<semaphore_mem>>)
    %dma_wait3A_64 = arith.constant 0 : i32
    %dma_wait3A_65 = arith.constant 0 : i32
    %dma_wait3A_66 = tpu.memref_slice %arg4[%mul3A_2, %dma_wait3A_64, %dma_wait3A_65] : memref<16384x26x32xf32, #tpu.memory_space<hbm>> -> memref<512x1x32xf32, #tpu.memory_space<hbm>>
    %dma_wait3A_67 = tpu.memref_squeeze %dma_wait3A_66 : memref<512x1x32xf32, #tpu.memory_space<hbm>> -> memref<512x32xf32, #tpu.memory_space<hbm>>
    %dma_wait3A_68 = arith.constant 0 : i32
    %dma_wait3A_69 = tpu.memref_slice %arg4[%mul3A_2, %dma_wait3A_64, %dma_wait3A_68] : memref<16384x26x32xf32, #tpu.memory_space<hbm>> -> memref<512x1x32xf32, #tpu.memory_space<hbm>>
    %dma_wait3A_70 = tpu.memref_squeeze %dma_wait3A_69 : memref<512x1x32xf32, #tpu.memory_space<hbm>> -> memref<512x32xf32, #tpu.memory_space<hbm>>
    tpu.wait_dma2 semaphore(%arg23 : memref<!tpu.dma_semaphore, #tpu.memory_space<semaphore_mem>>) src(%arg11 : memref<512x32xf32, #tpu.memory_space<vmem>>) dst(%dma_wait3A_70 : memref<512x32xf32, #tpu.memory_space<hbm>>)
    %run_scoped3A_71 = arith.constant 6 : i32
    "tpu.region"() ({
      %run_scoped3A_546 = tpu.sem_alloc : memref<!tpu.dma_semaphore, #tpu.memory_space<semaphore_mem>>
      %dma_start3A_547 = tpu.memref_slice %arg2[%run_scoped3A_71, %mul3A_2] : memref<26x16384xi32, #tpu.memory_space<hbm>> -> memref<1x512xi32, #tpu.memory_space<hbm>>
      %dma_start3A_548 = tpu.memref_squeeze %dma_start3A_547 : memref<1x512xi32, #tpu.memory_space<hbm>> -> memref<512xi32, #tpu.memory_space<hbm>>
      %dma_start3A_549 = tpu.memref_slice %arg2[%run_scoped3A_71, %mul3A_2] : memref<26x16384xi32, #tpu.memory_space<hbm>> -> memref<1x512xi32, #tpu.memory_space<hbm>>
      %dma_start3A_550 = tpu.memref_squeeze %dma_start3A_549 : memref<1x512xi32, #tpu.memory_space<hbm>> -> memref<512xi32, #tpu.memory_space<hbm>>
      tpu.enqueue_dma source(%dma_start3A_550 : memref<512xi32, #tpu.memory_space<hbm>>) target(%arg5 : memref<512xi32, #tpu.memory_space<vmem>>) target_semaphore(%run_scoped3A_546 : memref<!tpu.dma_semaphore, #tpu.memory_space<semaphore_mem>>)
      %dma_wait3A_551 = tpu.memref_slice %arg2[%run_scoped3A_71, %mul3A_2] : memref<26x16384xi32, #tpu.memory_space<hbm>> -> memref<1x512xi32, #tpu.memory_space<hbm>>
      %dma_wait3A_552 = tpu.memref_squeeze %dma_wait3A_551 : memref<1x512xi32, #tpu.memory_space<hbm>> -> memref<512xi32, #tpu.memory_space<hbm>>
      %dma_wait3A_553 = tpu.memref_slice %arg2[%run_scoped3A_71, %mul3A_2] : memref<26x16384xi32, #tpu.memory_space<hbm>> -> memref<1x512xi32, #tpu.memory_space<hbm>>
      %dma_wait3A_554 = tpu.memref_squeeze %dma_wait3A_553 : memref<1x512xi32, #tpu.memory_space<hbm>> -> memref<512xi32, #tpu.memory_space<hbm>>
      tpu.wait_dma2 semaphore(%run_scoped3A_546 : memref<!tpu.dma_semaphore, #tpu.memory_space<semaphore_mem>>) src(%dma_wait3A_554 : memref<512xi32, #tpu.memory_space<hbm>>) dst(%arg5 : memref<512xi32, #tpu.memory_space<vmem>>)
      tpu.yield
    }) : () -> ()
    %dma_start3A_72 = arith.constant 0 : i32
    %dma_start3A_73 = arith.constant 0 : i32
    %dma_start3A_74 = tpu.memref_slice %arg3[%dma_start3A_72, %dma_start3A_73] : memref<1000000x32xf32, #tpu.memory_space<hbm>> -> memref<1000000x32xf32, #tpu.memory_space<hbm>>
    tpu.enqueue_indirect_dma source(%dma_start3A_74 : memref<1000000x32xf32, #tpu.memory_space<hbm>>) target(%arg11 : memref<512x32xf32, #tpu.memory_space<vmem>>) offsets(%arg5 : memref<512xi32, #tpu.memory_space<vmem>>) semaphore(%arg17 : memref<!tpu.dma_semaphore, #tpu.memory_space<semaphore_mem>>)
    %dma_wait3A_75 = arith.constant 0 : i32
    %dma_wait3A_76 = arith.constant 0 : i32
    %dma_wait3A_77 = tpu.memref_slice %arg3[%dma_wait3A_75, %dma_wait3A_76] : memref<1000000x32xf32, #tpu.memory_space<hbm>> -> memref<1000000x32xf32, #tpu.memory_space<hbm>>
    tpu.wait_indirect_dma semaphore(%arg21 : memref<!tpu.dma_semaphore, #tpu.memory_space<semaphore_mem>>) src(%dma_wait3A_77 : memref<1000000x32xf32, #tpu.memory_space<hbm>>) dst(%arg15 : memref<512x32xf32, #tpu.memory_space<vmem>>)
    %dma_start3A_78 = arith.constant 4 : i32
    %dma_start3A_79 = arith.constant 0 : i32
    %dma_start3A_80 = tpu.memref_slice %arg4[%mul3A_2, %dma_start3A_78, %dma_start3A_79] : memref<16384x26x32xf32, #tpu.memory_space<hbm>> -> memref<512x1x32xf32, #tpu.memory_space<hbm>>
    %dma_start3A_81 = tpu.memref_squeeze %dma_start3A_80 : memref<512x1x32xf32, #tpu.memory_space<hbm>> -> memref<512x32xf32, #tpu.memory_space<hbm>>
    %dma_start3A_82 = arith.constant 0 : i32
    %dma_start3A_83 = tpu.memref_slice %arg4[%mul3A_2, %dma_start3A_78, %dma_start3A_82] : memref<16384x26x32xf32, #tpu.memory_space<hbm>> -> memref<512x1x32xf32, #tpu.memory_space<hbm>>
    %dma_start3A_84 = tpu.memref_squeeze %dma_start3A_83 : memref<512x1x32xf32, #tpu.memory_space<hbm>> -> memref<512x32xf32, #tpu.memory_space<hbm>>
    tpu.enqueue_dma source(%arg15 : memref<512x32xf32, #tpu.memory_space<vmem>>) target(%dma_start3A_84 : memref<512x32xf32, #tpu.memory_space<hbm>>) target_semaphore(%arg27 : memref<!tpu.dma_semaphore, #tpu.memory_space<semaphore_mem>>)
    %dma_wait3A_85 = arith.constant 1 : i32
    %dma_wait3A_86 = arith.constant 0 : i32
    %dma_wait3A_87 = tpu.memref_slice %arg4[%mul3A_2, %dma_wait3A_85, %dma_wait3A_86] : memref<16384x26x32xf32, #tpu.memory_space<hbm>> -> memref<512x1x32xf32, #tpu.memory_space<hbm>>
    %dma_wait3A_88 = tpu.memref_squeeze %dma_wait3A_87 : memref<512x1x32xf32, #tpu.memory_space<hbm>> -> memref<512x32xf32, #tpu.memory_space<hbm>>
    %dma_wait3A_89 = arith.constant 0 : i32
    %dma_wait3A_90 = tpu.memref_slice %arg4[%mul3A_2, %dma_wait3A_85, %dma_wait3A_89] : memref<16384x26x32xf32, #tpu.memory_space<hbm>> -> memref<512x1x32xf32, #tpu.memory_space<hbm>>
    %dma_wait3A_91 = tpu.memref_squeeze %dma_wait3A_90 : memref<512x1x32xf32, #tpu.memory_space<hbm>> -> memref<512x32xf32, #tpu.memory_space<hbm>>
    tpu.wait_dma2 semaphore(%arg24 : memref<!tpu.dma_semaphore, #tpu.memory_space<semaphore_mem>>) src(%arg12 : memref<512x32xf32, #tpu.memory_space<vmem>>) dst(%dma_wait3A_91 : memref<512x32xf32, #tpu.memory_space<hbm>>)
    %run_scoped3A_92 = arith.constant 7 : i32
    "tpu.region"() ({
      %run_scoped3A_546 = tpu.sem_alloc : memref<!tpu.dma_semaphore, #tpu.memory_space<semaphore_mem>>
      %dma_start3A_547 = tpu.memref_slice %arg2[%run_scoped3A_92, %mul3A_2] : memref<26x16384xi32, #tpu.memory_space<hbm>> -> memref<1x512xi32, #tpu.memory_space<hbm>>
      %dma_start3A_548 = tpu.memref_squeeze %dma_start3A_547 : memref<1x512xi32, #tpu.memory_space<hbm>> -> memref<512xi32, #tpu.memory_space<hbm>>
      %dma_start3A_549 = tpu.memref_slice %arg2[%run_scoped3A_92, %mul3A_2] : memref<26x16384xi32, #tpu.memory_space<hbm>> -> memref<1x512xi32, #tpu.memory_space<hbm>>
      %dma_start3A_550 = tpu.memref_squeeze %dma_start3A_549 : memref<1x512xi32, #tpu.memory_space<hbm>> -> memref<512xi32, #tpu.memory_space<hbm>>
      tpu.enqueue_dma source(%dma_start3A_550 : memref<512xi32, #tpu.memory_space<hbm>>) target(%arg6 : memref<512xi32, #tpu.memory_space<vmem>>) target_semaphore(%run_scoped3A_546 : memref<!tpu.dma_semaphore, #tpu.memory_space<semaphore_mem>>)
      %dma_wait3A_551 = tpu.memref_slice %arg2[%run_scoped3A_92, %mul3A_2] : memref<26x16384xi32, #tpu.memory_space<hbm>> -> memref<1x512xi32, #tpu.memory_space<hbm>>
      %dma_wait3A_552 = tpu.memref_squeeze %dma_wait3A_551 : memref<1x512xi32, #tpu.memory_space<hbm>> -> memref<512xi32, #tpu.memory_space<hbm>>
      %dma_wait3A_553 = tpu.memref_slice %arg2[%run_scoped3A_92, %mul3A_2] : memref<26x16384xi32, #tpu.memory_space<hbm>> -> memref<1x512xi32, #tpu.memory_space<hbm>>
      %dma_wait3A_554 = tpu.memref_squeeze %dma_wait3A_553 : memref<1x512xi32, #tpu.memory_space<hbm>> -> memref<512xi32, #tpu.memory_space<hbm>>
      tpu.wait_dma2 semaphore(%run_scoped3A_546 : memref<!tpu.dma_semaphore, #tpu.memory_space<semaphore_mem>>) src(%dma_wait3A_554 : memref<512xi32, #tpu.memory_space<hbm>>) dst(%arg6 : memref<512xi32, #tpu.memory_space<vmem>>)
      tpu.yield
    }) : () -> ()
    %dma_start3A_93 = arith.constant 0 : i32
    %dma_start3A_94 = arith.constant 0 : i32
    %dma_start3A_95 = tpu.memref_slice %arg3[%dma_start3A_93, %dma_start3A_94] : memref<1000000x32xf32, #tpu.memory_space<hbm>> -> memref<1000000x32xf32, #tpu.memory_space<hbm>>
    tpu.enqueue_indirect_dma source(%dma_start3A_95 : memref<1000000x32xf32, #tpu.memory_space<hbm>>) target(%arg12 : memref<512x32xf32, #tpu.memory_space<vmem>>) offsets(%arg6 : memref<512xi32, #tpu.memory_space<vmem>>) semaphore(%arg18 : memref<!tpu.dma_semaphore, #tpu.memory_space<semaphore_mem>>)
    %dma_wait3A_96 = arith.constant 0 : i32
    %dma_wait3A_97 = arith.constant 0 : i32
    %dma_wait3A_98 = tpu.memref_slice %arg3[%dma_wait3A_96, %dma_wait3A_97] : memref<1000000x32xf32, #tpu.memory_space<hbm>> -> memref<1000000x32xf32, #tpu.memory_space<hbm>>
    tpu.wait_indirect_dma semaphore(%arg22 : memref<!tpu.dma_semaphore, #tpu.memory_space<semaphore_mem>>) src(%dma_wait3A_98 : memref<1000000x32xf32, #tpu.memory_space<hbm>>) dst(%arg16 : memref<512x32xf32, #tpu.memory_space<vmem>>)
    %dma_start3A_99 = arith.constant 5 : i32
    %dma_start3A_100 = arith.constant 0 : i32
    %dma_start3A_101 = tpu.memref_slice %arg4[%mul3A_2, %dma_start3A_99, %dma_start3A_100] : memref<16384x26x32xf32, #tpu.memory_space<hbm>> -> memref<512x1x32xf32, #tpu.memory_space<hbm>>
    %dma_start3A_102 = tpu.memref_squeeze %dma_start3A_101 : memref<512x1x32xf32, #tpu.memory_space<hbm>> -> memref<512x32xf32, #tpu.memory_space<hbm>>
    %dma_start3A_103 = arith.constant 0 : i32
    %dma_start3A_104 = tpu.memref_slice %arg4[%mul3A_2, %dma_start3A_99, %dma_start3A_103] : memref<16384x26x32xf32, #tpu.memory_space<hbm>> -> memref<512x1x32xf32, #tpu.memory_space<hbm>>
    %dma_start3A_105 = tpu.memref_squeeze %dma_start3A_104 : memref<512x1x32xf32, #tpu.memory_space<hbm>> -> memref<512x32xf32, #tpu.memory_space<hbm>>
    tpu.enqueue_dma source(%arg16 : memref<512x32xf32, #tpu.memory_space<vmem>>) target(%dma_start3A_105 : memref<512x32xf32, #tpu.memory_space<hbm>>) target_semaphore(%arg28 : memref<!tpu.dma_semaphore, #tpu.memory_space<semaphore_mem>>)
    %dma_wait3A_106 = arith.constant 2 : i32
    %dma_wait3A_107 = arith.constant 0 : i32
    %dma_wait3A_108 = tpu.memref_slice %arg4[%mul3A_2, %dma_wait3A_106, %dma_wait3A_107] : memref<16384x26x32xf32, #tpu.memory_space<hbm>> -> memref<512x1x32xf32, #tpu.memory_space<hbm>>
    %dma_wait3A_109 = tpu.memref_squeeze %dma_wait3A_108 : memref<512x1x32xf32, #tpu.memory_space<hbm>> -> memref<512x32xf32, #tpu.memory_space<hbm>>
    %dma_wait3A_110 = arith.constant 0 : i32
    %dma_wait3A_111 = tpu.memref_slice %arg4[%mul3A_2, %dma_wait3A_106, %dma_wait3A_110] : memref<16384x26x32xf32, #tpu.memory_space<hbm>> -> memref<512x1x32xf32, #tpu.memory_space<hbm>>
    %dma_wait3A_112 = tpu.memref_squeeze %dma_wait3A_111 : memref<512x1x32xf32, #tpu.memory_space<hbm>> -> memref<512x32xf32, #tpu.memory_space<hbm>>
    tpu.wait_dma2 semaphore(%arg25 : memref<!tpu.dma_semaphore, #tpu.memory_space<semaphore_mem>>) src(%arg13 : memref<512x32xf32, #tpu.memory_space<vmem>>) dst(%dma_wait3A_112 : memref<512x32xf32, #tpu.memory_space<hbm>>)
    %run_scoped3A_113 = arith.constant 8 : i32
    "tpu.region"() ({
      %run_scoped3A_546 = tpu.sem_alloc : memref<!tpu.dma_semaphore, #tpu.memory_space<semaphore_mem>>
      %dma_start3A_547 = tpu.memref_slice %arg2[%run_scoped3A_113, %mul3A_2] : memref<26x16384xi32, #tpu.memory_space<hbm>> -> memref<1x512xi32, #tpu.memory_space<hbm>>
      %dma_start3A_548 = tpu.memref_squeeze %dma_start3A_547 : memref<1x512xi32, #tpu.memory_space<hbm>> -> memref<512xi32, #tpu.memory_space<hbm>>
      %dma_start3A_549 = tpu.memref_slice %arg2[%run_scoped3A_113, %mul3A_2] : memref<26x16384xi32, #tpu.memory_space<hbm>> -> memref<1x512xi32, #tpu.memory_space<hbm>>
      %dma_start3A_550 = tpu.memref_squeeze %dma_start3A_549 : memref<1x512xi32, #tpu.memory_space<hbm>> -> memref<512xi32, #tpu.memory_space<hbm>>
      tpu.enqueue_dma source(%dma_start3A_550 : memref<512xi32, #tpu.memory_space<hbm>>) target(%arg7 : memref<512xi32, #tpu.memory_space<vmem>>) target_semaphore(%run_scoped3A_546 : memref<!tpu.dma_semaphore, #tpu.memory_space<semaphore_mem>>)
      %dma_wait3A_551 = tpu.memref_slice %arg2[%run_scoped3A_113, %mul3A_2] : memref<26x16384xi32, #tpu.memory_space<hbm>> -> memref<1x512xi32, #tpu.memory_space<hbm>>
      %dma_wait3A_552 = tpu.memref_squeeze %dma_wait3A_551 : memref<1x512xi32, #tpu.memory_space<hbm>> -> memref<512xi32, #tpu.memory_space<hbm>>
      %dma_wait3A_553 = tpu.memref_slice %arg2[%run_scoped3A_113, %mul3A_2] : memref<26x16384xi32, #tpu.memory_space<hbm>> -> memref<1x512xi32, #tpu.memory_space<hbm>>
      %dma_wait3A_554 = tpu.memref_squeeze %dma_wait3A_553 : memref<1x512xi32, #tpu.memory_space<hbm>> -> memref<512xi32, #tpu.memory_space<hbm>>
      tpu.wait_dma2 semaphore(%run_scoped3A_546 : memref<!tpu.dma_semaphore, #tpu.memory_space<semaphore_mem>>) src(%dma_wait3A_554 : memref<512xi32, #tpu.memory_space<hbm>>) dst(%arg7 : memref<512xi32, #tpu.memory_space<vmem>>)
      tpu.yield
    }) : () -> ()
    %dma_start3A_114 = arith.constant 0 : i32
    %dma_start3A_115 = arith.constant 0 : i32
    %dma_start3A_116 = tpu.memref_slice %arg3[%dma_start3A_114, %dma_start3A_115] : memref<1000000x32xf32, #tpu.memory_space<hbm>> -> memref<1000000x32xf32, #tpu.memory_space<hbm>>
    tpu.enqueue_indirect_dma source(%dma_start3A_116 : memref<1000000x32xf32, #tpu.memory_space<hbm>>) target(%arg13 : memref<512x32xf32, #tpu.memory_space<vmem>>) offsets(%arg7 : memref<512xi32, #tpu.memory_space<vmem>>) semaphore(%arg19 : memref<!tpu.dma_semaphore, #tpu.memory_space<semaphore_mem>>)
    %dma_wait3A_117 = arith.constant 0 : i32
    %dma_wait3A_118 = arith.constant 0 : i32
    %dma_wait3A_119 = tpu.memref_slice %arg3[%dma_wait3A_117, %dma_wait3A_118] : memref<1000000x32xf32, #tpu.memory_space<hbm>> -> memref<1000000x32xf32, #tpu.memory_space<hbm>>
    tpu.wait_indirect_dma semaphore(%arg17 : memref<!tpu.dma_semaphore, #tpu.memory_space<semaphore_mem>>) src(%dma_wait3A_119 : memref<1000000x32xf32, #tpu.memory_space<hbm>>) dst(%arg11 : memref<512x32xf32, #tpu.memory_space<vmem>>)
    %dma_start3A_120 = arith.constant 6 : i32
    %dma_start3A_121 = arith.constant 0 : i32
    %dma_start3A_122 = tpu.memref_slice %arg4[%mul3A_2, %dma_start3A_120, %dma_start3A_121] : memref<16384x26x32xf32, #tpu.memory_space<hbm>> -> memref<512x1x32xf32, #tpu.memory_space<hbm>>
    %dma_start3A_123 = tpu.memref_squeeze %dma_start3A_122 : memref<512x1x32xf32, #tpu.memory_space<hbm>> -> memref<512x32xf32, #tpu.memory_space<hbm>>
    %dma_start3A_124 = arith.constant 0 : i32
    %dma_start3A_125 = tpu.memref_slice %arg4[%mul3A_2, %dma_start3A_120, %dma_start3A_124] : memref<16384x26x32xf32, #tpu.memory_space<hbm>> -> memref<512x1x32xf32, #tpu.memory_space<hbm>>
    %dma_start3A_126 = tpu.memref_squeeze %dma_start3A_125 : memref<512x1x32xf32, #tpu.memory_space<hbm>> -> memref<512x32xf32, #tpu.memory_space<hbm>>
    tpu.enqueue_dma source(%arg11 : memref<512x32xf32, #tpu.memory_space<vmem>>) target(%dma_start3A_126 : memref<512x32xf32, #tpu.memory_space<hbm>>) target_semaphore(%arg23 : memref<!tpu.dma_semaphore, #tpu.memory_space<semaphore_mem>>)
    %dma_wait3A_127 = arith.constant 3 : i32
    %dma_wait3A_128 = arith.constant 0 : i32
    %dma_wait3A_129 = tpu.memref_slice %arg4[%mul3A_2, %dma_wait3A_127, %dma_wait3A_128] : memref<16384x26x32xf32, #tpu.memory_space<hbm>> -> memref<512x1x32xf32, #tpu.memory_space<hbm>>
    %dma_wait3A_130 = tpu.memref_squeeze %dma_wait3A_129 : memref<512x1x32xf32, #tpu.memory_space<hbm>> -> memref<512x32xf32, #tpu.memory_space<hbm>>
    %dma_wait3A_131 = arith.constant 0 : i32
    %dma_wait3A_132 = tpu.memref_slice %arg4[%mul3A_2, %dma_wait3A_127, %dma_wait3A_131] : memref<16384x26x32xf32, #tpu.memory_space<hbm>> -> memref<512x1x32xf32, #tpu.memory_space<hbm>>
    %dma_wait3A_133 = tpu.memref_squeeze %dma_wait3A_132 : memref<512x1x32xf32, #tpu.memory_space<hbm>> -> memref<512x32xf32, #tpu.memory_space<hbm>>
    tpu.wait_dma2 semaphore(%arg26 : memref<!tpu.dma_semaphore, #tpu.memory_space<semaphore_mem>>) src(%arg14 : memref<512x32xf32, #tpu.memory_space<vmem>>) dst(%dma_wait3A_133 : memref<512x32xf32, #tpu.memory_space<hbm>>)
    %run_scoped3A_134 = arith.constant 9 : i32
    "tpu.region"() ({
      %run_scoped3A_546 = tpu.sem_alloc : memref<!tpu.dma_semaphore, #tpu.memory_space<semaphore_mem>>
      %dma_start3A_547 = tpu.memref_slice %arg2[%run_scoped3A_134, %mul3A_2] : memref<26x16384xi32, #tpu.memory_space<hbm>> -> memref<1x512xi32, #tpu.memory_space<hbm>>
      %dma_start3A_548 = tpu.memref_squeeze %dma_start3A_547 : memref<1x512xi32, #tpu.memory_space<hbm>> -> memref<512xi32, #tpu.memory_space<hbm>>
      %dma_start3A_549 = tpu.memref_slice %arg2[%run_scoped3A_134, %mul3A_2] : memref<26x16384xi32, #tpu.memory_space<hbm>> -> memref<1x512xi32, #tpu.memory_space<hbm>>
      %dma_start3A_550 = tpu.memref_squeeze %dma_start3A_549 : memref<1x512xi32, #tpu.memory_space<hbm>> -> memref<512xi32, #tpu.memory_space<hbm>>
      tpu.enqueue_dma source(%dma_start3A_550 : memref<512xi32, #tpu.memory_space<hbm>>) target(%arg8 : memref<512xi32, #tpu.memory_space<vmem>>) target_semaphore(%run_scoped3A_546 : memref<!tpu.dma_semaphore, #tpu.memory_space<semaphore_mem>>)
      %dma_wait3A_551 = tpu.memref_slice %arg2[%run_scoped3A_134, %mul3A_2] : memref<26x16384xi32, #tpu.memory_space<hbm>> -> memref<1x512xi32, #tpu.memory_space<hbm>>
      %dma_wait3A_552 = tpu.memref_squeeze %dma_wait3A_551 : memref<1x512xi32, #tpu.memory_space<hbm>> -> memref<512xi32, #tpu.memory_space<hbm>>
      %dma_wait3A_553 = tpu.memref_slice %arg2[%run_scoped3A_134, %mul3A_2] : memref<26x16384xi32, #tpu.memory_space<hbm>> -> memref<1x512xi32, #tpu.memory_space<hbm>>
      %dma_wait3A_554 = tpu.memref_squeeze %dma_wait3A_553 : memref<1x512xi32, #tpu.memory_space<hbm>> -> memref<512xi32, #tpu.memory_space<hbm>>
      tpu.wait_dma2 semaphore(%run_scoped3A_546 : memref<!tpu.dma_semaphore, #tpu.memory_space<semaphore_mem>>) src(%dma_wait3A_554 : memref<512xi32, #tpu.memory_space<hbm>>) dst(%arg8 : memref<512xi32, #tpu.memory_space<vmem>>)
      tpu.yield
    }) : () -> ()
    %dma_start3A_135 = arith.constant 0 : i32
    %dma_start3A_136 = arith.constant 0 : i32
    %dma_start3A_137 = tpu.memref_slice %arg3[%dma_start3A_135, %dma_start3A_136] : memref<1000000x32xf32, #tpu.memory_space<hbm>> -> memref<1000000x32xf32, #tpu.memory_space<hbm>>
    tpu.enqueue_indirect_dma source(%dma_start3A_137 : memref<1000000x32xf32, #tpu.memory_space<hbm>>) target(%arg14 : memref<512x32xf32, #tpu.memory_space<vmem>>) offsets(%arg8 : memref<512xi32, #tpu.memory_space<vmem>>) semaphore(%arg20 : memref<!tpu.dma_semaphore, #tpu.memory_space<semaphore_mem>>)
    %dma_wait3A_138 = arith.constant 0 : i32
    %dma_wait3A_139 = arith.constant 0 : i32
    %dma_wait3A_140 = tpu.memref_slice %arg3[%dma_wait3A_138, %dma_wait3A_139] : memref<1000000x32xf32, #tpu.memory_space<hbm>> -> memref<1000000x32xf32, #tpu.memory_space<hbm>>
    tpu.wait_indirect_dma semaphore(%arg18 : memref<!tpu.dma_semaphore, #tpu.memory_space<semaphore_mem>>) src(%dma_wait3A_140 : memref<1000000x32xf32, #tpu.memory_space<hbm>>) dst(%arg12 : memref<512x32xf32, #tpu.memory_space<vmem>>)
    %dma_start3A_141 = arith.constant 7 : i32
    %dma_start3A_142 = arith.constant 0 : i32
    %dma_start3A_143 = tpu.memref_slice %arg4[%mul3A_2, %dma_start3A_141, %dma_start3A_142] : memref<16384x26x32xf32, #tpu.memory_space<hbm>> -> memref<512x1x32xf32, #tpu.memory_space<hbm>>
    %dma_start3A_144 = tpu.memref_squeeze %dma_start3A_143 : memref<512x1x32xf32, #tpu.memory_space<hbm>> -> memref<512x32xf32, #tpu.memory_space<hbm>>
    %dma_start3A_145 = arith.constant 0 : i32
    %dma_start3A_146 = tpu.memref_slice %arg4[%mul3A_2, %dma_start3A_141, %dma_start3A_145] : memref<16384x26x32xf32, #tpu.memory_space<hbm>> -> memref<512x1x32xf32, #tpu.memory_space<hbm>>
    %dma_start3A_147 = tpu.memref_squeeze %dma_start3A_146 : memref<512x1x32xf32, #tpu.memory_space<hbm>> -> memref<512x32xf32, #tpu.memory_space<hbm>>
    tpu.enqueue_dma source(%arg12 : memref<512x32xf32, #tpu.memory_space<vmem>>) target(%dma_start3A_147 : memref<512x32xf32, #tpu.memory_space<hbm>>) target_semaphore(%arg24 : memref<!tpu.dma_semaphore, #tpu.memory_space<semaphore_mem>>)
    %dma_wait3A_148 = arith.constant 4 : i32
    %dma_wait3A_149 = arith.constant 0 : i32
    %dma_wait3A_150 = tpu.memref_slice %arg4[%mul3A_2, %dma_wait3A_148, %dma_wait3A_149] : memref<16384x26x32xf32, #tpu.memory_space<hbm>> -> memref<512x1x32xf32, #tpu.memory_space<hbm>>
    %dma_wait3A_151 = tpu.memref_squeeze %dma_wait3A_150 : memref<512x1x32xf32, #tpu.memory_space<hbm>> -> memref<512x32xf32, #tpu.memory_space<hbm>>
    %dma_wait3A_152 = arith.constant 0 : i32
    %dma_wait3A_153 = tpu.memref_slice %arg4[%mul3A_2, %dma_wait3A_148, %dma_wait3A_152] : memref<16384x26x32xf32, #tpu.memory_space<hbm>> -> memref<512x1x32xf32, #tpu.memory_space<hbm>>
    %dma_wait3A_154 = tpu.memref_squeeze %dma_wait3A_153 : memref<512x1x32xf32, #tpu.memory_space<hbm>> -> memref<512x32xf32, #tpu.memory_space<hbm>>
    tpu.wait_dma2 semaphore(%arg27 : memref<!tpu.dma_semaphore, #tpu.memory_space<semaphore_mem>>) src(%arg15 : memref<512x32xf32, #tpu.memory_space<vmem>>) dst(%dma_wait3A_154 : memref<512x32xf32, #tpu.memory_space<hbm>>)
    %run_scoped3A_155 = arith.constant 10 : i32
    "tpu.region"() ({
      %run_scoped3A_546 = tpu.sem_alloc : memref<!tpu.dma_semaphore, #tpu.memory_space<semaphore_mem>>
      %dma_start3A_547 = tpu.memref_slice %arg2[%run_scoped3A_155, %mul3A_2] : memref<26x16384xi32, #tpu.memory_space<hbm>> -> memref<1x512xi32, #tpu.memory_space<hbm>>
      %dma_start3A_548 = tpu.memref_squeeze %dma_start3A_547 : memref<1x512xi32, #tpu.memory_space<hbm>> -> memref<512xi32, #tpu.memory_space<hbm>>
      %dma_start3A_549 = tpu.memref_slice %arg2[%run_scoped3A_155, %mul3A_2] : memref<26x16384xi32, #tpu.memory_space<hbm>> -> memref<1x512xi32, #tpu.memory_space<hbm>>
      %dma_start3A_550 = tpu.memref_squeeze %dma_start3A_549 : memref<1x512xi32, #tpu.memory_space<hbm>> -> memref<512xi32, #tpu.memory_space<hbm>>
      tpu.enqueue_dma source(%dma_start3A_550 : memref<512xi32, #tpu.memory_space<hbm>>) target(%arg9 : memref<512xi32, #tpu.memory_space<vmem>>) target_semaphore(%run_scoped3A_546 : memref<!tpu.dma_semaphore, #tpu.memory_space<semaphore_mem>>)
      %dma_wait3A_551 = tpu.memref_slice %arg2[%run_scoped3A_155, %mul3A_2] : memref<26x16384xi32, #tpu.memory_space<hbm>> -> memref<1x512xi32, #tpu.memory_space<hbm>>
      %dma_wait3A_552 = tpu.memref_squeeze %dma_wait3A_551 : memref<1x512xi32, #tpu.memory_space<hbm>> -> memref<512xi32, #tpu.memory_space<hbm>>
      %dma_wait3A_553 = tpu.memref_slice %arg2[%run_scoped3A_155, %mul3A_2] : memref<26x16384xi32, #tpu.memory_space<hbm>> -> memref<1x512xi32, #tpu.memory_space<hbm>>
      %dma_wait3A_554 = tpu.memref_squeeze %dma_wait3A_553 : memref<1x512xi32, #tpu.memory_space<hbm>> -> memref<512xi32, #tpu.memory_space<hbm>>
      tpu.wait_dma2 semaphore(%run_scoped3A_546 : memref<!tpu.dma_semaphore, #tpu.memory_space<semaphore_mem>>) src(%dma_wait3A_554 : memref<512xi32, #tpu.memory_space<hbm>>) dst(%arg9 : memref<512xi32, #tpu.memory_space<vmem>>)
      tpu.yield
    }) : () -> ()
    %dma_start3A_156 = arith.constant 0 : i32
    %dma_start3A_157 = arith.constant 0 : i32
    %dma_start3A_158 = tpu.memref_slice %arg3[%dma_start3A_156, %dma_start3A_157] : memref<1000000x32xf32, #tpu.memory_space<hbm>> -> memref<1000000x32xf32, #tpu.memory_space<hbm>>
    tpu.enqueue_indirect_dma source(%dma_start3A_158 : memref<1000000x32xf32, #tpu.memory_space<hbm>>) target(%arg15 : memref<512x32xf32, #tpu.memory_space<vmem>>) offsets(%arg9 : memref<512xi32, #tpu.memory_space<vmem>>) semaphore(%arg21 : memref<!tpu.dma_semaphore, #tpu.memory_space<semaphore_mem>>)
    %dma_wait3A_159 = arith.constant 0 : i32
    %dma_wait3A_160 = arith.constant 0 : i32
    %dma_wait3A_161 = tpu.memref_slice %arg3[%dma_wait3A_159, %dma_wait3A_160] : memref<1000000x32xf32, #tpu.memory_space<hbm>> -> memref<1000000x32xf32, #tpu.memory_space<hbm>>
    tpu.wait_indirect_dma semaphore(%arg19 : memref<!tpu.dma_semaphore, #tpu.memory_space<semaphore_mem>>) src(%dma_wait3A_161 : memref<1000000x32xf32, #tpu.memory_space<hbm>>) dst(%arg13 : memref<512x32xf32, #tpu.memory_space<vmem>>)
    %dma_start3A_162 = arith.constant 8 : i32
    %dma_start3A_163 = arith.constant 0 : i32
    %dma_start3A_164 = tpu.memref_slice %arg4[%mul3A_2, %dma_start3A_162, %dma_start3A_163] : memref<16384x26x32xf32, #tpu.memory_space<hbm>> -> memref<512x1x32xf32, #tpu.memory_space<hbm>>
    %dma_start3A_165 = tpu.memref_squeeze %dma_start3A_164 : memref<512x1x32xf32, #tpu.memory_space<hbm>> -> memref<512x32xf32, #tpu.memory_space<hbm>>
    %dma_start3A_166 = arith.constant 0 : i32
    %dma_start3A_167 = tpu.memref_slice %arg4[%mul3A_2, %dma_start3A_162, %dma_start3A_166] : memref<16384x26x32xf32, #tpu.memory_space<hbm>> -> memref<512x1x32xf32, #tpu.memory_space<hbm>>
    %dma_start3A_168 = tpu.memref_squeeze %dma_start3A_167 : memref<512x1x32xf32, #tpu.memory_space<hbm>> -> memref<512x32xf32, #tpu.memory_space<hbm>>
    tpu.enqueue_dma source(%arg13 : memref<512x32xf32, #tpu.memory_space<vmem>>) target(%dma_start3A_168 : memref<512x32xf32, #tpu.memory_space<hbm>>) target_semaphore(%arg25 : memref<!tpu.dma_semaphore, #tpu.memory_space<semaphore_mem>>)
    %dma_wait3A_169 = arith.constant 5 : i32
    %dma_wait3A_170 = arith.constant 0 : i32
    %dma_wait3A_171 = tpu.memref_slice %arg4[%mul3A_2, %dma_wait3A_169, %dma_wait3A_170] : memref<16384x26x32xf32, #tpu.memory_space<hbm>> -> memref<512x1x32xf32, #tpu.memory_space<hbm>>
    %dma_wait3A_172 = tpu.memref_squeeze %dma_wait3A_171 : memref<512x1x32xf32, #tpu.memory_space<hbm>> -> memref<512x32xf32, #tpu.memory_space<hbm>>
    %dma_wait3A_173 = arith.constant 0 : i32
    %dma_wait3A_174 = tpu.memref_slice %arg4[%mul3A_2, %dma_wait3A_169, %dma_wait3A_173] : memref<16384x26x32xf32, #tpu.memory_space<hbm>> -> memref<512x1x32xf32, #tpu.memory_space<hbm>>
    %dma_wait3A_175 = tpu.memref_squeeze %dma_wait3A_174 : memref<512x1x32xf32, #tpu.memory_space<hbm>> -> memref<512x32xf32, #tpu.memory_space<hbm>>
    tpu.wait_dma2 semaphore(%arg28 : memref<!tpu.dma_semaphore, #tpu.memory_space<semaphore_mem>>) src(%arg16 : memref<512x32xf32, #tpu.memory_space<vmem>>) dst(%dma_wait3A_175 : memref<512x32xf32, #tpu.memory_space<hbm>>)
    %run_scoped3A_176 = arith.constant 11 : i32
    "tpu.region"() ({
      %run_scoped3A_546 = tpu.sem_alloc : memref<!tpu.dma_semaphore, #tpu.memory_space<semaphore_mem>>
      %dma_start3A_547 = tpu.memref_slice %arg2[%run_scoped3A_176, %mul3A_2] : memref<26x16384xi32, #tpu.memory_space<hbm>> -> memref<1x512xi32, #tpu.memory_space<hbm>>
      %dma_start3A_548 = tpu.memref_squeeze %dma_start3A_547 : memref<1x512xi32, #tpu.memory_space<hbm>> -> memref<512xi32, #tpu.memory_space<hbm>>
      %dma_start3A_549 = tpu.memref_slice %arg2[%run_scoped3A_176, %mul3A_2] : memref<26x16384xi32, #tpu.memory_space<hbm>> -> memref<1x512xi32, #tpu.memory_space<hbm>>
      %dma_start3A_550 = tpu.memref_squeeze %dma_start3A_549 : memref<1x512xi32, #tpu.memory_space<hbm>> -> memref<512xi32, #tpu.memory_space<hbm>>
      tpu.enqueue_dma source(%dma_start3A_550 : memref<512xi32, #tpu.memory_space<hbm>>) target(%arg10 : memref<512xi32, #tpu.memory_space<vmem>>) target_semaphore(%run_scoped3A_546 : memref<!tpu.dma_semaphore, #tpu.memory_space<semaphore_mem>>)
      %dma_wait3A_551 = tpu.memref_slice %arg2[%run_scoped3A_176, %mul3A_2] : memref<26x16384xi32, #tpu.memory_space<hbm>> -> memref<1x512xi32, #tpu.memory_space<hbm>>
      %dma_wait3A_552 = tpu.memref_squeeze %dma_wait3A_551 : memref<1x512xi32, #tpu.memory_space<hbm>> -> memref<512xi32, #tpu.memory_space<hbm>>
      %dma_wait3A_553 = tpu.memref_slice %arg2[%run_scoped3A_176, %mul3A_2] : memref<26x16384xi32, #tpu.memory_space<hbm>> -> memref<1x512xi32, #tpu.memory_space<hbm>>
      %dma_wait3A_554 = tpu.memref_squeeze %dma_wait3A_553 : memref<1x512xi32, #tpu.memory_space<hbm>> -> memref<512xi32, #tpu.memory_space<hbm>>
      tpu.wait_dma2 semaphore(%run_scoped3A_546 : memref<!tpu.dma_semaphore, #tpu.memory_space<semaphore_mem>>) src(%dma_wait3A_554 : memref<512xi32, #tpu.memory_space<hbm>>) dst(%arg10 : memref<512xi32, #tpu.memory_space<vmem>>)
      tpu.yield
    }) : () -> ()
    %dma_start3A_177 = arith.constant 0 : i32
    %dma_start3A_178 = arith.constant 0 : i32
    %dma_start3A_179 = tpu.memref_slice %arg3[%dma_start3A_177, %dma_start3A_178] : memref<1000000x32xf32, #tpu.memory_space<hbm>> -> memref<1000000x32xf32, #tpu.memory_space<hbm>>
    tpu.enqueue_indirect_dma source(%dma_start3A_179 : memref<1000000x32xf32, #tpu.memory_space<hbm>>) target(%arg16 : memref<512x32xf32, #tpu.memory_space<vmem>>) offsets(%arg10 : memref<512xi32, #tpu.memory_space<vmem>>) semaphore(%arg22 : memref<!tpu.dma_semaphore, #tpu.memory_space<semaphore_mem>>)
    %dma_wait3A_180 = arith.constant 0 : i32
    %dma_wait3A_181 = arith.constant 0 : i32
    %dma_wait3A_182 = tpu.memref_slice %arg3[%dma_wait3A_180, %dma_wait3A_181] : memref<1000000x32xf32, #tpu.memory_space<hbm>> -> memref<1000000x32xf32, #tpu.memory_space<hbm>>
    tpu.wait_indirect_dma semaphore(%arg20 : memref<!tpu.dma_semaphore, #tpu.memory_space<semaphore_mem>>) src(%dma_wait3A_182 : memref<1000000x32xf32, #tpu.memory_space<hbm>>) dst(%arg14 : memref<512x32xf32, #tpu.memory_space<vmem>>)
    %dma_start3A_183 = arith.constant 9 : i32
    %dma_start3A_184 = arith.constant 0 : i32
    %dma_start3A_185 = tpu.memref_slice %arg4[%mul3A_2, %dma_start3A_183, %dma_start3A_184] : memref<16384x26x32xf32, #tpu.memory_space<hbm>> -> memref<512x1x32xf32, #tpu.memory_space<hbm>>
    %dma_start3A_186 = tpu.memref_squeeze %dma_start3A_185 : memref<512x1x32xf32, #tpu.memory_space<hbm>> -> memref<512x32xf32, #tpu.memory_space<hbm>>
    %dma_start3A_187 = arith.constant 0 : i32
    %dma_start3A_188 = tpu.memref_slice %arg4[%mul3A_2, %dma_start3A_183, %dma_start3A_187] : memref<16384x26x32xf32, #tpu.memory_space<hbm>> -> memref<512x1x32xf32, #tpu.memory_space<hbm>>
    %dma_start3A_189 = tpu.memref_squeeze %dma_start3A_188 : memref<512x1x32xf32, #tpu.memory_space<hbm>> -> memref<512x32xf32, #tpu.memory_space<hbm>>
    tpu.enqueue_dma source(%arg14 : memref<512x32xf32, #tpu.memory_space<vmem>>) target(%dma_start3A_189 : memref<512x32xf32, #tpu.memory_space<hbm>>) target_semaphore(%arg26 : memref<!tpu.dma_semaphore, #tpu.memory_space<semaphore_mem>>)
    %dma_wait3A_190 = arith.constant 6 : i32
    %dma_wait3A_191 = arith.constant 0 : i32
    %dma_wait3A_192 = tpu.memref_slice %arg4[%mul3A_2, %dma_wait3A_190, %dma_wait3A_191] : memref<16384x26x32xf32, #tpu.memory_space<hbm>> -> memref<512x1x32xf32, #tpu.memory_space<hbm>>
    %dma_wait3A_193 = tpu.memref_squeeze %dma_wait3A_192 : memref<512x1x32xf32, #tpu.memory_space<hbm>> -> memref<512x32xf32, #tpu.memory_space<hbm>>
    %dma_wait3A_194 = arith.constant 0 : i32
    %dma_wait3A_195 = tpu.memref_slice %arg4[%mul3A_2, %dma_wait3A_190, %dma_wait3A_194] : memref<16384x26x32xf32, #tpu.memory_space<hbm>> -> memref<512x1x32xf32, #tpu.memory_space<hbm>>
    %dma_wait3A_196 = tpu.memref_squeeze %dma_wait3A_195 : memref<512x1x32xf32, #tpu.memory_space<hbm>> -> memref<512x32xf32, #tpu.memory_space<hbm>>
    tpu.wait_dma2 semaphore(%arg23 : memref<!tpu.dma_semaphore, #tpu.memory_space<semaphore_mem>>) src(%arg11 : memref<512x32xf32, #tpu.memory_space<vmem>>) dst(%dma_wait3A_196 : memref<512x32xf32, #tpu.memory_space<hbm>>)
    %run_scoped3A_197 = arith.constant 12 : i32
    "tpu.region"() ({
      %run_scoped3A_546 = tpu.sem_alloc : memref<!tpu.dma_semaphore, #tpu.memory_space<semaphore_mem>>
      %dma_start3A_547 = tpu.memref_slice %arg2[%run_scoped3A_197, %mul3A_2] : memref<26x16384xi32, #tpu.memory_space<hbm>> -> memref<1x512xi32, #tpu.memory_space<hbm>>
      %dma_start3A_548 = tpu.memref_squeeze %dma_start3A_547 : memref<1x512xi32, #tpu.memory_space<hbm>> -> memref<512xi32, #tpu.memory_space<hbm>>
      %dma_start3A_549 = tpu.memref_slice %arg2[%run_scoped3A_197, %mul3A_2] : memref<26x16384xi32, #tpu.memory_space<hbm>> -> memref<1x512xi32, #tpu.memory_space<hbm>>
      %dma_start3A_550 = tpu.memref_squeeze %dma_start3A_549 : memref<1x512xi32, #tpu.memory_space<hbm>> -> memref<512xi32, #tpu.memory_space<hbm>>
      tpu.enqueue_dma source(%dma_start3A_550 : memref<512xi32, #tpu.memory_space<hbm>>) target(%arg5 : memref<512xi32, #tpu.memory_space<vmem>>) target_semaphore(%run_scoped3A_546 : memref<!tpu.dma_semaphore, #tpu.memory_space<semaphore_mem>>)
      %dma_wait3A_551 = tpu.memref_slice %arg2[%run_scoped3A_197, %mul3A_2] : memref<26x16384xi32, #tpu.memory_space<hbm>> -> memref<1x512xi32, #tpu.memory_space<hbm>>
      %dma_wait3A_552 = tpu.memref_squeeze %dma_wait3A_551 : memref<1x512xi32, #tpu.memory_space<hbm>> -> memref<512xi32, #tpu.memory_space<hbm>>
      %dma_wait3A_553 = tpu.memref_slice %arg2[%run_scoped3A_197, %mul3A_2] : memref<26x16384xi32, #tpu.memory_space<hbm>> -> memref<1x512xi32, #tpu.memory_space<hbm>>
      %dma_wait3A_554 = tpu.memref_squeeze %dma_wait3A_553 : memref<1x512xi32, #tpu.memory_space<hbm>> -> memref<512xi32, #tpu.memory_space<hbm>>
      tpu.wait_dma2 semaphore(%run_scoped3A_546 : memref<!tpu.dma_semaphore, #tpu.memory_space<semaphore_mem>>) src(%dma_wait3A_554 : memref<512xi32, #tpu.memory_space<hbm>>) dst(%arg5 : memref<512xi32, #tpu.memory_space<vmem>>)
      tpu.yield
    }) : () -> ()
    %dma_start3A_198 = arith.constant 0 : i32
    %dma_start3A_199 = arith.constant 0 : i32
    %dma_start3A_200 = tpu.memref_slice %arg3[%dma_start3A_198, %dma_start3A_199] : memref<1000000x32xf32, #tpu.memory_space<hbm>> -> memref<1000000x32xf32, #tpu.memory_space<hbm>>
    tpu.enqueue_indirect_dma source(%dma_start3A_200 : memref<1000000x32xf32, #tpu.memory_space<hbm>>) target(%arg11 : memref<512x32xf32, #tpu.memory_space<vmem>>) offsets(%arg5 : memref<512xi32, #tpu.memory_space<vmem>>) semaphore(%arg17 : memref<!tpu.dma_semaphore, #tpu.memory_space<semaphore_mem>>)
    %dma_wait3A_201 = arith.constant 0 : i32
    %dma_wait3A_202 = arith.constant 0 : i32
    %dma_wait3A_203 = tpu.memref_slice %arg3[%dma_wait3A_201, %dma_wait3A_202] : memref<1000000x32xf32, #tpu.memory_space<hbm>> -> memref<1000000x32xf32, #tpu.memory_space<hbm>>
    tpu.wait_indirect_dma semaphore(%arg21 : memref<!tpu.dma_semaphore, #tpu.memory_space<semaphore_mem>>) src(%dma_wait3A_203 : memref<1000000x32xf32, #tpu.memory_space<hbm>>) dst(%arg15 : memref<512x32xf32, #tpu.memory_space<vmem>>)
    %dma_start3A_204 = arith.constant 10 : i32
    %dma_start3A_205 = arith.constant 0 : i32
    %dma_start3A_206 = tpu.memref_slice %arg4[%mul3A_2, %dma_start3A_204, %dma_start3A_205] : memref<16384x26x32xf32, #tpu.memory_space<hbm>> -> memref<512x1x32xf32, #tpu.memory_space<hbm>>
    %dma_start3A_207 = tpu.memref_squeeze %dma_start3A_206 : memref<512x1x32xf32, #tpu.memory_space<hbm>> -> memref<512x32xf32, #tpu.memory_space<hbm>>
    %dma_start3A_208 = arith.constant 0 : i32
    %dma_start3A_209 = tpu.memref_slice %arg4[%mul3A_2, %dma_start3A_204, %dma_start3A_208] : memref<16384x26x32xf32, #tpu.memory_space<hbm>> -> memref<512x1x32xf32, #tpu.memory_space<hbm>>
    %dma_start3A_210 = tpu.memref_squeeze %dma_start3A_209 : memref<512x1x32xf32, #tpu.memory_space<hbm>> -> memref<512x32xf32, #tpu.memory_space<hbm>>
    tpu.enqueue_dma source(%arg15 : memref<512x32xf32, #tpu.memory_space<vmem>>) target(%dma_start3A_210 : memref<512x32xf32, #tpu.memory_space<hbm>>) target_semaphore(%arg27 : memref<!tpu.dma_semaphore, #tpu.memory_space<semaphore_mem>>)
    %dma_wait3A_211 = arith.constant 7 : i32
    %dma_wait3A_212 = arith.constant 0 : i32
    %dma_wait3A_213 = tpu.memref_slice %arg4[%mul3A_2, %dma_wait3A_211, %dma_wait3A_212] : memref<16384x26x32xf32, #tpu.memory_space<hbm>> -> memref<512x1x32xf32, #tpu.memory_space<hbm>>
    %dma_wait3A_214 = tpu.memref_squeeze %dma_wait3A_213 : memref<512x1x32xf32, #tpu.memory_space<hbm>> -> memref<512x32xf32, #tpu.memory_space<hbm>>
    %dma_wait3A_215 = arith.constant 0 : i32
    %dma_wait3A_216 = tpu.memref_slice %arg4[%mul3A_2, %dma_wait3A_211, %dma_wait3A_215] : memref<16384x26x32xf32, #tpu.memory_space<hbm>> -> memref<512x1x32xf32, #tpu.memory_space<hbm>>
    %dma_wait3A_217 = tpu.memref_squeeze %dma_wait3A_216 : memref<512x1x32xf32, #tpu.memory_space<hbm>> -> memref<512x32xf32, #tpu.memory_space<hbm>>
    tpu.wait_dma2 semaphore(%arg24 : memref<!tpu.dma_semaphore, #tpu.memory_space<semaphore_mem>>) src(%arg12 : memref<512x32xf32, #tpu.memory_space<vmem>>) dst(%dma_wait3A_217 : memref<512x32xf32, #tpu.memory_space<hbm>>)
    %run_scoped3A_218 = arith.constant 13 : i32
    "tpu.region"() ({
      %run_scoped3A_546 = tpu.sem_alloc : memref<!tpu.dma_semaphore, #tpu.memory_space<semaphore_mem>>
      %dma_start3A_547 = tpu.memref_slice %arg2[%run_scoped3A_218, %mul3A_2] : memref<26x16384xi32, #tpu.memory_space<hbm>> -> memref<1x512xi32, #tpu.memory_space<hbm>>
      %dma_start3A_548 = tpu.memref_squeeze %dma_start3A_547 : memref<1x512xi32, #tpu.memory_space<hbm>> -> memref<512xi32, #tpu.memory_space<hbm>>
      %dma_start3A_549 = tpu.memref_slice %arg2[%run_scoped3A_218, %mul3A_2] : memref<26x16384xi32, #tpu.memory_space<hbm>> -> memref<1x512xi32, #tpu.memory_space<hbm>>
      %dma_start3A_550 = tpu.memref_squeeze %dma_start3A_549 : memref<1x512xi32, #tpu.memory_space<hbm>> -> memref<512xi32, #tpu.memory_space<hbm>>
      tpu.enqueue_dma source(%dma_start3A_550 : memref<512xi32, #tpu.memory_space<hbm>>) target(%arg6 : memref<512xi32, #tpu.memory_space<vmem>>) target_semaphore(%run_scoped3A_546 : memref<!tpu.dma_semaphore, #tpu.memory_space<semaphore_mem>>)
      %dma_wait3A_551 = tpu.memref_slice %arg2[%run_scoped3A_218, %mul3A_2] : memref<26x16384xi32, #tpu.memory_space<hbm>> -> memref<1x512xi32, #tpu.memory_space<hbm>>
      %dma_wait3A_552 = tpu.memref_squeeze %dma_wait3A_551 : memref<1x512xi32, #tpu.memory_space<hbm>> -> memref<512xi32, #tpu.memory_space<hbm>>
      %dma_wait3A_553 = tpu.memref_slice %arg2[%run_scoped3A_218, %mul3A_2] : memref<26x16384xi32, #tpu.memory_space<hbm>> -> memref<1x512xi32, #tpu.memory_space<hbm>>
      %dma_wait3A_554 = tpu.memref_squeeze %dma_wait3A_553 : memref<1x512xi32, #tpu.memory_space<hbm>> -> memref<512xi32, #tpu.memory_space<hbm>>
      tpu.wait_dma2 semaphore(%run_scoped3A_546 : memref<!tpu.dma_semaphore, #tpu.memory_space<semaphore_mem>>) src(%dma_wait3A_554 : memref<512xi32, #tpu.memory_space<hbm>>) dst(%arg6 : memref<512xi32, #tpu.memory_space<vmem>>)
      tpu.yield
    }) : () -> ()
    %dma_start3A_219 = arith.constant 0 : i32
    %dma_start3A_220 = arith.constant 0 : i32
    %dma_start3A_221 = tpu.memref_slice %arg3[%dma_start3A_219, %dma_start3A_220] : memref<1000000x32xf32, #tpu.memory_space<hbm>> -> memref<1000000x32xf32, #tpu.memory_space<hbm>>
    tpu.enqueue_indirect_dma source(%dma_start3A_221 : memref<1000000x32xf32, #tpu.memory_space<hbm>>) target(%arg12 : memref<512x32xf32, #tpu.memory_space<vmem>>) offsets(%arg6 : memref<512xi32, #tpu.memory_space<vmem>>) semaphore(%arg18 : memref<!tpu.dma_semaphore, #tpu.memory_space<semaphore_mem>>)
    %dma_wait3A_222 = arith.constant 0 : i32
    %dma_wait3A_223 = arith.constant 0 : i32
    %dma_wait3A_224 = tpu.memref_slice %arg3[%dma_wait3A_222, %dma_wait3A_223] : memref<1000000x32xf32, #tpu.memory_space<hbm>> -> memref<1000000x32xf32, #tpu.memory_space<hbm>>
    tpu.wait_indirect_dma semaphore(%arg22 : memref<!tpu.dma_semaphore, #tpu.memory_space<semaphore_mem>>) src(%dma_wait3A_224 : memref<1000000x32xf32, #tpu.memory_space<hbm>>) dst(%arg16 : memref<512x32xf32, #tpu.memory_space<vmem>>)
    %dma_start3A_225 = arith.constant 11 : i32
    %dma_start3A_226 = arith.constant 0 : i32
    %dma_start3A_227 = tpu.memref_slice %arg4[%mul3A_2, %dma_start3A_225, %dma_start3A_226] : memref<16384x26x32xf32, #tpu.memory_space<hbm>> -> memref<512x1x32xf32, #tpu.memory_space<hbm>>
    %dma_start3A_228 = tpu.memref_squeeze %dma_start3A_227 : memref<512x1x32xf32, #tpu.memory_space<hbm>> -> memref<512x32xf32, #tpu.memory_space<hbm>>
    %dma_start3A_229 = arith.constant 0 : i32
    %dma_start3A_230 = tpu.memref_slice %arg4[%mul3A_2, %dma_start3A_225, %dma_start3A_229] : memref<16384x26x32xf32, #tpu.memory_space<hbm>> -> memref<512x1x32xf32, #tpu.memory_space<hbm>>
    %dma_start3A_231 = tpu.memref_squeeze %dma_start3A_230 : memref<512x1x32xf32, #tpu.memory_space<hbm>> -> memref<512x32xf32, #tpu.memory_space<hbm>>
    tpu.enqueue_dma source(%arg16 : memref<512x32xf32, #tpu.memory_space<vmem>>) target(%dma_start3A_231 : memref<512x32xf32, #tpu.memory_space<hbm>>) target_semaphore(%arg28 : memref<!tpu.dma_semaphore, #tpu.memory_space<semaphore_mem>>)
    %dma_wait3A_232 = arith.constant 8 : i32
    %dma_wait3A_233 = arith.constant 0 : i32
    %dma_wait3A_234 = tpu.memref_slice %arg4[%mul3A_2, %dma_wait3A_232, %dma_wait3A_233] : memref<16384x26x32xf32, #tpu.memory_space<hbm>> -> memref<512x1x32xf32, #tpu.memory_space<hbm>>
    %dma_wait3A_235 = tpu.memref_squeeze %dma_wait3A_234 : memref<512x1x32xf32, #tpu.memory_space<hbm>> -> memref<512x32xf32, #tpu.memory_space<hbm>>
    %dma_wait3A_236 = arith.constant 0 : i32
    %dma_wait3A_237 = tpu.memref_slice %arg4[%mul3A_2, %dma_wait3A_232, %dma_wait3A_236] : memref<16384x26x32xf32, #tpu.memory_space<hbm>> -> memref<512x1x32xf32, #tpu.memory_space<hbm>>
    %dma_wait3A_238 = tpu.memref_squeeze %dma_wait3A_237 : memref<512x1x32xf32, #tpu.memory_space<hbm>> -> memref<512x32xf32, #tpu.memory_space<hbm>>
    tpu.wait_dma2 semaphore(%arg25 : memref<!tpu.dma_semaphore, #tpu.memory_space<semaphore_mem>>) src(%arg13 : memref<512x32xf32, #tpu.memory_space<vmem>>) dst(%dma_wait3A_238 : memref<512x32xf32, #tpu.memory_space<hbm>>)
    %run_scoped3A_239 = arith.constant 14 : i32
    "tpu.region"() ({
      %run_scoped3A_546 = tpu.sem_alloc : memref<!tpu.dma_semaphore, #tpu.memory_space<semaphore_mem>>
      %dma_start3A_547 = tpu.memref_slice %arg2[%run_scoped3A_239, %mul3A_2] : memref<26x16384xi32, #tpu.memory_space<hbm>> -> memref<1x512xi32, #tpu.memory_space<hbm>>
      %dma_start3A_548 = tpu.memref_squeeze %dma_start3A_547 : memref<1x512xi32, #tpu.memory_space<hbm>> -> memref<512xi32, #tpu.memory_space<hbm>>
      %dma_start3A_549 = tpu.memref_slice %arg2[%run_scoped3A_239, %mul3A_2] : memref<26x16384xi32, #tpu.memory_space<hbm>> -> memref<1x512xi32, #tpu.memory_space<hbm>>
      %dma_start3A_550 = tpu.memref_squeeze %dma_start3A_549 : memref<1x512xi32, #tpu.memory_space<hbm>> -> memref<512xi32, #tpu.memory_space<hbm>>
      tpu.enqueue_dma source(%dma_start3A_550 : memref<512xi32, #tpu.memory_space<hbm>>) target(%arg7 : memref<512xi32, #tpu.memory_space<vmem>>) target_semaphore(%run_scoped3A_546 : memref<!tpu.dma_semaphore, #tpu.memory_space<semaphore_mem>>)
      %dma_wait3A_551 = tpu.memref_slice %arg2[%run_scoped3A_239, %mul3A_2] : memref<26x16384xi32, #tpu.memory_space<hbm>> -> memref<1x512xi32, #tpu.memory_space<hbm>>
      %dma_wait3A_552 = tpu.memref_squeeze %dma_wait3A_551 : memref<1x512xi32, #tpu.memory_space<hbm>> -> memref<512xi32, #tpu.memory_space<hbm>>
      %dma_wait3A_553 = tpu.memref_slice %arg2[%run_scoped3A_239, %mul3A_2] : memref<26x16384xi32, #tpu.memory_space<hbm>> -> memref<1x512xi32, #tpu.memory_space<hbm>>
      %dma_wait3A_554 = tpu.memref_squeeze %dma_wait3A_553 : memref<1x512xi32, #tpu.memory_space<hbm>> -> memref<512xi32, #tpu.memory_space<hbm>>
      tpu.wait_dma2 semaphore(%run_scoped3A_546 : memref<!tpu.dma_semaphore, #tpu.memory_space<semaphore_mem>>) src(%dma_wait3A_554 : memref<512xi32, #tpu.memory_space<hbm>>) dst(%arg7 : memref<512xi32, #tpu.memory_space<vmem>>)
      tpu.yield
    }) : () -> ()
    %dma_start3A_240 = arith.constant 0 : i32
    %dma_start3A_241 = arith.constant 0 : i32
    %dma_start3A_242 = tpu.memref_slice %arg3[%dma_start3A_240, %dma_start3A_241] : memref<1000000x32xf32, #tpu.memory_space<hbm>> -> memref<1000000x32xf32, #tpu.memory_space<hbm>>
    tpu.enqueue_indirect_dma source(%dma_start3A_242 : memref<1000000x32xf32, #tpu.memory_space<hbm>>) target(%arg13 : memref<512x32xf32, #tpu.memory_space<vmem>>) offsets(%arg7 : memref<512xi32, #tpu.memory_space<vmem>>) semaphore(%arg19 : memref<!tpu.dma_semaphore, #tpu.memory_space<semaphore_mem>>)
    %dma_wait3A_243 = arith.constant 0 : i32
    %dma_wait3A_244 = arith.constant 0 : i32
    %dma_wait3A_245 = tpu.memref_slice %arg3[%dma_wait3A_243, %dma_wait3A_244] : memref<1000000x32xf32, #tpu.memory_space<hbm>> -> memref<1000000x32xf32, #tpu.memory_space<hbm>>
    tpu.wait_indirect_dma semaphore(%arg17 : memref<!tpu.dma_semaphore, #tpu.memory_space<semaphore_mem>>) src(%dma_wait3A_245 : memref<1000000x32xf32, #tpu.memory_space<hbm>>) dst(%arg11 : memref<512x32xf32, #tpu.memory_space<vmem>>)
    %dma_start3A_246 = arith.constant 12 : i32
    %dma_start3A_247 = arith.constant 0 : i32
    %dma_start3A_248 = tpu.memref_slice %arg4[%mul3A_2, %dma_start3A_246, %dma_start3A_247] : memref<16384x26x32xf32, #tpu.memory_space<hbm>> -> memref<512x1x32xf32, #tpu.memory_space<hbm>>
    %dma_start3A_249 = tpu.memref_squeeze %dma_start3A_248 : memref<512x1x32xf32, #tpu.memory_space<hbm>> -> memref<512x32xf32, #tpu.memory_space<hbm>>
    %dma_start3A_250 = arith.constant 0 : i32
    %dma_start3A_251 = tpu.memref_slice %arg4[%mul3A_2, %dma_start3A_246, %dma_start3A_250] : memref<16384x26x32xf32, #tpu.memory_space<hbm>> -> memref<512x1x32xf32, #tpu.memory_space<hbm>>
    %dma_start3A_252 = tpu.memref_squeeze %dma_start3A_251 : memref<512x1x32xf32, #tpu.memory_space<hbm>> -> memref<512x32xf32, #tpu.memory_space<hbm>>
    tpu.enqueue_dma source(%arg11 : memref<512x32xf32, #tpu.memory_space<vmem>>) target(%dma_start3A_252 : memref<512x32xf32, #tpu.memory_space<hbm>>) target_semaphore(%arg23 : memref<!tpu.dma_semaphore, #tpu.memory_space<semaphore_mem>>)
    %dma_wait3A_253 = arith.constant 9 : i32
    %dma_wait3A_254 = arith.constant 0 : i32
    %dma_wait3A_255 = tpu.memref_slice %arg4[%mul3A_2, %dma_wait3A_253, %dma_wait3A_254] : memref<16384x26x32xf32, #tpu.memory_space<hbm>> -> memref<512x1x32xf32, #tpu.memory_space<hbm>>
    %dma_wait3A_256 = tpu.memref_squeeze %dma_wait3A_255 : memref<512x1x32xf32, #tpu.memory_space<hbm>> -> memref<512x32xf32, #tpu.memory_space<hbm>>
    %dma_wait3A_257 = arith.constant 0 : i32
    %dma_wait3A_258 = tpu.memref_slice %arg4[%mul3A_2, %dma_wait3A_253, %dma_wait3A_257] : memref<16384x26x32xf32, #tpu.memory_space<hbm>> -> memref<512x1x32xf32, #tpu.memory_space<hbm>>
    %dma_wait3A_259 = tpu.memref_squeeze %dma_wait3A_258 : memref<512x1x32xf32, #tpu.memory_space<hbm>> -> memref<512x32xf32, #tpu.memory_space<hbm>>
    tpu.wait_dma2 semaphore(%arg26 : memref<!tpu.dma_semaphore, #tpu.memory_space<semaphore_mem>>) src(%arg14 : memref<512x32xf32, #tpu.memory_space<vmem>>) dst(%dma_wait3A_259 : memref<512x32xf32, #tpu.memory_space<hbm>>)
    %run_scoped3A_260 = arith.constant 15 : i32
    "tpu.region"() ({
      %run_scoped3A_546 = tpu.sem_alloc : memref<!tpu.dma_semaphore, #tpu.memory_space<semaphore_mem>>
      %dma_start3A_547 = tpu.memref_slice %arg2[%run_scoped3A_260, %mul3A_2] : memref<26x16384xi32, #tpu.memory_space<hbm>> -> memref<1x512xi32, #tpu.memory_space<hbm>>
      %dma_start3A_548 = tpu.memref_squeeze %dma_start3A_547 : memref<1x512xi32, #tpu.memory_space<hbm>> -> memref<512xi32, #tpu.memory_space<hbm>>
      %dma_start3A_549 = tpu.memref_slice %arg2[%run_scoped3A_260, %mul3A_2] : memref<26x16384xi32, #tpu.memory_space<hbm>> -> memref<1x512xi32, #tpu.memory_space<hbm>>
      %dma_start3A_550 = tpu.memref_squeeze %dma_start3A_549 : memref<1x512xi32, #tpu.memory_space<hbm>> -> memref<512xi32, #tpu.memory_space<hbm>>
      tpu.enqueue_dma source(%dma_start3A_550 : memref<512xi32, #tpu.memory_space<hbm>>) target(%arg8 : memref<512xi32, #tpu.memory_space<vmem>>) target_semaphore(%run_scoped3A_546 : memref<!tpu.dma_semaphore, #tpu.memory_space<semaphore_mem>>)
      %dma_wait3A_551 = tpu.memref_slice %arg2[%run_scoped3A_260, %mul3A_2] : memref<26x16384xi32, #tpu.memory_space<hbm>> -> memref<1x512xi32, #tpu.memory_space<hbm>>
      %dma_wait3A_552 = tpu.memref_squeeze %dma_wait3A_551 : memref<1x512xi32, #tpu.memory_space<hbm>> -> memref<512xi32, #tpu.memory_space<hbm>>
      %dma_wait3A_553 = tpu.memref_slice %arg2[%run_scoped3A_260, %mul3A_2] : memref<26x16384xi32, #tpu.memory_space<hbm>> -> memref<1x512xi32, #tpu.memory_space<hbm>>
      %dma_wait3A_554 = tpu.memref_squeeze %dma_wait3A_553 : memref<1x512xi32, #tpu.memory_space<hbm>> -> memref<512xi32, #tpu.memory_space<hbm>>
      tpu.wait_dma2 semaphore(%run_scoped3A_546 : memref<!tpu.dma_semaphore, #tpu.memory_space<semaphore_mem>>) src(%dma_wait3A_554 : memref<512xi32, #tpu.memory_space<hbm>>) dst(%arg8 : memref<512xi32, #tpu.memory_space<vmem>>)
      tpu.yield
    }) : () -> ()
    %dma_start3A_261 = arith.constant 0 : i32
    %dma_start3A_262 = arith.constant 0 : i32
    %dma_start3A_263 = tpu.memref_slice %arg3[%dma_start3A_261, %dma_start3A_262] : memref<1000000x32xf32, #tpu.memory_space<hbm>> -> memref<1000000x32xf32, #tpu.memory_space<hbm>>
    tpu.enqueue_indirect_dma source(%dma_start3A_263 : memref<1000000x32xf32, #tpu.memory_space<hbm>>) target(%arg14 : memref<512x32xf32, #tpu.memory_space<vmem>>) offsets(%arg8 : memref<512xi32, #tpu.memory_space<vmem>>) semaphore(%arg20 : memref<!tpu.dma_semaphore, #tpu.memory_space<semaphore_mem>>)
    %dma_wait3A_264 = arith.constant 0 : i32
    %dma_wait3A_265 = arith.constant 0 : i32
    %dma_wait3A_266 = tpu.memref_slice %arg3[%dma_wait3A_264, %dma_wait3A_265] : memref<1000000x32xf32, #tpu.memory_space<hbm>> -> memref<1000000x32xf32, #tpu.memory_space<hbm>>
    tpu.wait_indirect_dma semaphore(%arg18 : memref<!tpu.dma_semaphore, #tpu.memory_space<semaphore_mem>>) src(%dma_wait3A_266 : memref<1000000x32xf32, #tpu.memory_space<hbm>>) dst(%arg12 : memref<512x32xf32, #tpu.memory_space<vmem>>)
    %dma_start3A_267 = arith.constant 13 : i32
    %dma_start3A_268 = arith.constant 0 : i32
    %dma_start3A_269 = tpu.memref_slice %arg4[%mul3A_2, %dma_start3A_267, %dma_start3A_268] : memref<16384x26x32xf32, #tpu.memory_space<hbm>> -> memref<512x1x32xf32, #tpu.memory_space<hbm>>
    %dma_start3A_270 = tpu.memref_squeeze %dma_start3A_269 : memref<512x1x32xf32, #tpu.memory_space<hbm>> -> memref<512x32xf32, #tpu.memory_space<hbm>>
    %dma_start3A_271 = arith.constant 0 : i32
    %dma_start3A_272 = tpu.memref_slice %arg4[%mul3A_2, %dma_start3A_267, %dma_start3A_271] : memref<16384x26x32xf32, #tpu.memory_space<hbm>> -> memref<512x1x32xf32, #tpu.memory_space<hbm>>
    %dma_start3A_273 = tpu.memref_squeeze %dma_start3A_272 : memref<512x1x32xf32, #tpu.memory_space<hbm>> -> memref<512x32xf32, #tpu.memory_space<hbm>>
    tpu.enqueue_dma source(%arg12 : memref<512x32xf32, #tpu.memory_space<vmem>>) target(%dma_start3A_273 : memref<512x32xf32, #tpu.memory_space<hbm>>) target_semaphore(%arg24 : memref<!tpu.dma_semaphore, #tpu.memory_space<semaphore_mem>>)
    %dma_wait3A_274 = arith.constant 10 : i32
    %dma_wait3A_275 = arith.constant 0 : i32
    %dma_wait3A_276 = tpu.memref_slice %arg4[%mul3A_2, %dma_wait3A_274, %dma_wait3A_275] : memref<16384x26x32xf32, #tpu.memory_space<hbm>> -> memref<512x1x32xf32, #tpu.memory_space<hbm>>
    %dma_wait3A_277 = tpu.memref_squeeze %dma_wait3A_276 : memref<512x1x32xf32, #tpu.memory_space<hbm>> -> memref<512x32xf32, #tpu.memory_space<hbm>>
    %dma_wait3A_278 = arith.constant 0 : i32
    %dma_wait3A_279 = tpu.memref_slice %arg4[%mul3A_2, %dma_wait3A_274, %dma_wait3A_278] : memref<16384x26x32xf32, #tpu.memory_space<hbm>> -> memref<512x1x32xf32, #tpu.memory_space<hbm>>
    %dma_wait3A_280 = tpu.memref_squeeze %dma_wait3A_279 : memref<512x1x32xf32, #tpu.memory_space<hbm>> -> memref<512x32xf32, #tpu.memory_space<hbm>>
    tpu.wait_dma2 semaphore(%arg27 : memref<!tpu.dma_semaphore, #tpu.memory_space<semaphore_mem>>) src(%arg15 : memref<512x32xf32, #tpu.memory_space<vmem>>) dst(%dma_wait3A_280 : memref<512x32xf32, #tpu.memory_space<hbm>>)
    %run_scoped3A_281 = arith.constant 16 : i32
    "tpu.region"() ({
      %run_scoped3A_546 = tpu.sem_alloc : memref<!tpu.dma_semaphore, #tpu.memory_space<semaphore_mem>>
      %dma_start3A_547 = tpu.memref_slice %arg2[%run_scoped3A_281, %mul3A_2] : memref<26x16384xi32, #tpu.memory_space<hbm>> -> memref<1x512xi32, #tpu.memory_space<hbm>>
      %dma_start3A_548 = tpu.memref_squeeze %dma_start3A_547 : memref<1x512xi32, #tpu.memory_space<hbm>> -> memref<512xi32, #tpu.memory_space<hbm>>
      %dma_start3A_549 = tpu.memref_slice %arg2[%run_scoped3A_281, %mul3A_2] : memref<26x16384xi32, #tpu.memory_space<hbm>> -> memref<1x512xi32, #tpu.memory_space<hbm>>
      %dma_start3A_550 = tpu.memref_squeeze %dma_start3A_549 : memref<1x512xi32, #tpu.memory_space<hbm>> -> memref<512xi32, #tpu.memory_space<hbm>>
      tpu.enqueue_dma source(%dma_start3A_550 : memref<512xi32, #tpu.memory_space<hbm>>) target(%arg9 : memref<512xi32, #tpu.memory_space<vmem>>) target_semaphore(%run_scoped3A_546 : memref<!tpu.dma_semaphore, #tpu.memory_space<semaphore_mem>>)
      %dma_wait3A_551 = tpu.memref_slice %arg2[%run_scoped3A_281, %mul3A_2] : memref<26x16384xi32, #tpu.memory_space<hbm>> -> memref<1x512xi32, #tpu.memory_space<hbm>>
      %dma_wait3A_552 = tpu.memref_squeeze %dma_wait3A_551 : memref<1x512xi32, #tpu.memory_space<hbm>> -> memref<512xi32, #tpu.memory_space<hbm>>
      %dma_wait3A_553 = tpu.memref_slice %arg2[%run_scoped3A_281, %mul3A_2] : memref<26x16384xi32, #tpu.memory_space<hbm>> -> memref<1x512xi32, #tpu.memory_space<hbm>>
      %dma_wait3A_554 = tpu.memref_squeeze %dma_wait3A_553 : memref<1x512xi32, #tpu.memory_space<hbm>> -> memref<512xi32, #tpu.memory_space<hbm>>
      tpu.wait_dma2 semaphore(%run_scoped3A_546 : memref<!tpu.dma_semaphore, #tpu.memory_space<semaphore_mem>>) src(%dma_wait3A_554 : memref<512xi32, #tpu.memory_space<hbm>>) dst(%arg9 : memref<512xi32, #tpu.memory_space<vmem>>)
      tpu.yield
    }) : () -> ()
    %dma_start3A_282 = arith.constant 0 : i32
    %dma_start3A_283 = arith.constant 0 : i32
    %dma_start3A_284 = tpu.memref_slice %arg3[%dma_start3A_282, %dma_start3A_283] : memref<1000000x32xf32, #tpu.memory_space<hbm>> -> memref<1000000x32xf32, #tpu.memory_space<hbm>>
    tpu.enqueue_indirect_dma source(%dma_start3A_284 : memref<1000000x32xf32, #tpu.memory_space<hbm>>) target(%arg15 : memref<512x32xf32, #tpu.memory_space<vmem>>) offsets(%arg9 : memref<512xi32, #tpu.memory_space<vmem>>) semaphore(%arg21 : memref<!tpu.dma_semaphore, #tpu.memory_space<semaphore_mem>>)
    %dma_wait3A_285 = arith.constant 0 : i32
    %dma_wait3A_286 = arith.constant 0 : i32
    %dma_wait3A_287 = tpu.memref_slice %arg3[%dma_wait3A_285, %dma_wait3A_286] : memref<1000000x32xf32, #tpu.memory_space<hbm>> -> memref<1000000x32xf32, #tpu.memory_space<hbm>>
    tpu.wait_indirect_dma semaphore(%arg19 : memref<!tpu.dma_semaphore, #tpu.memory_space<semaphore_mem>>) src(%dma_wait3A_287 : memref<1000000x32xf32, #tpu.memory_space<hbm>>) dst(%arg13 : memref<512x32xf32, #tpu.memory_space<vmem>>)
    %dma_start3A_288 = arith.constant 14 : i32
    %dma_start3A_289 = arith.constant 0 : i32
    %dma_start3A_290 = tpu.memref_slice %arg4[%mul3A_2, %dma_start3A_288, %dma_start3A_289] : memref<16384x26x32xf32, #tpu.memory_space<hbm>> -> memref<512x1x32xf32, #tpu.memory_space<hbm>>
    %dma_start3A_291 = tpu.memref_squeeze %dma_start3A_290 : memref<512x1x32xf32, #tpu.memory_space<hbm>> -> memref<512x32xf32, #tpu.memory_space<hbm>>
    %dma_start3A_292 = arith.constant 0 : i32
    %dma_start3A_293 = tpu.memref_slice %arg4[%mul3A_2, %dma_start3A_288, %dma_start3A_292] : memref<16384x26x32xf32, #tpu.memory_space<hbm>> -> memref<512x1x32xf32, #tpu.memory_space<hbm>>
    %dma_start3A_294 = tpu.memref_squeeze %dma_start3A_293 : memref<512x1x32xf32, #tpu.memory_space<hbm>> -> memref<512x32xf32, #tpu.memory_space<hbm>>
    tpu.enqueue_dma source(%arg13 : memref<512x32xf32, #tpu.memory_space<vmem>>) target(%dma_start3A_294 : memref<512x32xf32, #tpu.memory_space<hbm>>) target_semaphore(%arg25 : memref<!tpu.dma_semaphore, #tpu.memory_space<semaphore_mem>>)
    %dma_wait3A_295 = arith.constant 11 : i32
    %dma_wait3A_296 = arith.constant 0 : i32
    %dma_wait3A_297 = tpu.memref_slice %arg4[%mul3A_2, %dma_wait3A_295, %dma_wait3A_296] : memref<16384x26x32xf32, #tpu.memory_space<hbm>> -> memref<512x1x32xf32, #tpu.memory_space<hbm>>
    %dma_wait3A_298 = tpu.memref_squeeze %dma_wait3A_297 : memref<512x1x32xf32, #tpu.memory_space<hbm>> -> memref<512x32xf32, #tpu.memory_space<hbm>>
    %dma_wait3A_299 = arith.constant 0 : i32
    %dma_wait3A_300 = tpu.memref_slice %arg4[%mul3A_2, %dma_wait3A_295, %dma_wait3A_299] : memref<16384x26x32xf32, #tpu.memory_space<hbm>> -> memref<512x1x32xf32, #tpu.memory_space<hbm>>
    %dma_wait3A_301 = tpu.memref_squeeze %dma_wait3A_300 : memref<512x1x32xf32, #tpu.memory_space<hbm>> -> memref<512x32xf32, #tpu.memory_space<hbm>>
    tpu.wait_dma2 semaphore(%arg28 : memref<!tpu.dma_semaphore, #tpu.memory_space<semaphore_mem>>) src(%arg16 : memref<512x32xf32, #tpu.memory_space<vmem>>) dst(%dma_wait3A_301 : memref<512x32xf32, #tpu.memory_space<hbm>>)
    %run_scoped3A_302 = arith.constant 17 : i32
    "tpu.region"() ({
      %run_scoped3A_546 = tpu.sem_alloc : memref<!tpu.dma_semaphore, #tpu.memory_space<semaphore_mem>>
      %dma_start3A_547 = tpu.memref_slice %arg2[%run_scoped3A_302, %mul3A_2] : memref<26x16384xi32, #tpu.memory_space<hbm>> -> memref<1x512xi32, #tpu.memory_space<hbm>>
      %dma_start3A_548 = tpu.memref_squeeze %dma_start3A_547 : memref<1x512xi32, #tpu.memory_space<hbm>> -> memref<512xi32, #tpu.memory_space<hbm>>
      %dma_start3A_549 = tpu.memref_slice %arg2[%run_scoped3A_302, %mul3A_2] : memref<26x16384xi32, #tpu.memory_space<hbm>> -> memref<1x512xi32, #tpu.memory_space<hbm>>
      %dma_start3A_550 = tpu.memref_squeeze %dma_start3A_549 : memref<1x512xi32, #tpu.memory_space<hbm>> -> memref<512xi32, #tpu.memory_space<hbm>>
      tpu.enqueue_dma source(%dma_start3A_550 : memref<512xi32, #tpu.memory_space<hbm>>) target(%arg10 : memref<512xi32, #tpu.memory_space<vmem>>) target_semaphore(%run_scoped3A_546 : memref<!tpu.dma_semaphore, #tpu.memory_space<semaphore_mem>>)
      %dma_wait3A_551 = tpu.memref_slice %arg2[%run_scoped3A_302, %mul3A_2] : memref<26x16384xi32, #tpu.memory_space<hbm>> -> memref<1x512xi32, #tpu.memory_space<hbm>>
      %dma_wait3A_552 = tpu.memref_squeeze %dma_wait3A_551 : memref<1x512xi32, #tpu.memory_space<hbm>> -> memref<512xi32, #tpu.memory_space<hbm>>
      %dma_wait3A_553 = tpu.memref_slice %arg2[%run_scoped3A_302, %mul3A_2] : memref<26x16384xi32, #tpu.memory_space<hbm>> -> memref<1x512xi32, #tpu.memory_space<hbm>>
      %dma_wait3A_554 = tpu.memref_squeeze %dma_wait3A_553 : memref<1x512xi32, #tpu.memory_space<hbm>> -> memref<512xi32, #tpu.memory_space<hbm>>
      tpu.wait_dma2 semaphore(%run_scoped3A_546 : memref<!tpu.dma_semaphore, #tpu.memory_space<semaphore_mem>>) src(%dma_wait3A_554 : memref<512xi32, #tpu.memory_space<hbm>>) dst(%arg10 : memref<512xi32, #tpu.memory_space<vmem>>)
      tpu.yield
    }) : () -> ()
    %dma_start3A_303 = arith.constant 0 : i32
    %dma_start3A_304 = arith.constant 0 : i32
    %dma_start3A_305 = tpu.memref_slice %arg3[%dma_start3A_303, %dma_start3A_304] : memref<1000000x32xf32, #tpu.memory_space<hbm>> -> memref<1000000x32xf32, #tpu.memory_space<hbm>>
    tpu.enqueue_indirect_dma source(%dma_start3A_305 : memref<1000000x32xf32, #tpu.memory_space<hbm>>) target(%arg16 : memref<512x32xf32, #tpu.memory_space<vmem>>) offsets(%arg10 : memref<512xi32, #tpu.memory_space<vmem>>) semaphore(%arg22 : memref<!tpu.dma_semaphore, #tpu.memory_space<semaphore_mem>>)
    %dma_wait3A_306 = arith.constant 0 : i32
    %dma_wait3A_307 = arith.constant 0 : i32
    %dma_wait3A_308 = tpu.memref_slice %arg3[%dma_wait3A_306, %dma_wait3A_307] : memref<1000000x32xf32, #tpu.memory_space<hbm>> -> memref<1000000x32xf32, #tpu.memory_space<hbm>>
    tpu.wait_indirect_dma semaphore(%arg20 : memref<!tpu.dma_semaphore, #tpu.memory_space<semaphore_mem>>) src(%dma_wait3A_308 : memref<1000000x32xf32, #tpu.memory_space<hbm>>) dst(%arg14 : memref<512x32xf32, #tpu.memory_space<vmem>>)
    %dma_start3A_309 = arith.constant 15 : i32
    %dma_start3A_310 = arith.constant 0 : i32
    %dma_start3A_311 = tpu.memref_slice %arg4[%mul3A_2, %dma_start3A_309, %dma_start3A_310] : memref<16384x26x32xf32, #tpu.memory_space<hbm>> -> memref<512x1x32xf32, #tpu.memory_space<hbm>>
    %dma_start3A_312 = tpu.memref_squeeze %dma_start3A_311 : memref<512x1x32xf32, #tpu.memory_space<hbm>> -> memref<512x32xf32, #tpu.memory_space<hbm>>
    %dma_start3A_313 = arith.constant 0 : i32
    %dma_start3A_314 = tpu.memref_slice %arg4[%mul3A_2, %dma_start3A_309, %dma_start3A_313] : memref<16384x26x32xf32, #tpu.memory_space<hbm>> -> memref<512x1x32xf32, #tpu.memory_space<hbm>>
    %dma_start3A_315 = tpu.memref_squeeze %dma_start3A_314 : memref<512x1x32xf32, #tpu.memory_space<hbm>> -> memref<512x32xf32, #tpu.memory_space<hbm>>
    tpu.enqueue_dma source(%arg14 : memref<512x32xf32, #tpu.memory_space<vmem>>) target(%dma_start3A_315 : memref<512x32xf32, #tpu.memory_space<hbm>>) target_semaphore(%arg26 : memref<!tpu.dma_semaphore, #tpu.memory_space<semaphore_mem>>)
    %dma_wait3A_316 = arith.constant 12 : i32
    %dma_wait3A_317 = arith.constant 0 : i32
    %dma_wait3A_318 = tpu.memref_slice %arg4[%mul3A_2, %dma_wait3A_316, %dma_wait3A_317] : memref<16384x26x32xf32, #tpu.memory_space<hbm>> -> memref<512x1x32xf32, #tpu.memory_space<hbm>>
    %dma_wait3A_319 = tpu.memref_squeeze %dma_wait3A_318 : memref<512x1x32xf32, #tpu.memory_space<hbm>> -> memref<512x32xf32, #tpu.memory_space<hbm>>
    %dma_wait3A_320 = arith.constant 0 : i32
    %dma_wait3A_321 = tpu.memref_slice %arg4[%mul3A_2, %dma_wait3A_316, %dma_wait3A_320] : memref<16384x26x32xf32, #tpu.memory_space<hbm>> -> memref<512x1x32xf32, #tpu.memory_space<hbm>>
    %dma_wait3A_322 = tpu.memref_squeeze %dma_wait3A_321 : memref<512x1x32xf32, #tpu.memory_space<hbm>> -> memref<512x32xf32, #tpu.memory_space<hbm>>
    tpu.wait_dma2 semaphore(%arg23 : memref<!tpu.dma_semaphore, #tpu.memory_space<semaphore_mem>>) src(%arg11 : memref<512x32xf32, #tpu.memory_space<vmem>>) dst(%dma_wait3A_322 : memref<512x32xf32, #tpu.memory_space<hbm>>)
    %run_scoped3A_323 = arith.constant 18 : i32
    "tpu.region"() ({
      %run_scoped3A_546 = tpu.sem_alloc : memref<!tpu.dma_semaphore, #tpu.memory_space<semaphore_mem>>
      %dma_start3A_547 = tpu.memref_slice %arg2[%run_scoped3A_323, %mul3A_2] : memref<26x16384xi32, #tpu.memory_space<hbm>> -> memref<1x512xi32, #tpu.memory_space<hbm>>
      %dma_start3A_548 = tpu.memref_squeeze %dma_start3A_547 : memref<1x512xi32, #tpu.memory_space<hbm>> -> memref<512xi32, #tpu.memory_space<hbm>>
      %dma_start3A_549 = tpu.memref_slice %arg2[%run_scoped3A_323, %mul3A_2] : memref<26x16384xi32, #tpu.memory_space<hbm>> -> memref<1x512xi32, #tpu.memory_space<hbm>>
      %dma_start3A_550 = tpu.memref_squeeze %dma_start3A_549 : memref<1x512xi32, #tpu.memory_space<hbm>> -> memref<512xi32, #tpu.memory_space<hbm>>
      tpu.enqueue_dma source(%dma_start3A_550 : memref<512xi32, #tpu.memory_space<hbm>>) target(%arg5 : memref<512xi32, #tpu.memory_space<vmem>>) target_semaphore(%run_scoped3A_546 : memref<!tpu.dma_semaphore, #tpu.memory_space<semaphore_mem>>)
      %dma_wait3A_551 = tpu.memref_slice %arg2[%run_scoped3A_323, %mul3A_2] : memref<26x16384xi32, #tpu.memory_space<hbm>> -> memref<1x512xi32, #tpu.memory_space<hbm>>
      %dma_wait3A_552 = tpu.memref_squeeze %dma_wait3A_551 : memref<1x512xi32, #tpu.memory_space<hbm>> -> memref<512xi32, #tpu.memory_space<hbm>>
      %dma_wait3A_553 = tpu.memref_slice %arg2[%run_scoped3A_323, %mul3A_2] : memref<26x16384xi32, #tpu.memory_space<hbm>> -> memref<1x512xi32, #tpu.memory_space<hbm>>
      %dma_wait3A_554 = tpu.memref_squeeze %dma_wait3A_553 : memref<1x512xi32, #tpu.memory_space<hbm>> -> memref<512xi32, #tpu.memory_space<hbm>>
      tpu.wait_dma2 semaphore(%run_scoped3A_546 : memref<!tpu.dma_semaphore, #tpu.memory_space<semaphore_mem>>) src(%dma_wait3A_554 : memref<512xi32, #tpu.memory_space<hbm>>) dst(%arg5 : memref<512xi32, #tpu.memory_space<vmem>>)
      tpu.yield
    }) : () -> ()
    %dma_start3A_324 = arith.constant 0 : i32
    %dma_start3A_325 = arith.constant 0 : i32
    %dma_start3A_326 = tpu.memref_slice %arg3[%dma_start3A_324, %dma_start3A_325] : memref<1000000x32xf32, #tpu.memory_space<hbm>> -> memref<1000000x32xf32, #tpu.memory_space<hbm>>
    tpu.enqueue_indirect_dma source(%dma_start3A_326 : memref<1000000x32xf32, #tpu.memory_space<hbm>>) target(%arg11 : memref<512x32xf32, #tpu.memory_space<vmem>>) offsets(%arg5 : memref<512xi32, #tpu.memory_space<vmem>>) semaphore(%arg17 : memref<!tpu.dma_semaphore, #tpu.memory_space<semaphore_mem>>)
    %dma_wait3A_327 = arith.constant 0 : i32
    %dma_wait3A_328 = arith.constant 0 : i32
    %dma_wait3A_329 = tpu.memref_slice %arg3[%dma_wait3A_327, %dma_wait3A_328] : memref<1000000x32xf32, #tpu.memory_space<hbm>> -> memref<1000000x32xf32, #tpu.memory_space<hbm>>
    tpu.wait_indirect_dma semaphore(%arg21 : memref<!tpu.dma_semaphore, #tpu.memory_space<semaphore_mem>>) src(%dma_wait3A_329 : memref<1000000x32xf32, #tpu.memory_space<hbm>>) dst(%arg15 : memref<512x32xf32, #tpu.memory_space<vmem>>)
    %dma_start3A_330 = arith.constant 16 : i32
    %dma_start3A_331 = arith.constant 0 : i32
    %dma_start3A_332 = tpu.memref_slice %arg4[%mul3A_2, %dma_start3A_330, %dma_start3A_331] : memref<16384x26x32xf32, #tpu.memory_space<hbm>> -> memref<512x1x32xf32, #tpu.memory_space<hbm>>
    %dma_start3A_333 = tpu.memref_squeeze %dma_start3A_332 : memref<512x1x32xf32, #tpu.memory_space<hbm>> -> memref<512x32xf32, #tpu.memory_space<hbm>>
    %dma_start3A_334 = arith.constant 0 : i32
    %dma_start3A_335 = tpu.memref_slice %arg4[%mul3A_2, %dma_start3A_330, %dma_start3A_334] : memref<16384x26x32xf32, #tpu.memory_space<hbm>> -> memref<512x1x32xf32, #tpu.memory_space<hbm>>
    %dma_start3A_336 = tpu.memref_squeeze %dma_start3A_335 : memref<512x1x32xf32, #tpu.memory_space<hbm>> -> memref<512x32xf32, #tpu.memory_space<hbm>>
    tpu.enqueue_dma source(%arg15 : memref<512x32xf32, #tpu.memory_space<vmem>>) target(%dma_start3A_336 : memref<512x32xf32, #tpu.memory_space<hbm>>) target_semaphore(%arg27 : memref<!tpu.dma_semaphore, #tpu.memory_space<semaphore_mem>>)
    %dma_wait3A_337 = arith.constant 13 : i32
    %dma_wait3A_338 = arith.constant 0 : i32
    %dma_wait3A_339 = tpu.memref_slice %arg4[%mul3A_2, %dma_wait3A_337, %dma_wait3A_338] : memref<16384x26x32xf32, #tpu.memory_space<hbm>> -> memref<512x1x32xf32, #tpu.memory_space<hbm>>
    %dma_wait3A_340 = tpu.memref_squeeze %dma_wait3A_339 : memref<512x1x32xf32, #tpu.memory_space<hbm>> -> memref<512x32xf32, #tpu.memory_space<hbm>>
    %dma_wait3A_341 = arith.constant 0 : i32
    %dma_wait3A_342 = tpu.memref_slice %arg4[%mul3A_2, %dma_wait3A_337, %dma_wait3A_341] : memref<16384x26x32xf32, #tpu.memory_space<hbm>> -> memref<512x1x32xf32, #tpu.memory_space<hbm>>
    %dma_wait3A_343 = tpu.memref_squeeze %dma_wait3A_342 : memref<512x1x32xf32, #tpu.memory_space<hbm>> -> memref<512x32xf32, #tpu.memory_space<hbm>>
    tpu.wait_dma2 semaphore(%arg24 : memref<!tpu.dma_semaphore, #tpu.memory_space<semaphore_mem>>) src(%arg12 : memref<512x32xf32, #tpu.memory_space<vmem>>) dst(%dma_wait3A_343 : memref<512x32xf32, #tpu.memory_space<hbm>>)
    %run_scoped3A_344 = arith.constant 19 : i32
    "tpu.region"() ({
      %run_scoped3A_546 = tpu.sem_alloc : memref<!tpu.dma_semaphore, #tpu.memory_space<semaphore_mem>>
      %dma_start3A_547 = tpu.memref_slice %arg2[%run_scoped3A_344, %mul3A_2] : memref<26x16384xi32, #tpu.memory_space<hbm>> -> memref<1x512xi32, #tpu.memory_space<hbm>>
      %dma_start3A_548 = tpu.memref_squeeze %dma_start3A_547 : memref<1x512xi32, #tpu.memory_space<hbm>> -> memref<512xi32, #tpu.memory_space<hbm>>
      %dma_start3A_549 = tpu.memref_slice %arg2[%run_scoped3A_344, %mul3A_2] : memref<26x16384xi32, #tpu.memory_space<hbm>> -> memref<1x512xi32, #tpu.memory_space<hbm>>
      %dma_start3A_550 = tpu.memref_squeeze %dma_start3A_549 : memref<1x512xi32, #tpu.memory_space<hbm>> -> memref<512xi32, #tpu.memory_space<hbm>>
      tpu.enqueue_dma source(%dma_start3A_550 : memref<512xi32, #tpu.memory_space<hbm>>) target(%arg6 : memref<512xi32, #tpu.memory_space<vmem>>) target_semaphore(%run_scoped3A_546 : memref<!tpu.dma_semaphore, #tpu.memory_space<semaphore_mem>>)
      %dma_wait3A_551 = tpu.memref_slice %arg2[%run_scoped3A_344, %mul3A_2] : memref<26x16384xi32, #tpu.memory_space<hbm>> -> memref<1x512xi32, #tpu.memory_space<hbm>>
      %dma_wait3A_552 = tpu.memref_squeeze %dma_wait3A_551 : memref<1x512xi32, #tpu.memory_space<hbm>> -> memref<512xi32, #tpu.memory_space<hbm>>
      %dma_wait3A_553 = tpu.memref_slice %arg2[%run_scoped3A_344, %mul3A_2] : memref<26x16384xi32, #tpu.memory_space<hbm>> -> memref<1x512xi32, #tpu.memory_space<hbm>>
      %dma_wait3A_554 = tpu.memref_squeeze %dma_wait3A_553 : memref<1x512xi32, #tpu.memory_space<hbm>> -> memref<512xi32, #tpu.memory_space<hbm>>
      tpu.wait_dma2 semaphore(%run_scoped3A_546 : memref<!tpu.dma_semaphore, #tpu.memory_space<semaphore_mem>>) src(%dma_wait3A_554 : memref<512xi32, #tpu.memory_space<hbm>>) dst(%arg6 : memref<512xi32, #tpu.memory_space<vmem>>)
      tpu.yield
    }) : () -> ()
    %dma_start3A_345 = arith.constant 0 : i32
    %dma_start3A_346 = arith.constant 0 : i32
    %dma_start3A_347 = tpu.memref_slice %arg3[%dma_start3A_345, %dma_start3A_346] : memref<1000000x32xf32, #tpu.memory_space<hbm>> -> memref<1000000x32xf32, #tpu.memory_space<hbm>>
    tpu.enqueue_indirect_dma source(%dma_start3A_347 : memref<1000000x32xf32, #tpu.memory_space<hbm>>) target(%arg12 : memref<512x32xf32, #tpu.memory_space<vmem>>) offsets(%arg6 : memref<512xi32, #tpu.memory_space<vmem>>) semaphore(%arg18 : memref<!tpu.dma_semaphore, #tpu.memory_space<semaphore_mem>>)
    %dma_wait3A_348 = arith.constant 0 : i32
    %dma_wait3A_349 = arith.constant 0 : i32
    %dma_wait3A_350 = tpu.memref_slice %arg3[%dma_wait3A_348, %dma_wait3A_349] : memref<1000000x32xf32, #tpu.memory_space<hbm>> -> memref<1000000x32xf32, #tpu.memory_space<hbm>>
    tpu.wait_indirect_dma semaphore(%arg22 : memref<!tpu.dma_semaphore, #tpu.memory_space<semaphore_mem>>) src(%dma_wait3A_350 : memref<1000000x32xf32, #tpu.memory_space<hbm>>) dst(%arg16 : memref<512x32xf32, #tpu.memory_space<vmem>>)
    %dma_start3A_351 = arith.constant 17 : i32
    %dma_start3A_352 = arith.constant 0 : i32
    %dma_start3A_353 = tpu.memref_slice %arg4[%mul3A_2, %dma_start3A_351, %dma_start3A_352] : memref<16384x26x32xf32, #tpu.memory_space<hbm>> -> memref<512x1x32xf32, #tpu.memory_space<hbm>>
    %dma_start3A_354 = tpu.memref_squeeze %dma_start3A_353 : memref<512x1x32xf32, #tpu.memory_space<hbm>> -> memref<512x32xf32, #tpu.memory_space<hbm>>
    %dma_start3A_355 = arith.constant 0 : i32
    %dma_start3A_356 = tpu.memref_slice %arg4[%mul3A_2, %dma_start3A_351, %dma_start3A_355] : memref<16384x26x32xf32, #tpu.memory_space<hbm>> -> memref<512x1x32xf32, #tpu.memory_space<hbm>>
    %dma_start3A_357 = tpu.memref_squeeze %dma_start3A_356 : memref<512x1x32xf32, #tpu.memory_space<hbm>> -> memref<512x32xf32, #tpu.memory_space<hbm>>
    tpu.enqueue_dma source(%arg16 : memref<512x32xf32, #tpu.memory_space<vmem>>) target(%dma_start3A_357 : memref<512x32xf32, #tpu.memory_space<hbm>>) target_semaphore(%arg28 : memref<!tpu.dma_semaphore, #tpu.memory_space<semaphore_mem>>)
    %dma_wait3A_358 = arith.constant 14 : i32
    %dma_wait3A_359 = arith.constant 0 : i32
    %dma_wait3A_360 = tpu.memref_slice %arg4[%mul3A_2, %dma_wait3A_358, %dma_wait3A_359] : memref<16384x26x32xf32, #tpu.memory_space<hbm>> -> memref<512x1x32xf32, #tpu.memory_space<hbm>>
    %dma_wait3A_361 = tpu.memref_squeeze %dma_wait3A_360 : memref<512x1x32xf32, #tpu.memory_space<hbm>> -> memref<512x32xf32, #tpu.memory_space<hbm>>
    %dma_wait3A_362 = arith.constant 0 : i32
    %dma_wait3A_363 = tpu.memref_slice %arg4[%mul3A_2, %dma_wait3A_358, %dma_wait3A_362] : memref<16384x26x32xf32, #tpu.memory_space<hbm>> -> memref<512x1x32xf32, #tpu.memory_space<hbm>>
    %dma_wait3A_364 = tpu.memref_squeeze %dma_wait3A_363 : memref<512x1x32xf32, #tpu.memory_space<hbm>> -> memref<512x32xf32, #tpu.memory_space<hbm>>
    tpu.wait_dma2 semaphore(%arg25 : memref<!tpu.dma_semaphore, #tpu.memory_space<semaphore_mem>>) src(%arg13 : memref<512x32xf32, #tpu.memory_space<vmem>>) dst(%dma_wait3A_364 : memref<512x32xf32, #tpu.memory_space<hbm>>)
    %run_scoped3A_365 = arith.constant 20 : i32
    "tpu.region"() ({
      %run_scoped3A_546 = tpu.sem_alloc : memref<!tpu.dma_semaphore, #tpu.memory_space<semaphore_mem>>
      %dma_start3A_547 = tpu.memref_slice %arg2[%run_scoped3A_365, %mul3A_2] : memref<26x16384xi32, #tpu.memory_space<hbm>> -> memref<1x512xi32, #tpu.memory_space<hbm>>
      %dma_start3A_548 = tpu.memref_squeeze %dma_start3A_547 : memref<1x512xi32, #tpu.memory_space<hbm>> -> memref<512xi32, #tpu.memory_space<hbm>>
      %dma_start3A_549 = tpu.memref_slice %arg2[%run_scoped3A_365, %mul3A_2] : memref<26x16384xi32, #tpu.memory_space<hbm>> -> memref<1x512xi32, #tpu.memory_space<hbm>>
      %dma_start3A_550 = tpu.memref_squeeze %dma_start3A_549 : memref<1x512xi32, #tpu.memory_space<hbm>> -> memref<512xi32, #tpu.memory_space<hbm>>
      tpu.enqueue_dma source(%dma_start3A_550 : memref<512xi32, #tpu.memory_space<hbm>>) target(%arg7 : memref<512xi32, #tpu.memory_space<vmem>>) target_semaphore(%run_scoped3A_546 : memref<!tpu.dma_semaphore, #tpu.memory_space<semaphore_mem>>)
      %dma_wait3A_551 = tpu.memref_slice %arg2[%run_scoped3A_365, %mul3A_2] : memref<26x16384xi32, #tpu.memory_space<hbm>> -> memref<1x512xi32, #tpu.memory_space<hbm>>
      %dma_wait3A_552 = tpu.memref_squeeze %dma_wait3A_551 : memref<1x512xi32, #tpu.memory_space<hbm>> -> memref<512xi32, #tpu.memory_space<hbm>>
      %dma_wait3A_553 = tpu.memref_slice %arg2[%run_scoped3A_365, %mul3A_2] : memref<26x16384xi32, #tpu.memory_space<hbm>> -> memref<1x512xi32, #tpu.memory_space<hbm>>
      %dma_wait3A_554 = tpu.memref_squeeze %dma_wait3A_553 : memref<1x512xi32, #tpu.memory_space<hbm>> -> memref<512xi32, #tpu.memory_space<hbm>>
      tpu.wait_dma2 semaphore(%run_scoped3A_546 : memref<!tpu.dma_semaphore, #tpu.memory_space<semaphore_mem>>) src(%dma_wait3A_554 : memref<512xi32, #tpu.memory_space<hbm>>) dst(%arg7 : memref<512xi32, #tpu.memory_space<vmem>>)
      tpu.yield
    }) : () -> ()
    %dma_start3A_366 = arith.constant 0 : i32
    %dma_start3A_367 = arith.constant 0 : i32
    %dma_start3A_368 = tpu.memref_slice %arg3[%dma_start3A_366, %dma_start3A_367] : memref<1000000x32xf32, #tpu.memory_space<hbm>> -> memref<1000000x32xf32, #tpu.memory_space<hbm>>
    tpu.enqueue_indirect_dma source(%dma_start3A_368 : memref<1000000x32xf32, #tpu.memory_space<hbm>>) target(%arg13 : memref<512x32xf32, #tpu.memory_space<vmem>>) offsets(%arg7 : memref<512xi32, #tpu.memory_space<vmem>>) semaphore(%arg19 : memref<!tpu.dma_semaphore, #tpu.memory_space<semaphore_mem>>)
    %dma_wait3A_369 = arith.constant 0 : i32
    %dma_wait3A_370 = arith.constant 0 : i32
    %dma_wait3A_371 = tpu.memref_slice %arg3[%dma_wait3A_369, %dma_wait3A_370] : memref<1000000x32xf32, #tpu.memory_space<hbm>> -> memref<1000000x32xf32, #tpu.memory_space<hbm>>
    tpu.wait_indirect_dma semaphore(%arg17 : memref<!tpu.dma_semaphore, #tpu.memory_space<semaphore_mem>>) src(%dma_wait3A_371 : memref<1000000x32xf32, #tpu.memory_space<hbm>>) dst(%arg11 : memref<512x32xf32, #tpu.memory_space<vmem>>)
    %dma_start3A_372 = arith.constant 18 : i32
    %dma_start3A_373 = arith.constant 0 : i32
    %dma_start3A_374 = tpu.memref_slice %arg4[%mul3A_2, %dma_start3A_372, %dma_start3A_373] : memref<16384x26x32xf32, #tpu.memory_space<hbm>> -> memref<512x1x32xf32, #tpu.memory_space<hbm>>
    %dma_start3A_375 = tpu.memref_squeeze %dma_start3A_374 : memref<512x1x32xf32, #tpu.memory_space<hbm>> -> memref<512x32xf32, #tpu.memory_space<hbm>>
    %dma_start3A_376 = arith.constant 0 : i32
    %dma_start3A_377 = tpu.memref_slice %arg4[%mul3A_2, %dma_start3A_372, %dma_start3A_376] : memref<16384x26x32xf32, #tpu.memory_space<hbm>> -> memref<512x1x32xf32, #tpu.memory_space<hbm>>
    %dma_start3A_378 = tpu.memref_squeeze %dma_start3A_377 : memref<512x1x32xf32, #tpu.memory_space<hbm>> -> memref<512x32xf32, #tpu.memory_space<hbm>>
    tpu.enqueue_dma source(%arg11 : memref<512x32xf32, #tpu.memory_space<vmem>>) target(%dma_start3A_378 : memref<512x32xf32, #tpu.memory_space<hbm>>) target_semaphore(%arg23 : memref<!tpu.dma_semaphore, #tpu.memory_space<semaphore_mem>>)
    %dma_wait3A_379 = arith.constant 15 : i32
    %dma_wait3A_380 = arith.constant 0 : i32
    %dma_wait3A_381 = tpu.memref_slice %arg4[%mul3A_2, %dma_wait3A_379, %dma_wait3A_380] : memref<16384x26x32xf32, #tpu.memory_space<hbm>> -> memref<512x1x32xf32, #tpu.memory_space<hbm>>
    %dma_wait3A_382 = tpu.memref_squeeze %dma_wait3A_381 : memref<512x1x32xf32, #tpu.memory_space<hbm>> -> memref<512x32xf32, #tpu.memory_space<hbm>>
    %dma_wait3A_383 = arith.constant 0 : i32
    %dma_wait3A_384 = tpu.memref_slice %arg4[%mul3A_2, %dma_wait3A_379, %dma_wait3A_383] : memref<16384x26x32xf32, #tpu.memory_space<hbm>> -> memref<512x1x32xf32, #tpu.memory_space<hbm>>
    %dma_wait3A_385 = tpu.memref_squeeze %dma_wait3A_384 : memref<512x1x32xf32, #tpu.memory_space<hbm>> -> memref<512x32xf32, #tpu.memory_space<hbm>>
    tpu.wait_dma2 semaphore(%arg26 : memref<!tpu.dma_semaphore, #tpu.memory_space<semaphore_mem>>) src(%arg14 : memref<512x32xf32, #tpu.memory_space<vmem>>) dst(%dma_wait3A_385 : memref<512x32xf32, #tpu.memory_space<hbm>>)
    %run_scoped3A_386 = arith.constant 21 : i32
    "tpu.region"() ({
      %run_scoped3A_546 = tpu.sem_alloc : memref<!tpu.dma_semaphore, #tpu.memory_space<semaphore_mem>>
      %dma_start3A_547 = tpu.memref_slice %arg2[%run_scoped3A_386, %mul3A_2] : memref<26x16384xi32, #tpu.memory_space<hbm>> -> memref<1x512xi32, #tpu.memory_space<hbm>>
      %dma_start3A_548 = tpu.memref_squeeze %dma_start3A_547 : memref<1x512xi32, #tpu.memory_space<hbm>> -> memref<512xi32, #tpu.memory_space<hbm>>
      %dma_start3A_549 = tpu.memref_slice %arg2[%run_scoped3A_386, %mul3A_2] : memref<26x16384xi32, #tpu.memory_space<hbm>> -> memref<1x512xi32, #tpu.memory_space<hbm>>
      %dma_start3A_550 = tpu.memref_squeeze %dma_start3A_549 : memref<1x512xi32, #tpu.memory_space<hbm>> -> memref<512xi32, #tpu.memory_space<hbm>>
      tpu.enqueue_dma source(%dma_start3A_550 : memref<512xi32, #tpu.memory_space<hbm>>) target(%arg8 : memref<512xi32, #tpu.memory_space<vmem>>) target_semaphore(%run_scoped3A_546 : memref<!tpu.dma_semaphore, #tpu.memory_space<semaphore_mem>>)
      %dma_wait3A_551 = tpu.memref_slice %arg2[%run_scoped3A_386, %mul3A_2] : memref<26x16384xi32, #tpu.memory_space<hbm>> -> memref<1x512xi32, #tpu.memory_space<hbm>>
      %dma_wait3A_552 = tpu.memref_squeeze %dma_wait3A_551 : memref<1x512xi32, #tpu.memory_space<hbm>> -> memref<512xi32, #tpu.memory_space<hbm>>
      %dma_wait3A_553 = tpu.memref_slice %arg2[%run_scoped3A_386, %mul3A_2] : memref<26x16384xi32, #tpu.memory_space<hbm>> -> memref<1x512xi32, #tpu.memory_space<hbm>>
      %dma_wait3A_554 = tpu.memref_squeeze %dma_wait3A_553 : memref<1x512xi32, #tpu.memory_space<hbm>> -> memref<512xi32, #tpu.memory_space<hbm>>
      tpu.wait_dma2 semaphore(%run_scoped3A_546 : memref<!tpu.dma_semaphore, #tpu.memory_space<semaphore_mem>>) src(%dma_wait3A_554 : memref<512xi32, #tpu.memory_space<hbm>>) dst(%arg8 : memref<512xi32, #tpu.memory_space<vmem>>)
      tpu.yield
    }) : () -> ()
    %dma_start3A_387 = arith.constant 0 : i32
    %dma_start3A_388 = arith.constant 0 : i32
    %dma_start3A_389 = tpu.memref_slice %arg3[%dma_start3A_387, %dma_start3A_388] : memref<1000000x32xf32, #tpu.memory_space<hbm>> -> memref<1000000x32xf32, #tpu.memory_space<hbm>>
    tpu.enqueue_indirect_dma source(%dma_start3A_389 : memref<1000000x32xf32, #tpu.memory_space<hbm>>) target(%arg14 : memref<512x32xf32, #tpu.memory_space<vmem>>) offsets(%arg8 : memref<512xi32, #tpu.memory_space<vmem>>) semaphore(%arg20 : memref<!tpu.dma_semaphore, #tpu.memory_space<semaphore_mem>>)
    %dma_wait3A_390 = arith.constant 0 : i32
    %dma_wait3A_391 = arith.constant 0 : i32
    %dma_wait3A_392 = tpu.memref_slice %arg3[%dma_wait3A_390, %dma_wait3A_391] : memref<1000000x32xf32, #tpu.memory_space<hbm>> -> memref<1000000x32xf32, #tpu.memory_space<hbm>>
    tpu.wait_indirect_dma semaphore(%arg18 : memref<!tpu.dma_semaphore, #tpu.memory_space<semaphore_mem>>) src(%dma_wait3A_392 : memref<1000000x32xf32, #tpu.memory_space<hbm>>) dst(%arg12 : memref<512x32xf32, #tpu.memory_space<vmem>>)
    %dma_start3A_393 = arith.constant 19 : i32
    %dma_start3A_394 = arith.constant 0 : i32
    %dma_start3A_395 = tpu.memref_slice %arg4[%mul3A_2, %dma_start3A_393, %dma_start3A_394] : memref<16384x26x32xf32, #tpu.memory_space<hbm>> -> memref<512x1x32xf32, #tpu.memory_space<hbm>>
    %dma_start3A_396 = tpu.memref_squeeze %dma_start3A_395 : memref<512x1x32xf32, #tpu.memory_space<hbm>> -> memref<512x32xf32, #tpu.memory_space<hbm>>
    %dma_start3A_397 = arith.constant 0 : i32
    %dma_start3A_398 = tpu.memref_slice %arg4[%mul3A_2, %dma_start3A_393, %dma_start3A_397] : memref<16384x26x32xf32, #tpu.memory_space<hbm>> -> memref<512x1x32xf32, #tpu.memory_space<hbm>>
    %dma_start3A_399 = tpu.memref_squeeze %dma_start3A_398 : memref<512x1x32xf32, #tpu.memory_space<hbm>> -> memref<512x32xf32, #tpu.memory_space<hbm>>
    tpu.enqueue_dma source(%arg12 : memref<512x32xf32, #tpu.memory_space<vmem>>) target(%dma_start3A_399 : memref<512x32xf32, #tpu.memory_space<hbm>>) target_semaphore(%arg24 : memref<!tpu.dma_semaphore, #tpu.memory_space<semaphore_mem>>)
    %dma_wait3A_400 = arith.constant 16 : i32
    %dma_wait3A_401 = arith.constant 0 : i32
    %dma_wait3A_402 = tpu.memref_slice %arg4[%mul3A_2, %dma_wait3A_400, %dma_wait3A_401] : memref<16384x26x32xf32, #tpu.memory_space<hbm>> -> memref<512x1x32xf32, #tpu.memory_space<hbm>>
    %dma_wait3A_403 = tpu.memref_squeeze %dma_wait3A_402 : memref<512x1x32xf32, #tpu.memory_space<hbm>> -> memref<512x32xf32, #tpu.memory_space<hbm>>
    %dma_wait3A_404 = arith.constant 0 : i32
    %dma_wait3A_405 = tpu.memref_slice %arg4[%mul3A_2, %dma_wait3A_400, %dma_wait3A_404] : memref<16384x26x32xf32, #tpu.memory_space<hbm>> -> memref<512x1x32xf32, #tpu.memory_space<hbm>>
    %dma_wait3A_406 = tpu.memref_squeeze %dma_wait3A_405 : memref<512x1x32xf32, #tpu.memory_space<hbm>> -> memref<512x32xf32, #tpu.memory_space<hbm>>
    tpu.wait_dma2 semaphore(%arg27 : memref<!tpu.dma_semaphore, #tpu.memory_space<semaphore_mem>>) src(%arg15 : memref<512x32xf32, #tpu.memory_space<vmem>>) dst(%dma_wait3A_406 : memref<512x32xf32, #tpu.memory_space<hbm>>)
    %run_scoped3A_407 = arith.constant 22 : i32
    "tpu.region"() ({
      %run_scoped3A_546 = tpu.sem_alloc : memref<!tpu.dma_semaphore, #tpu.memory_space<semaphore_mem>>
      %dma_start3A_547 = tpu.memref_slice %arg2[%run_scoped3A_407, %mul3A_2] : memref<26x16384xi32, #tpu.memory_space<hbm>> -> memref<1x512xi32, #tpu.memory_space<hbm>>
      %dma_start3A_548 = tpu.memref_squeeze %dma_start3A_547 : memref<1x512xi32, #tpu.memory_space<hbm>> -> memref<512xi32, #tpu.memory_space<hbm>>
      %dma_start3A_549 = tpu.memref_slice %arg2[%run_scoped3A_407, %mul3A_2] : memref<26x16384xi32, #tpu.memory_space<hbm>> -> memref<1x512xi32, #tpu.memory_space<hbm>>
      %dma_start3A_550 = tpu.memref_squeeze %dma_start3A_549 : memref<1x512xi32, #tpu.memory_space<hbm>> -> memref<512xi32, #tpu.memory_space<hbm>>
      tpu.enqueue_dma source(%dma_start3A_550 : memref<512xi32, #tpu.memory_space<hbm>>) target(%arg9 : memref<512xi32, #tpu.memory_space<vmem>>) target_semaphore(%run_scoped3A_546 : memref<!tpu.dma_semaphore, #tpu.memory_space<semaphore_mem>>)
      %dma_wait3A_551 = tpu.memref_slice %arg2[%run_scoped3A_407, %mul3A_2] : memref<26x16384xi32, #tpu.memory_space<hbm>> -> memref<1x512xi32, #tpu.memory_space<hbm>>
      %dma_wait3A_552 = tpu.memref_squeeze %dma_wait3A_551 : memref<1x512xi32, #tpu.memory_space<hbm>> -> memref<512xi32, #tpu.memory_space<hbm>>
      %dma_wait3A_553 = tpu.memref_slice %arg2[%run_scoped3A_407, %mul3A_2] : memref<26x16384xi32, #tpu.memory_space<hbm>> -> memref<1x512xi32, #tpu.memory_space<hbm>>
      %dma_wait3A_554 = tpu.memref_squeeze %dma_wait3A_553 : memref<1x512xi32, #tpu.memory_space<hbm>> -> memref<512xi32, #tpu.memory_space<hbm>>
      tpu.wait_dma2 semaphore(%run_scoped3A_546 : memref<!tpu.dma_semaphore, #tpu.memory_space<semaphore_mem>>) src(%dma_wait3A_554 : memref<512xi32, #tpu.memory_space<hbm>>) dst(%arg9 : memref<512xi32, #tpu.memory_space<vmem>>)
      tpu.yield
    }) : () -> ()
    %dma_start3A_408 = arith.constant 0 : i32
    %dma_start3A_409 = arith.constant 0 : i32
    %dma_start3A_410 = tpu.memref_slice %arg3[%dma_start3A_408, %dma_start3A_409] : memref<1000000x32xf32, #tpu.memory_space<hbm>> -> memref<1000000x32xf32, #tpu.memory_space<hbm>>
    tpu.enqueue_indirect_dma source(%dma_start3A_410 : memref<1000000x32xf32, #tpu.memory_space<hbm>>) target(%arg15 : memref<512x32xf32, #tpu.memory_space<vmem>>) offsets(%arg9 : memref<512xi32, #tpu.memory_space<vmem>>) semaphore(%arg21 : memref<!tpu.dma_semaphore, #tpu.memory_space<semaphore_mem>>)
    %dma_wait3A_411 = arith.constant 0 : i32
    %dma_wait3A_412 = arith.constant 0 : i32
    %dma_wait3A_413 = tpu.memref_slice %arg3[%dma_wait3A_411, %dma_wait3A_412] : memref<1000000x32xf32, #tpu.memory_space<hbm>> -> memref<1000000x32xf32, #tpu.memory_space<hbm>>
    tpu.wait_indirect_dma semaphore(%arg19 : memref<!tpu.dma_semaphore, #tpu.memory_space<semaphore_mem>>) src(%dma_wait3A_413 : memref<1000000x32xf32, #tpu.memory_space<hbm>>) dst(%arg13 : memref<512x32xf32, #tpu.memory_space<vmem>>)
    %dma_start3A_414 = arith.constant 20 : i32
    %dma_start3A_415 = arith.constant 0 : i32
    %dma_start3A_416 = tpu.memref_slice %arg4[%mul3A_2, %dma_start3A_414, %dma_start3A_415] : memref<16384x26x32xf32, #tpu.memory_space<hbm>> -> memref<512x1x32xf32, #tpu.memory_space<hbm>>
    %dma_start3A_417 = tpu.memref_squeeze %dma_start3A_416 : memref<512x1x32xf32, #tpu.memory_space<hbm>> -> memref<512x32xf32, #tpu.memory_space<hbm>>
    %dma_start3A_418 = arith.constant 0 : i32
    %dma_start3A_419 = tpu.memref_slice %arg4[%mul3A_2, %dma_start3A_414, %dma_start3A_418] : memref<16384x26x32xf32, #tpu.memory_space<hbm>> -> memref<512x1x32xf32, #tpu.memory_space<hbm>>
    %dma_start3A_420 = tpu.memref_squeeze %dma_start3A_419 : memref<512x1x32xf32, #tpu.memory_space<hbm>> -> memref<512x32xf32, #tpu.memory_space<hbm>>
    tpu.enqueue_dma source(%arg13 : memref<512x32xf32, #tpu.memory_space<vmem>>) target(%dma_start3A_420 : memref<512x32xf32, #tpu.memory_space<hbm>>) target_semaphore(%arg25 : memref<!tpu.dma_semaphore, #tpu.memory_space<semaphore_mem>>)
    %dma_wait3A_421 = arith.constant 17 : i32
    %dma_wait3A_422 = arith.constant 0 : i32
    %dma_wait3A_423 = tpu.memref_slice %arg4[%mul3A_2, %dma_wait3A_421, %dma_wait3A_422] : memref<16384x26x32xf32, #tpu.memory_space<hbm>> -> memref<512x1x32xf32, #tpu.memory_space<hbm>>
    %dma_wait3A_424 = tpu.memref_squeeze %dma_wait3A_423 : memref<512x1x32xf32, #tpu.memory_space<hbm>> -> memref<512x32xf32, #tpu.memory_space<hbm>>
    %dma_wait3A_425 = arith.constant 0 : i32
    %dma_wait3A_426 = tpu.memref_slice %arg4[%mul3A_2, %dma_wait3A_421, %dma_wait3A_425] : memref<16384x26x32xf32, #tpu.memory_space<hbm>> -> memref<512x1x32xf32, #tpu.memory_space<hbm>>
    %dma_wait3A_427 = tpu.memref_squeeze %dma_wait3A_426 : memref<512x1x32xf32, #tpu.memory_space<hbm>> -> memref<512x32xf32, #tpu.memory_space<hbm>>
    tpu.wait_dma2 semaphore(%arg28 : memref<!tpu.dma_semaphore, #tpu.memory_space<semaphore_mem>>) src(%arg16 : memref<512x32xf32, #tpu.memory_space<vmem>>) dst(%dma_wait3A_427 : memref<512x32xf32, #tpu.memory_space<hbm>>)
    %run_scoped3A_428 = arith.constant 23 : i32
    "tpu.region"() ({
      %run_scoped3A_546 = tpu.sem_alloc : memref<!tpu.dma_semaphore, #tpu.memory_space<semaphore_mem>>
      %dma_start3A_547 = tpu.memref_slice %arg2[%run_scoped3A_428, %mul3A_2] : memref<26x16384xi32, #tpu.memory_space<hbm>> -> memref<1x512xi32, #tpu.memory_space<hbm>>
      %dma_start3A_548 = tpu.memref_squeeze %dma_start3A_547 : memref<1x512xi32, #tpu.memory_space<hbm>> -> memref<512xi32, #tpu.memory_space<hbm>>
      %dma_start3A_549 = tpu.memref_slice %arg2[%run_scoped3A_428, %mul3A_2] : memref<26x16384xi32, #tpu.memory_space<hbm>> -> memref<1x512xi32, #tpu.memory_space<hbm>>
      %dma_start3A_550 = tpu.memref_squeeze %dma_start3A_549 : memref<1x512xi32, #tpu.memory_space<hbm>> -> memref<512xi32, #tpu.memory_space<hbm>>
      tpu.enqueue_dma source(%dma_start3A_550 : memref<512xi32, #tpu.memory_space<hbm>>) target(%arg10 : memref<512xi32, #tpu.memory_space<vmem>>) target_semaphore(%run_scoped3A_546 : memref<!tpu.dma_semaphore, #tpu.memory_space<semaphore_mem>>)
      %dma_wait3A_551 = tpu.memref_slice %arg2[%run_scoped3A_428, %mul3A_2] : memref<26x16384xi32, #tpu.memory_space<hbm>> -> memref<1x512xi32, #tpu.memory_space<hbm>>
      %dma_wait3A_552 = tpu.memref_squeeze %dma_wait3A_551 : memref<1x512xi32, #tpu.memory_space<hbm>> -> memref<512xi32, #tpu.memory_space<hbm>>
      %dma_wait3A_553 = tpu.memref_slice %arg2[%run_scoped3A_428, %mul3A_2] : memref<26x16384xi32, #tpu.memory_space<hbm>> -> memref<1x512xi32, #tpu.memory_space<hbm>>
      %dma_wait3A_554 = tpu.memref_squeeze %dma_wait3A_553 : memref<1x512xi32, #tpu.memory_space<hbm>> -> memref<512xi32, #tpu.memory_space<hbm>>
      tpu.wait_dma2 semaphore(%run_scoped3A_546 : memref<!tpu.dma_semaphore, #tpu.memory_space<semaphore_mem>>) src(%dma_wait3A_554 : memref<512xi32, #tpu.memory_space<hbm>>) dst(%arg10 : memref<512xi32, #tpu.memory_space<vmem>>)
      tpu.yield
    }) : () -> ()
    %dma_start3A_429 = arith.constant 0 : i32
    %dma_start3A_430 = arith.constant 0 : i32
    %dma_start3A_431 = tpu.memref_slice %arg3[%dma_start3A_429, %dma_start3A_430] : memref<1000000x32xf32, #tpu.memory_space<hbm>> -> memref<1000000x32xf32, #tpu.memory_space<hbm>>
    tpu.enqueue_indirect_dma source(%dma_start3A_431 : memref<1000000x32xf32, #tpu.memory_space<hbm>>) target(%arg16 : memref<512x32xf32, #tpu.memory_space<vmem>>) offsets(%arg10 : memref<512xi32, #tpu.memory_space<vmem>>) semaphore(%arg22 : memref<!tpu.dma_semaphore, #tpu.memory_space<semaphore_mem>>)
    %dma_wait3A_432 = arith.constant 0 : i32
    %dma_wait3A_433 = arith.constant 0 : i32
    %dma_wait3A_434 = tpu.memref_slice %arg3[%dma_wait3A_432, %dma_wait3A_433] : memref<1000000x32xf32, #tpu.memory_space<hbm>> -> memref<1000000x32xf32, #tpu.memory_space<hbm>>
    tpu.wait_indirect_dma semaphore(%arg20 : memref<!tpu.dma_semaphore, #tpu.memory_space<semaphore_mem>>) src(%dma_wait3A_434 : memref<1000000x32xf32, #tpu.memory_space<hbm>>) dst(%arg14 : memref<512x32xf32, #tpu.memory_space<vmem>>)
    %dma_start3A_435 = arith.constant 21 : i32
    %dma_start3A_436 = arith.constant 0 : i32
    %dma_start3A_437 = tpu.memref_slice %arg4[%mul3A_2, %dma_start3A_435, %dma_start3A_436] : memref<16384x26x32xf32, #tpu.memory_space<hbm>> -> memref<512x1x32xf32, #tpu.memory_space<hbm>>
    %dma_start3A_438 = tpu.memref_squeeze %dma_start3A_437 : memref<512x1x32xf32, #tpu.memory_space<hbm>> -> memref<512x32xf32, #tpu.memory_space<hbm>>
    %dma_start3A_439 = arith.constant 0 : i32
    %dma_start3A_440 = tpu.memref_slice %arg4[%mul3A_2, %dma_start3A_435, %dma_start3A_439] : memref<16384x26x32xf32, #tpu.memory_space<hbm>> -> memref<512x1x32xf32, #tpu.memory_space<hbm>>
    %dma_start3A_441 = tpu.memref_squeeze %dma_start3A_440 : memref<512x1x32xf32, #tpu.memory_space<hbm>> -> memref<512x32xf32, #tpu.memory_space<hbm>>
    tpu.enqueue_dma source(%arg14 : memref<512x32xf32, #tpu.memory_space<vmem>>) target(%dma_start3A_441 : memref<512x32xf32, #tpu.memory_space<hbm>>) target_semaphore(%arg26 : memref<!tpu.dma_semaphore, #tpu.memory_space<semaphore_mem>>)
    %dma_wait3A_442 = arith.constant 18 : i32
    %dma_wait3A_443 = arith.constant 0 : i32
    %dma_wait3A_444 = tpu.memref_slice %arg4[%mul3A_2, %dma_wait3A_442, %dma_wait3A_443] : memref<16384x26x32xf32, #tpu.memory_space<hbm>> -> memref<512x1x32xf32, #tpu.memory_space<hbm>>
    %dma_wait3A_445 = tpu.memref_squeeze %dma_wait3A_444 : memref<512x1x32xf32, #tpu.memory_space<hbm>> -> memref<512x32xf32, #tpu.memory_space<hbm>>
    %dma_wait3A_446 = arith.constant 0 : i32
    %dma_wait3A_447 = tpu.memref_slice %arg4[%mul3A_2, %dma_wait3A_442, %dma_wait3A_446] : memref<16384x26x32xf32, #tpu.memory_space<hbm>> -> memref<512x1x32xf32, #tpu.memory_space<hbm>>
    %dma_wait3A_448 = tpu.memref_squeeze %dma_wait3A_447 : memref<512x1x32xf32, #tpu.memory_space<hbm>> -> memref<512x32xf32, #tpu.memory_space<hbm>>
    tpu.wait_dma2 semaphore(%arg23 : memref<!tpu.dma_semaphore, #tpu.memory_space<semaphore_mem>>) src(%arg11 : memref<512x32xf32, #tpu.memory_space<vmem>>) dst(%dma_wait3A_448 : memref<512x32xf32, #tpu.memory_space<hbm>>)
    %run_scoped3A_449 = arith.constant 24 : i32
    "tpu.region"() ({
      %run_scoped3A_546 = tpu.sem_alloc : memref<!tpu.dma_semaphore, #tpu.memory_space<semaphore_mem>>
      %dma_start3A_547 = tpu.memref_slice %arg2[%run_scoped3A_449, %mul3A_2] : memref<26x16384xi32, #tpu.memory_space<hbm>> -> memref<1x512xi32, #tpu.memory_space<hbm>>
      %dma_start3A_548 = tpu.memref_squeeze %dma_start3A_547 : memref<1x512xi32, #tpu.memory_space<hbm>> -> memref<512xi32, #tpu.memory_space<hbm>>
      %dma_start3A_549 = tpu.memref_slice %arg2[%run_scoped3A_449, %mul3A_2] : memref<26x16384xi32, #tpu.memory_space<hbm>> -> memref<1x512xi32, #tpu.memory_space<hbm>>
      %dma_start3A_550 = tpu.memref_squeeze %dma_start3A_549 : memref<1x512xi32, #tpu.memory_space<hbm>> -> memref<512xi32, #tpu.memory_space<hbm>>
      tpu.enqueue_dma source(%dma_start3A_550 : memref<512xi32, #tpu.memory_space<hbm>>) target(%arg5 : memref<512xi32, #tpu.memory_space<vmem>>) target_semaphore(%run_scoped3A_546 : memref<!tpu.dma_semaphore, #tpu.memory_space<semaphore_mem>>)
      %dma_wait3A_551 = tpu.memref_slice %arg2[%run_scoped3A_449, %mul3A_2] : memref<26x16384xi32, #tpu.memory_space<hbm>> -> memref<1x512xi32, #tpu.memory_space<hbm>>
      %dma_wait3A_552 = tpu.memref_squeeze %dma_wait3A_551 : memref<1x512xi32, #tpu.memory_space<hbm>> -> memref<512xi32, #tpu.memory_space<hbm>>
      %dma_wait3A_553 = tpu.memref_slice %arg2[%run_scoped3A_449, %mul3A_2] : memref<26x16384xi32, #tpu.memory_space<hbm>> -> memref<1x512xi32, #tpu.memory_space<hbm>>
      %dma_wait3A_554 = tpu.memref_squeeze %dma_wait3A_553 : memref<1x512xi32, #tpu.memory_space<hbm>> -> memref<512xi32, #tpu.memory_space<hbm>>
      tpu.wait_dma2 semaphore(%run_scoped3A_546 : memref<!tpu.dma_semaphore, #tpu.memory_space<semaphore_mem>>) src(%dma_wait3A_554 : memref<512xi32, #tpu.memory_space<hbm>>) dst(%arg5 : memref<512xi32, #tpu.memory_space<vmem>>)
      tpu.yield
    }) : () -> ()
    %dma_start3A_450 = arith.constant 0 : i32
    %dma_start3A_451 = arith.constant 0 : i32
    %dma_start3A_452 = tpu.memref_slice %arg3[%dma_start3A_450, %dma_start3A_451] : memref<1000000x32xf32, #tpu.memory_space<hbm>> -> memref<1000000x32xf32, #tpu.memory_space<hbm>>
    tpu.enqueue_indirect_dma source(%dma_start3A_452 : memref<1000000x32xf32, #tpu.memory_space<hbm>>) target(%arg11 : memref<512x32xf32, #tpu.memory_space<vmem>>) offsets(%arg5 : memref<512xi32, #tpu.memory_space<vmem>>) semaphore(%arg17 : memref<!tpu.dma_semaphore, #tpu.memory_space<semaphore_mem>>)
    %dma_wait3A_453 = arith.constant 0 : i32
    %dma_wait3A_454 = arith.constant 0 : i32
    %dma_wait3A_455 = tpu.memref_slice %arg3[%dma_wait3A_453, %dma_wait3A_454] : memref<1000000x32xf32, #tpu.memory_space<hbm>> -> memref<1000000x32xf32, #tpu.memory_space<hbm>>
    tpu.wait_indirect_dma semaphore(%arg21 : memref<!tpu.dma_semaphore, #tpu.memory_space<semaphore_mem>>) src(%dma_wait3A_455 : memref<1000000x32xf32, #tpu.memory_space<hbm>>) dst(%arg15 : memref<512x32xf32, #tpu.memory_space<vmem>>)
    %dma_start3A_456 = arith.constant 22 : i32
    %dma_start3A_457 = arith.constant 0 : i32
    %dma_start3A_458 = tpu.memref_slice %arg4[%mul3A_2, %dma_start3A_456, %dma_start3A_457] : memref<16384x26x32xf32, #tpu.memory_space<hbm>> -> memref<512x1x32xf32, #tpu.memory_space<hbm>>
    %dma_start3A_459 = tpu.memref_squeeze %dma_start3A_458 : memref<512x1x32xf32, #tpu.memory_space<hbm>> -> memref<512x32xf32, #tpu.memory_space<hbm>>
    %dma_start3A_460 = arith.constant 0 : i32
    %dma_start3A_461 = tpu.memref_slice %arg4[%mul3A_2, %dma_start3A_456, %dma_start3A_460] : memref<16384x26x32xf32, #tpu.memory_space<hbm>> -> memref<512x1x32xf32, #tpu.memory_space<hbm>>
    %dma_start3A_462 = tpu.memref_squeeze %dma_start3A_461 : memref<512x1x32xf32, #tpu.memory_space<hbm>> -> memref<512x32xf32, #tpu.memory_space<hbm>>
    tpu.enqueue_dma source(%arg15 : memref<512x32xf32, #tpu.memory_space<vmem>>) target(%dma_start3A_462 : memref<512x32xf32, #tpu.memory_space<hbm>>) target_semaphore(%arg27 : memref<!tpu.dma_semaphore, #tpu.memory_space<semaphore_mem>>)
    %dma_wait3A_463 = arith.constant 19 : i32
    %dma_wait3A_464 = arith.constant 0 : i32
    %dma_wait3A_465 = tpu.memref_slice %arg4[%mul3A_2, %dma_wait3A_463, %dma_wait3A_464] : memref<16384x26x32xf32, #tpu.memory_space<hbm>> -> memref<512x1x32xf32, #tpu.memory_space<hbm>>
    %dma_wait3A_466 = tpu.memref_squeeze %dma_wait3A_465 : memref<512x1x32xf32, #tpu.memory_space<hbm>> -> memref<512x32xf32, #tpu.memory_space<hbm>>
    %dma_wait3A_467 = arith.constant 0 : i32
    %dma_wait3A_468 = tpu.memref_slice %arg4[%mul3A_2, %dma_wait3A_463, %dma_wait3A_467] : memref<16384x26x32xf32, #tpu.memory_space<hbm>> -> memref<512x1x32xf32, #tpu.memory_space<hbm>>
    %dma_wait3A_469 = tpu.memref_squeeze %dma_wait3A_468 : memref<512x1x32xf32, #tpu.memory_space<hbm>> -> memref<512x32xf32, #tpu.memory_space<hbm>>
    tpu.wait_dma2 semaphore(%arg24 : memref<!tpu.dma_semaphore, #tpu.memory_space<semaphore_mem>>) src(%arg12 : memref<512x32xf32, #tpu.memory_space<vmem>>) dst(%dma_wait3A_469 : memref<512x32xf32, #tpu.memory_space<hbm>>)
    %run_scoped3A_470 = arith.constant 25 : i32
    "tpu.region"() ({
      %run_scoped3A_546 = tpu.sem_alloc : memref<!tpu.dma_semaphore, #tpu.memory_space<semaphore_mem>>
      %dma_start3A_547 = tpu.memref_slice %arg2[%run_scoped3A_470, %mul3A_2] : memref<26x16384xi32, #tpu.memory_space<hbm>> -> memref<1x512xi32, #tpu.memory_space<hbm>>
      %dma_start3A_548 = tpu.memref_squeeze %dma_start3A_547 : memref<1x512xi32, #tpu.memory_space<hbm>> -> memref<512xi32, #tpu.memory_space<hbm>>
      %dma_start3A_549 = tpu.memref_slice %arg2[%run_scoped3A_470, %mul3A_2] : memref<26x16384xi32, #tpu.memory_space<hbm>> -> memref<1x512xi32, #tpu.memory_space<hbm>>
      %dma_start3A_550 = tpu.memref_squeeze %dma_start3A_549 : memref<1x512xi32, #tpu.memory_space<hbm>> -> memref<512xi32, #tpu.memory_space<hbm>>
      tpu.enqueue_dma source(%dma_start3A_550 : memref<512xi32, #tpu.memory_space<hbm>>) target(%arg6 : memref<512xi32, #tpu.memory_space<vmem>>) target_semaphore(%run_scoped3A_546 : memref<!tpu.dma_semaphore, #tpu.memory_space<semaphore_mem>>)
      %dma_wait3A_551 = tpu.memref_slice %arg2[%run_scoped3A_470, %mul3A_2] : memref<26x16384xi32, #tpu.memory_space<hbm>> -> memref<1x512xi32, #tpu.memory_space<hbm>>
      %dma_wait3A_552 = tpu.memref_squeeze %dma_wait3A_551 : memref<1x512xi32, #tpu.memory_space<hbm>> -> memref<512xi32, #tpu.memory_space<hbm>>
      %dma_wait3A_553 = tpu.memref_slice %arg2[%run_scoped3A_470, %mul3A_2] : memref<26x16384xi32, #tpu.memory_space<hbm>> -> memref<1x512xi32, #tpu.memory_space<hbm>>
      %dma_wait3A_554 = tpu.memref_squeeze %dma_wait3A_553 : memref<1x512xi32, #tpu.memory_space<hbm>> -> memref<512xi32, #tpu.memory_space<hbm>>
      tpu.wait_dma2 semaphore(%run_scoped3A_546 : memref<!tpu.dma_semaphore, #tpu.memory_space<semaphore_mem>>) src(%dma_wait3A_554 : memref<512xi32, #tpu.memory_space<hbm>>) dst(%arg6 : memref<512xi32, #tpu.memory_space<vmem>>)
      tpu.yield
    }) : () -> ()
    %dma_start3A_471 = arith.constant 0 : i32
    %dma_start3A_472 = arith.constant 0 : i32
    %dma_start3A_473 = tpu.memref_slice %arg3[%dma_start3A_471, %dma_start3A_472] : memref<1000000x32xf32, #tpu.memory_space<hbm>> -> memref<1000000x32xf32, #tpu.memory_space<hbm>>
    tpu.enqueue_indirect_dma source(%dma_start3A_473 : memref<1000000x32xf32, #tpu.memory_space<hbm>>) target(%arg12 : memref<512x32xf32, #tpu.memory_space<vmem>>) offsets(%arg6 : memref<512xi32, #tpu.memory_space<vmem>>) semaphore(%arg18 : memref<!tpu.dma_semaphore, #tpu.memory_space<semaphore_mem>>)
    %dma_wait3A_474 = arith.constant 0 : i32
    %dma_wait3A_475 = arith.constant 0 : i32
    %dma_wait3A_476 = tpu.memref_slice %arg3[%dma_wait3A_474, %dma_wait3A_475] : memref<1000000x32xf32, #tpu.memory_space<hbm>> -> memref<1000000x32xf32, #tpu.memory_space<hbm>>
    tpu.wait_indirect_dma semaphore(%arg22 : memref<!tpu.dma_semaphore, #tpu.memory_space<semaphore_mem>>) src(%dma_wait3A_476 : memref<1000000x32xf32, #tpu.memory_space<hbm>>) dst(%arg16 : memref<512x32xf32, #tpu.memory_space<vmem>>)
    %dma_start3A_477 = arith.constant 23 : i32
    %dma_start3A_478 = arith.constant 0 : i32
    %dma_start3A_479 = tpu.memref_slice %arg4[%mul3A_2, %dma_start3A_477, %dma_start3A_478] : memref<16384x26x32xf32, #tpu.memory_space<hbm>> -> memref<512x1x32xf32, #tpu.memory_space<hbm>>
    %dma_start3A_480 = tpu.memref_squeeze %dma_start3A_479 : memref<512x1x32xf32, #tpu.memory_space<hbm>> -> memref<512x32xf32, #tpu.memory_space<hbm>>
    %dma_start3A_481 = arith.constant 0 : i32
    %dma_start3A_482 = tpu.memref_slice %arg4[%mul3A_2, %dma_start3A_477, %dma_start3A_481] : memref<16384x26x32xf32, #tpu.memory_space<hbm>> -> memref<512x1x32xf32, #tpu.memory_space<hbm>>
    %dma_start3A_483 = tpu.memref_squeeze %dma_start3A_482 : memref<512x1x32xf32, #tpu.memory_space<hbm>> -> memref<512x32xf32, #tpu.memory_space<hbm>>
    tpu.enqueue_dma source(%arg16 : memref<512x32xf32, #tpu.memory_space<vmem>>) target(%dma_start3A_483 : memref<512x32xf32, #tpu.memory_space<hbm>>) target_semaphore(%arg28 : memref<!tpu.dma_semaphore, #tpu.memory_space<semaphore_mem>>)
    %dma_wait3A_484 = arith.constant 0 : i32
    %dma_wait3A_485 = arith.constant 0 : i32
    %dma_wait3A_486 = tpu.memref_slice %arg3[%dma_wait3A_484, %dma_wait3A_485] : memref<1000000x32xf32, #tpu.memory_space<hbm>> -> memref<1000000x32xf32, #tpu.memory_space<hbm>>
    tpu.wait_indirect_dma semaphore(%arg17 : memref<!tpu.dma_semaphore, #tpu.memory_space<semaphore_mem>>) src(%dma_wait3A_486 : memref<1000000x32xf32, #tpu.memory_space<hbm>>) dst(%arg11 : memref<512x32xf32, #tpu.memory_space<vmem>>)
    %dma_start3A_487 = arith.constant 24 : i32
    %dma_start3A_488 = arith.constant 0 : i32
    %dma_start3A_489 = tpu.memref_slice %arg4[%mul3A_2, %dma_start3A_487, %dma_start3A_488] : memref<16384x26x32xf32, #tpu.memory_space<hbm>> -> memref<512x1x32xf32, #tpu.memory_space<hbm>>
    %dma_start3A_490 = tpu.memref_squeeze %dma_start3A_489 : memref<512x1x32xf32, #tpu.memory_space<hbm>> -> memref<512x32xf32, #tpu.memory_space<hbm>>
    %dma_start3A_491 = arith.constant 0 : i32
    %dma_start3A_492 = tpu.memref_slice %arg4[%mul3A_2, %dma_start3A_487, %dma_start3A_491] : memref<16384x26x32xf32, #tpu.memory_space<hbm>> -> memref<512x1x32xf32, #tpu.memory_space<hbm>>
    %dma_start3A_493 = tpu.memref_squeeze %dma_start3A_492 : memref<512x1x32xf32, #tpu.memory_space<hbm>> -> memref<512x32xf32, #tpu.memory_space<hbm>>
    tpu.enqueue_dma source(%arg11 : memref<512x32xf32, #tpu.memory_space<vmem>>) target(%dma_start3A_493 : memref<512x32xf32, #tpu.memory_space<hbm>>) target_semaphore(%arg23 : memref<!tpu.dma_semaphore, #tpu.memory_space<semaphore_mem>>)
    %dma_wait3A_494 = arith.constant 0 : i32
    %dma_wait3A_495 = arith.constant 0 : i32
    %dma_wait3A_496 = tpu.memref_slice %arg3[%dma_wait3A_494, %dma_wait3A_495] : memref<1000000x32xf32, #tpu.memory_space<hbm>> -> memref<1000000x32xf32, #tpu.memory_space<hbm>>
    tpu.wait_indirect_dma semaphore(%arg18 : memref<!tpu.dma_semaphore, #tpu.memory_space<semaphore_mem>>) src(%dma_wait3A_496 : memref<1000000x32xf32, #tpu.memory_space<hbm>>) dst(%arg12 : memref<512x32xf32, #tpu.memory_space<vmem>>)
    %dma_start3A_497 = arith.constant 25 : i32
    %dma_start3A_498 = arith.constant 0 : i32
    %dma_start3A_499 = tpu.memref_slice %arg4[%mul3A_2, %dma_start3A_497, %dma_start3A_498] : memref<16384x26x32xf32, #tpu.memory_space<hbm>> -> memref<512x1x32xf32, #tpu.memory_space<hbm>>
    %dma_start3A_500 = tpu.memref_squeeze %dma_start3A_499 : memref<512x1x32xf32, #tpu.memory_space<hbm>> -> memref<512x32xf32, #tpu.memory_space<hbm>>
    %dma_start3A_501 = arith.constant 0 : i32
    %dma_start3A_502 = tpu.memref_slice %arg4[%mul3A_2, %dma_start3A_497, %dma_start3A_501] : memref<16384x26x32xf32, #tpu.memory_space<hbm>> -> memref<512x1x32xf32, #tpu.memory_space<hbm>>
    %dma_start3A_503 = tpu.memref_squeeze %dma_start3A_502 : memref<512x1x32xf32, #tpu.memory_space<hbm>> -> memref<512x32xf32, #tpu.memory_space<hbm>>
    tpu.enqueue_dma source(%arg12 : memref<512x32xf32, #tpu.memory_space<vmem>>) target(%dma_start3A_503 : memref<512x32xf32, #tpu.memory_space<hbm>>) target_semaphore(%arg24 : memref<!tpu.dma_semaphore, #tpu.memory_space<semaphore_mem>>)
    %dma_wait3A_504 = arith.constant 20 : i32
    %dma_wait3A_505 = arith.constant 0 : i32
    %dma_wait3A_506 = tpu.memref_slice %arg4[%mul3A_2, %dma_wait3A_504, %dma_wait3A_505] : memref<16384x26x32xf32, #tpu.memory_space<hbm>> -> memref<512x1x32xf32, #tpu.memory_space<hbm>>
    %dma_wait3A_507 = tpu.memref_squeeze %dma_wait3A_506 : memref<512x1x32xf32, #tpu.memory_space<hbm>> -> memref<512x32xf32, #tpu.memory_space<hbm>>
    %dma_wait3A_508 = arith.constant 0 : i32
    %dma_wait3A_509 = tpu.memref_slice %arg4[%mul3A_2, %dma_wait3A_504, %dma_wait3A_508] : memref<16384x26x32xf32, #tpu.memory_space<hbm>> -> memref<512x1x32xf32, #tpu.memory_space<hbm>>
    %dma_wait3A_510 = tpu.memref_squeeze %dma_wait3A_509 : memref<512x1x32xf32, #tpu.memory_space<hbm>> -> memref<512x32xf32, #tpu.memory_space<hbm>>
    tpu.wait_dma2 semaphore(%arg25 : memref<!tpu.dma_semaphore, #tpu.memory_space<semaphore_mem>>) src(%arg13 : memref<512x32xf32, #tpu.memory_space<vmem>>) dst(%dma_wait3A_510 : memref<512x32xf32, #tpu.memory_space<hbm>>)
    %dma_wait3A_511 = arith.constant 21 : i32
    %dma_wait3A_512 = arith.constant 0 : i32
    %dma_wait3A_513 = tpu.memref_slice %arg4[%mul3A_2, %dma_wait3A_511, %dma_wait3A_512] : memref<16384x26x32xf32, #tpu.memory_space<hbm>> -> memref<512x1x32xf32, #tpu.memory_space<hbm>>
    %dma_wait3A_514 = tpu.memref_squeeze %dma_wait3A_513 : memref<512x1x32xf32, #tpu.memory_space<hbm>> -> memref<512x32xf32, #tpu.memory_space<hbm>>
    %dma_wait3A_515 = arith.constant 0 : i32
    %dma_wait3A_516 = tpu.memref_slice %arg4[%mul3A_2, %dma_wait3A_511, %dma_wait3A_515] : memref<16384x26x32xf32, #tpu.memory_space<hbm>> -> memref<512x1x32xf32, #tpu.memory_space<hbm>>
    %dma_wait3A_517 = tpu.memref_squeeze %dma_wait3A_516 : memref<512x1x32xf32, #tpu.memory_space<hbm>> -> memref<512x32xf32, #tpu.memory_space<hbm>>
    tpu.wait_dma2 semaphore(%arg26 : memref<!tpu.dma_semaphore, #tpu.memory_space<semaphore_mem>>) src(%arg14 : memref<512x32xf32, #tpu.memory_space<vmem>>) dst(%dma_wait3A_517 : memref<512x32xf32, #tpu.memory_space<hbm>>)
    %dma_wait3A_518 = arith.constant 22 : i32
    %dma_wait3A_519 = arith.constant 0 : i32
    %dma_wait3A_520 = tpu.memref_slice %arg4[%mul3A_2, %dma_wait3A_518, %dma_wait3A_519] : memref<16384x26x32xf32, #tpu.memory_space<hbm>> -> memref<512x1x32xf32, #tpu.memory_space<hbm>>
    %dma_wait3A_521 = tpu.memref_squeeze %dma_wait3A_520 : memref<512x1x32xf32, #tpu.memory_space<hbm>> -> memref<512x32xf32, #tpu.memory_space<hbm>>
    %dma_wait3A_522 = arith.constant 0 : i32
    %dma_wait3A_523 = tpu.memref_slice %arg4[%mul3A_2, %dma_wait3A_518, %dma_wait3A_522] : memref<16384x26x32xf32, #tpu.memory_space<hbm>> -> memref<512x1x32xf32, #tpu.memory_space<hbm>>
    %dma_wait3A_524 = tpu.memref_squeeze %dma_wait3A_523 : memref<512x1x32xf32, #tpu.memory_space<hbm>> -> memref<512x32xf32, #tpu.memory_space<hbm>>
    tpu.wait_dma2 semaphore(%arg27 : memref<!tpu.dma_semaphore, #tpu.memory_space<semaphore_mem>>) src(%arg15 : memref<512x32xf32, #tpu.memory_space<vmem>>) dst(%dma_wait3A_524 : memref<512x32xf32, #tpu.memory_space<hbm>>)
    %dma_wait3A_525 = arith.constant 23 : i32
    %dma_wait3A_526 = arith.constant 0 : i32
    %dma_wait3A_527 = tpu.memref_slice %arg4[%mul3A_2, %dma_wait3A_525, %dma_wait3A_526] : memref<16384x26x32xf32, #tpu.memory_space<hbm>> -> memref<512x1x32xf32, #tpu.memory_space<hbm>>
    %dma_wait3A_528 = tpu.memref_squeeze %dma_wait3A_527 : memref<512x1x32xf32, #tpu.memory_space<hbm>> -> memref<512x32xf32, #tpu.memory_space<hbm>>
    %dma_wait3A_529 = arith.constant 0 : i32
    %dma_wait3A_530 = tpu.memref_slice %arg4[%mul3A_2, %dma_wait3A_525, %dma_wait3A_529] : memref<16384x26x32xf32, #tpu.memory_space<hbm>> -> memref<512x1x32xf32, #tpu.memory_space<hbm>>
    %dma_wait3A_531 = tpu.memref_squeeze %dma_wait3A_530 : memref<512x1x32xf32, #tpu.memory_space<hbm>> -> memref<512x32xf32, #tpu.memory_space<hbm>>
    tpu.wait_dma2 semaphore(%arg28 : memref<!tpu.dma_semaphore, #tpu.memory_space<semaphore_mem>>) src(%arg16 : memref<512x32xf32, #tpu.memory_space<vmem>>) dst(%dma_wait3A_531 : memref<512x32xf32, #tpu.memory_space<hbm>>)
    %dma_wait3A_532 = arith.constant 24 : i32
    %dma_wait3A_533 = arith.constant 0 : i32
    %dma_wait3A_534 = tpu.memref_slice %arg4[%mul3A_2, %dma_wait3A_532, %dma_wait3A_533] : memref<16384x26x32xf32, #tpu.memory_space<hbm>> -> memref<512x1x32xf32, #tpu.memory_space<hbm>>
    %dma_wait3A_535 = tpu.memref_squeeze %dma_wait3A_534 : memref<512x1x32xf32, #tpu.memory_space<hbm>> -> memref<512x32xf32, #tpu.memory_space<hbm>>
    %dma_wait3A_536 = arith.constant 0 : i32
    %dma_wait3A_537 = tpu.memref_slice %arg4[%mul3A_2, %dma_wait3A_532, %dma_wait3A_536] : memref<16384x26x32xf32, #tpu.memory_space<hbm>> -> memref<512x1x32xf32, #tpu.memory_space<hbm>>
    %dma_wait3A_538 = tpu.memref_squeeze %dma_wait3A_537 : memref<512x1x32xf32, #tpu.memory_space<hbm>> -> memref<512x32xf32, #tpu.memory_space<hbm>>
    tpu.wait_dma2 semaphore(%arg23 : memref<!tpu.dma_semaphore, #tpu.memory_space<semaphore_mem>>) src(%arg11 : memref<512x32xf32, #tpu.memory_space<vmem>>) dst(%dma_wait3A_538 : memref<512x32xf32, #tpu.memory_space<hbm>>)
    %dma_wait3A_539 = arith.constant 25 : i32
    %dma_wait3A_540 = arith.constant 0 : i32
    %dma_wait3A_541 = tpu.memref_slice %arg4[%mul3A_2, %dma_wait3A_539, %dma_wait3A_540] : memref<16384x26x32xf32, #tpu.memory_space<hbm>> -> memref<512x1x32xf32, #tpu.memory_space<hbm>>
    %dma_wait3A_542 = tpu.memref_squeeze %dma_wait3A_541 : memref<512x1x32xf32, #tpu.memory_space<hbm>> -> memref<512x32xf32, #tpu.memory_space<hbm>>
    %dma_wait3A_543 = arith.constant 0 : i32
    %dma_wait3A_544 = tpu.memref_slice %arg4[%mul3A_2, %dma_wait3A_539, %dma_wait3A_543] : memref<16384x26x32xf32, #tpu.memory_space<hbm>> -> memref<512x1x32xf32, #tpu.memory_space<hbm>>
    %dma_wait3A_545 = tpu.memref_squeeze %dma_wait3A_544 : memref<512x1x32xf32, #tpu.memory_space<hbm>> -> memref<512x32xf32, #tpu.memory_space<hbm>>
    tpu.wait_dma2 semaphore(%arg24 : memref<!tpu.dma_semaphore, #tpu.memory_space<semaphore_mem>>) src(%arg12 : memref<512x32xf32, #tpu.memory_space<vmem>>) dst(%dma_wait3A_545 : memref<512x32xf32, #tpu.memory_space<hbm>>)
    return
  }
}

</mosaic_0001>

<sc_bundles>
// kernel: kernel.3.cloned.1.call-start
scs
__scs_entry_jumppad:
0x0: {  	(pc) =	sbr.rel $0x88, $3  }
0x1: {  	(tag) =	ssettag $0x0;
	lr =	simm.s32 $0x1  }
0x2: {  	[smem:$0x3F9F] =	sst lr;
	_ =	strace $0xD0000000  }
0x3: {  	_ = 	snop  }
0x4: {  	_ = 	snop  }
0x5: {  	_ = 	snop  }
0x6: {  	_ = 	snop  }
0x7: {  	_ = 	snop  }
__scs_overlays_trampoline_lowered:
0x8: {  	[smem:$0x3FAE] =	sst s0  }
0x9: {  	[smem:$0x3FAF] =	sst s1  }
0xa: {  	[smem:$0x3FB0] =	sst s2  }
0xb: {  	[smem:$0x3FB1] =	sst s3  }
0xc: {  	[smem:$0x3FB2] =	sst s4  }
0xd: {  	[smem:$0x3FB3] =	sst s5  }
0xe: {  	[smem:$0x3FB4] =	sst s6  }
0xf: {  	[smem:$0x3FB5] =	sst s7  }
0x10: {  	[smem:$0x3FB6] =	sst s8  }
0x11: {  	[smem:$0x3FB7] =	sst s9;
	s0 =	simm.s32 @!p0 $0x0  }
0x12: {  	s1 =	sld [smem:$0x3F9D];
	s0 =	simm.s32 @p0 $0x1  }
0x13: {  	[smem:$0x3FB8] =	sst s0;
	s0 =	simm.s32 @!p1 $0x0  }
0x14: {  	s2 =	sld [smem:$0x3F9C];
	s0 =	simm.s32 @p1 $0x1  }
0x15: {  	[smem:$0x3FB9] =	sst s0;
	s0 =	simm.s32 @!p2 $0x0  }
0x16: {  	s3 =	sld [smem:$0x3FDB];
	s0 =	simm.s32 @p2 $0x1  }
0x17: {  	s4 =	simm.s32 $0x1BF5;
	[smem:$0x3FBB] =	sst s0  }
0x18: {  	s0 =	sld [smem:$0x3F9E];
	_ =	swait.ge [sflag:s4], $0x0  }
0x19: {  	s7 =	sld [smem:$0x3F9F]  }
0x1a: {  	s8 =	sadd.s32 $0xFFFFE003, lr  }
0x1b: {  	s9 =	sadd.s32 $0xFFFFFEF7, lr;
	s5 =	simm.s32 $0xFFFFFFFF;
	p2 =	slt.u32 s8, $0xFFFFF086  }
0x1c: {  	p1 =	slt.u32 s9, $0xF7A;
	s5 =	simm.s32 @!p2 $0x0  }
0x1d: {  	s5 =	simm.s32 @p1 $0x1;
	p0 =	seq.s32 s7, s2  }
0x1e: {  	s7 =	smul.u32 @!p0 $0xF7A, s2;
	p2 =	seq.s32 @!p0 s5, $0x0  }
0x1f: {  	s9 =	smul.u32 $0xF7A, s1;
	s8 =	simm.s32 @!p0 $0x1BF5;
	p2 =	por !p2, p0  }
0x20: {  	[sflag:s8] =	ssyncset.s32 @!p0 $0xFFFFF086;
	s6 =	sadd.s32 @!p0 s3, s7;
	s7 =	simm.s32 @!p0 $0x108  }
0x21: {  	s3 =	sadd.s32 s3, s9;
	s6 =	sadd.s32 @!p0 $0x88, s6;
	s7 =	simm.s32 @p2 $0x1082  }
0x22: {  	[simem:s7], [sflag:s8] =	dma.local @!p0 [hbm:s6], $0xF7A  }
0x23: {  	s9 =	sor.u32 $0xD0000000, s2;
	s6 =	simm.s32 $0x108;
	_ =	swait.ge @!p0 [sflag:s8], $0x0  }
0x24: {  	s3 =	sadd.s32 $0x88, s3;
	s6 =	simm.s32 @!p1 $0x1082;
	[sflag:s4] =	ssyncset.s32 $0xFFFFF086  }
0x25: {  	[simem:s6], [sflag:s4] =	dma.local [hbm:s3], $0xF7A  }
0x26: {  	[smem:$0x3F9F] =	sst s1;
	(tag) =	ssettag s2;
	_ =	strace s9  }
0x27: {  	s1 =	sld [smem:$0x3FAF]  }
0x28: {  	s2 =	sld [smem:$0x3FB0]  }
0x29: {  	s4 =	sld [smem:$0x3FB2]  }
0x2a: {  	p0 =	seq.s32 s5, $0x0;
	s5 =	sld [smem:$0x3FB3]  }
0x2b: {  	s6 =	sld [smem:$0x3FB4]  }
0x2c: {  	s7 =	sld [smem:$0x3FB5]  }
0x2d: {  	s3 =	simm.s32 $0x108;
	s8 =	sld [smem:$0x3FB6]  }
0x2e: {  	s3 =	simm.s32 @!p0 $0x1082;
	s9 =	sld [smem:$0x3FB7]  }
0x2f: {  	lr =	sadd.s32 s0, s3;
	s0 =	sld [smem:$0x3FAE]  }
0x30: {  	s3 =	sld [smem:$0x3FB1]  }
0x31: {  	[smem:$0x3FBA] =	sst s10  }
0x32: {  	s10 =	sld [smem:$0x3FB8];
	_ =	sdelay $0x3  }
0x33: {  	p0 =	seq.s32 s10, $0x1;
	s10 =	sld [smem:$0x3FBA];
	_ =	sdelay $0x3  }
0x34: {  	[smem:$0x3FBA] =	sst s10  }
0x35: {  	s10 =	sld [smem:$0x3FB9];
	_ =	sdelay $0x3  }
0x36: {  	p1 =	seq.s32 s10, $0x1;
	s10 =	sld [smem:$0x3FBA];
	_ =	sdelay $0x3  }
0x37: {  	[smem:$0x3FBA] =	sst s10  }
0x38: {  	s10 =	sld [smem:$0x3FBB]  }
0x39: {  	_ = 	snop;
	(pc) =	sbr.ind lr, $3  }
0x3a: {  	_ = 	snop  }
0x3b: {  	_ = 	snop  }
0x3c: {  	p2 =	seq.s32 s10, $0x1;
	s10 =	sld [smem:$0x3FBA]  }
0x3d: {  	_ =	shalt  }
0x3e: {  	_ =	shalt  }
0x3f: {  	_ =	shalt  }
0x40: {  	_ =	shalt  }
0x41: {  	_ =	shalt  }
0x42: {  	_ =	shalt  }
0x43: {  	_ =	shalt  }
0x44: {  	_ =	shalt  }
0x45: {  	_ =	shalt  }
0x46: {  	_ =	shalt  }
0x47: {  	_ =	shalt  }
0x48: {  	_ =	shalt  }
0x49: {  	_ =	shalt  }
0x4a: {  	_ =	shalt  }
0x4b: {  	_ =	shalt  }
0x4c: {  	_ =	shalt  }
0x4d: {  	_ =	shalt  }
0x4e: {  	_ =	shalt  }
0x4f: {  	_ =	shalt  }
0x50: {  	_ =	shalt  }
0x51: {  	_ =	shalt  }
0x52: {  	_ =	shalt  }
0x53: {  	_ =	shalt  }
0x54: {  	_ =	shalt  }
0x55: {  	_ =	shalt  }
0x56: {  	_ =	shalt  }
0x57: {  	_ =	shalt  }
0x58: {  	_ =	shalt  }
0x59: {  	_ =	shalt  }
0x5a: {  	_ =	shalt  }
0x5b: {  	_ =	shalt  }
0x5c: {  	_ =	shalt  }
0x5d: {  	_ =	shalt  }
0x5e: {  	_ =	shalt  }
0x5f: {  	_ =	shalt  }
0x60: {  	_ =	shalt  }
0x61: {  	_ =	shalt  }
0x62: {  	_ =	shalt  }
0x63: {  	_ =	shalt  }
0x64: {  	_ =	shalt  }
0x65: {  	_ =	shalt  }
0x66: {  	_ =	shalt  }
0x67: {  	_ =	shalt  }
0x68: {  	_ =	shalt  }
0x69: {  	_ =	shalt  }
0x6a: {  	_ =	shalt  }
0x6b: {  	_ =	shalt  }
0x6c: {  	_ =	shalt  }
0x6d: {  	_ =	shalt  }
0x6e: {  	_ =	shalt  }
0x6f: {  	_ =	shalt  }
0x70: {  	_ =	shalt  }
0x71: {  	_ =	shalt  }
0x72: {  	_ =	shalt  }
0x73: {  	_ =	shalt  }
0x74: {  	_ =	shalt  }
0x75: {  	_ =	shalt  }
0x76: {  	_ =	shalt  }
0x77: {  	_ =	shalt  }
0x78: {  	_ =	shalt  }
0x79: {  	_ =	shalt  }
0x7a: {  	_ =	shalt  }
0x7b: {  	_ =	shalt  }
0x7c: {  	_ =	shalt  }
0x7d: {  	_ =	shalt  }
0x7e: {  	_ =	shalt  }
0x7f: {  	_ =	shalt  }
0x80: {  	_ =	shalt  }
0x81: {  	_ =	shalt  }
0x82: {  	_ =	shalt  }
0x83: {  	_ =	shalt  }
0x84: {  	_ =	shalt  }
0x85: {  	_ =	shalt  }
0x86: {  	_ =	shalt  }
0x87: {  	_ =	shalt  }
.Lfunc_end0:
.L_simem_size_0:
called_computation.1_lowered:
.L_overlay_start_0:
0x88: {  	s2 =	sld [smem:$0x3FD9]  }
0x89: {  	s3 =	sld [smem:$0x3FFE];
	_ =	sdelay $0x1  }
0x8a: {  	s1 =	srdreg.scid  }
0x8b: {  	s0 =	sand.u32 $0x1, s1  }
0x8c: {  	s17 =	sshll.u32 s0, $0xA;
	s2 =	sadd.s32 s3, s2  }
0x8d: {  	s2 =	sadd.s32 s2, s17  }
0x8e: {  	[smem:$0x3FC6] =	sst s2  }
0x8f: {  	_ = 	snop  }
0x90: {  	s2 =	sld [smem:$0x3FD0];
	(tm) =	ssettm $0x1  }
0x91: {  	s18 =	sld [smem:$0x3FFB];
	_ =	sdelay $0x3  }
0x92: {  	_ =	strace s18  }
0x93: {  	s3 =	sld [smem:$0x3FFC];
	_ =	sdelay $0x3  }
0x94: {  	_ =	strace s3  }
0x95: {  	s3 =	sld [smem:$0x3FFD];
	_ =	sdelay $0x3  }
0x96: {  	_ =	strace s3  }
0x97: {  	_ =	strace $0x8FFFFFFF  }
0x98: {  	s19 =	sld [smem:$0x3FDB];
	_ =	sdelay $0x1  }
0x99: {  	s4 =	simm.s32 $_scs_section_size  }
0x9a: {  	s5 =	simm.s32 $_size__tile_overlayer_lowered;
	s6 =	simm.s32 $_tile_overlayer_lowered  }
0x9b: {  	s22 =	simm.s32 $0x1BFF;
	s21 =	sshll.u32 s6, $0x1;
	s3 =	sadd.s32 s4, s19  }
0x9c: {  	s7 =	simm.s32 $0x0;
	s20 =	sshll.u32 s5, $0x1;
	s5 =	sadd.s32 s21, s3  }
0x9d: {  	[timem:s7], [sflag:s22] =	dma.local [hbm:s5], s20  }
0x9e: {  	_ =	swait.ge [sflag:s22], s20  }
0x9f: {  	s4 =	ssub.s32 $0x0, s20;
	[sflag:s22] =	ssyncset.done $0x0  }
0xa0: {  	[sflag:s22] =	ssyncadd.s32 s4;
	_ =	sdelay $0x1  }
0xa1: {  	s23 =	simm.s32 $0x1B8B  }
0xa2: {  	_ =	swait.ge [sflag:s23], $0x1  }
0xa3: {  	[sflag:s23] =	ssyncset.done $0x0  }
0xa4: {  	s25 =	simm.s32 $0x1B8E;
	s24 =	sld [smem:$0x3FFE];
	[sflag:s23] =	ssyncadd.s32 $0xFFFFFFFF  }
0xa5: {  	s26 =	simm.s32 $execute0_lowered;
	[smem:$0x3FD2] =	sst s25  }
0xa6: {  	s5 =	sshll.u32 s26, $0x1;
	_ =	strace $0x80000046;
	[dreg:$0x1] =	wrdreg $0xFFFFFFFF  }
0xa7: {  	s28 =	simm.s32 $_size_execute0_lowered;
	s3 =	sadd.s32 s3, s5;
	[dreg:$0x0] =	wrdreg $0x0  }
0xa8: {  	s5 =	sshll.u32 s28, $0x1;
	[dreg:$0x2] =	wrdreg s3  }
0xa9: {  	[dreg:$0x3] =	wrdreg s5  }
0xaa: {  	[dreg:$0x4] =	wrdreg $0xC0  }
0xab: {  	_ =	task [dreg:s7], $0x5FFFF  }
0xac: {  	[dreg:$0x1] =	wrdreg $0xFFFFFFFF  }
0xad: {  	[dreg:$0x0] =	wrdreg $0x60  }
0xae: {  	[dreg:$0x2] =	wrdreg s24  }
0xaf: {  	[dreg:$0x3] =	wrdreg s2  }
0xb0: {  	[dreg:$0x4] =	wrdreg $0x9  }
0xb1: {  	_ =	task.clear_ibuf [dreg:s7], $0x5FFFF;
	_ =	strace $0x90000046  }
0xb2: {  	s29 =	simm.s32 $0x9;
	_ =	strace $0x80000048  }
0xb3: {  	_ =	swait.ge [sflag:s29], $0x1  }
0xb4: {  	[sflag:s29] =	ssyncadd.s32 $0xFFFFFFFF  }
0xb5: {  	_ =	strace $0x90000048  }
0xb6: {  	_ =	sfence  }
0xb7: {  	s30 =	sld [smem:$0x0];
	_ =	sdelay $0x2  }
0xb8: {  	s31 =	sshll.u32 s1, $0xD;
	s1 =	sshrl.u32 s1, $0x2  }
0xb9: {  	s3 =	sand.u32 $0x4000, s31;
	s1 =	sadd.s32 s1, s30  }
0xba: {  	s0 =	sor.u32 s3, s0;
	s1 =	sshll.u32 s1, $0x11  }
0xbb: {  	s0 =	sor.u32 s1, s0  }
0xbc: {  	s0 =	sadd.s32 $0x8F2B, s0  }
0xbd: {  	[sflag:s0] =	ssyncadd.remote.s32 $0x1  }
0xbe: {  	_ =	sfence.sel $0xFFFF  }
0xbf: {  	[dreg:$0x0] =	wrdreg $0xFFFFFFFF;
	(pc) =	sbr.abs _section_cstart, $3  }
0xc0: {  	[dreg:$0x1] =	wrdreg $0xFFFFFFFF  }
0xc1: {  	_ =	task.clear_ibuf [dreg:s7], $0x2FFFF;
	_ =	strace $0x9FFFFFFF  }
0xc2: {  	(tm) =	ssettm $0x7FFFFFFF  }
0xc3: {  	_ =	shalt  }
tec
execute0_lowered:
.L_overlay_start_1:
0x0: {  	(tag) =	ssettag $0x1  }
0x1: {  	s0 =	srdreg.scid  }
0x2: {  	s31 =	stileid.u32;
	s3 =	sand.u32 $0x1, s0  }
0x3: {  	s9 =	sshll.u32 s31, $0xA;
	s2 =	sshll.u32 s3, $0x9  }
0x4: {  	s0 =	sor.u32 s2, s9  }
0x5: {  	s1 =	rddreg [dreg:$0x0];
	s4 =	sshrl.u32 s0, $0x3  }
0x6: {  	s5 =	rddreg [dreg:$0x1];
	s2 =	simm.s32 $0x0;
	s4 =	sadd.s32 s4, s1  }
0x7: {  	[smem:$0x7FF] =	sst s2;
	s6 =	sadd.s32 $0xA00, s4  }
0x8: {  	_ =	strace $0x80000047;
	s10 =	sadd.s32 $0x1200, s4;
	[dreg:$0x3] =	wrdreg s6  }
0x9: {  	s11 =	sadd.s32 $0x1A00, s4;
	[dreg:$0x4] =	wrdreg s10  }
0xa: {  	s12 =	sadd.s32 $0x2200, s4;
	[dreg:$0x5] =	wrdreg s11  }
0xb: {  	s14 =	sadd.s32 $0x2A00, s4;
	[dreg:$0x6] =	wrdreg s12  }
0xc: {  	s16 =	sadd.s32 $0x3200, s4;
	[dreg:$0x8] =	wrdreg s14  }
0xd: {  	s18 =	sadd.s32 $0x3A00, s4;
	[dreg:$0xa] =	wrdreg s16  }
0xe: {  	s20 =	sadd.s32 $0x4200, s4;
	[dreg:$0xc] =	wrdreg s18  }
0xf: {  	s22 =	sadd.s32 $0x4A00, s4;
	[dreg:$0xe] =	wrdreg s20  }
0x10: {  	s24 =	sadd.s32 $0x5200, s4;
	[dreg:$0x10] =	wrdreg s22  }
0x11: {  	s26 =	sadd.s32 $0x5A00, s4;
	[dreg:$0x12] =	wrdreg s24  }
0x12: {  	s0 =	smul.u32 $0x68, s0;
	s7 =	sadd.s32 $0x6200, s4;
	[dreg:$0x14] =	wrdreg s26  }
0x13: {  	s9 =	sadd.s32 $0x6A00, s4;
	[dreg:$0x16] =	wrdreg s7  }
0x14: {  	s5 =	sadd.s32 s5, s0;
	[dreg:$0x18] =	wrdreg s9  }
0x15: {  	s13 =	sadd.s32 $0x4, s5;
	[smem:$0x7FC] =	sst s5  }
0x16: {  	s15 =	sadd.s32 $0x8, s5;
	[dreg:$0x7] =	wrdreg s13  }
0x17: {  	s17 =	sadd.s32 $0xC, s5;
	[dreg:$0x9] =	wrdreg s15  }
0x18: {  	s19 =	sadd.s32 $0x10, s5;
	[dreg:$0xb] =	wrdreg s17  }
0x19: {  	s21 =	sadd.s32 $0x14, s5;
	[dreg:$0xd] =	wrdreg s19  }
0x1a: {  	s23 =	sadd.s32 $0x18, s5;
	[dreg:$0xf] =	wrdreg s21  }
0x1b: {  	s25 =	sadd.s32 $0x1C, s5;
	[dreg:$0x11] =	wrdreg s23  }
0x1c: {  	s6 =	sadd.s32 $0x20, s5;
	[dreg:$0x13] =	wrdreg s25  }
0x1d: {  	s8 =	sadd.s32 $0x24, s5;
	[dreg:$0x15] =	wrdreg s6  }
0x1e: {  	s10 =	sadd.s32 $0x28, s5;
	[dreg:$0x17] =	wrdreg s8  }
0x1f: {  	s11 =	sadd.s32 $0x7200, s4;
	[dreg:$0x19] =	wrdreg s10  }
0x20: {  	s12 =	sadd.s32 $0x2C, s5;
	[dreg:$0x1a] =	wrdreg s11  }
0x21: {  	s14 =	sadd.s32 $0x30, s5;
	[dreg:$0x1b] =	wrdreg s12  }
0x22: {  	s16 =	sadd.s32 $0x34, s5;
	[dreg:$0x1d] =	wrdreg s14  }
0x23: {  	s18 =	sadd.s32 $0x38, s5;
	[dreg:$0x1f] =	wrdreg s16  }
0x24: {  	s20 =	sadd.s32 $0x3C, s5;
	[smem:$0x7E8] =	sst s18  }
0x25: {  	s22 =	sadd.s32 $0x40, s5;
	[smem:$0x7EA] =	sst s20  }
0x26: {  	s24 =	sadd.s32 $0x44, s5;
	[smem:$0x7EC] =	sst s22  }
0x27: {  	s26 =	sadd.s32 $0x48, s5;
	[smem:$0x7EE] =	sst s24  }
0x28: {  	s7 =	sadd.s32 $0x4C, s5;
	[smem:$0x7F0] =	sst s26  }
0x29: {  	s9 =	sadd.s32 $0x50, s5;
	[smem:$0x7F2] =	sst s7  }
0x2a: {  	s30 =	simm.s32 $0x400;
	[smem:$0x7F4] =	sst s9  }
0x2b: {  	s29 =	simm.s32 $0x600;
	s13 =	sadd.s32 $0x7A00, s4;
	s0 =	rddreg [dreg:$0x3]  }
0x2c: {  	s28 =	simm.s32 $0x800;
	s15 =	sadd.s32 $0x8200, s4;
	[dreg:$0x1c] =	wrdreg s13  }
0x2d: {  	p0 =	por $0x0, $0x0;
	s17 =	sadd.s32 $0x8A00, s4;
	[dreg:$0x1e] =	wrdreg s15  }
0x2e: {  	s3 =	ssub.s32 $0x2, s3;
	s19 =	sadd.s32 $0x9200, s4;
	[smem:$0x7E7] =	sst s17  }
0x2f: {  	s21 =	sadd.s32 $0x9A00, s4;
	s23 =	sadd.s32 $0xA200, s4;
	[smem:$0x7E9] =	sst s19  }
0x30: {  	s25 =	sadd.s32 $0xAA00, s4;
	s6 =	sadd.s32 $0xB200, s4;
	[smem:$0x7EB] =	sst s21  }
0x31: {  	s8 =	sadd.s32 $0xBA00, s4;
	s10 =	sadd.s32 $0xC200, s4;
	[smem:$0x7ED] =	sst s23  }
0x32: {  	s11 =	sadd.s32 $0x54, s5;
	s12 =	sadd.s32 $0xCA00, s4;
	[smem:$0x7EF] =	sst s25  }
0x33: {  	s14 =	sadd.s32 $0xD200, s4;
	s16 =	sshrl.u32 s3, $0x1;
	[smem:$0x7F1] =	sst s6  }
0x34: {  	s18 =	sadd.s32 $0x64, s5;
	s9 =	sadd.s32 $0xF42E00, s1;
	[smem:$0x7F3] =	sst s8  }
0x35: {  	s24 =	simm.s32 $0x8C00;
	s7 =	simm.s32 $0x20;
	[smem:$0x7F5] =	sst s10  }
0x36: {  	s22 =	simm.s32 $0xCC00;
	s20 =	simm.s32 $0x10C00;
	[smem:$0x7F6] =	sst s11  }
0x37: {  	s26 =	simm.s32 $0x3;
	s4 =	simm.s32 $0x7;
	[smem:$0x7F7] =	sst s12  }
0x38: {  	s13 =	sadd.s32 $0x58, s5;
	[smem:$0x7F9] =	sst s14;
	s15 =	sadd.s32 $0x5C, s5  }
0x39: {  	s17 =	sadd.s32 $0x60, s5;
	s3 =	ssub.s32 s3, s16;
	[smem:$0x7FD] =	sst s18  }
0x3a: {  	s12 =	simm.s32 $0xD;
	s6 =	simm.s32 $0xC00;
	s10 =	simm.s32 $0x1  }
0x3b: {  	s8 =	simm.s32 $0x340;
	s11 =	simm.s32 $0x2;
	s19 =	smax.u32 s3, $0x1  }
0x3c: {  	s25 =	simm.s32 $0xA00;
	s18 =	simm.s32 $0x14C00;
	p1 =	sne.s32 s19, $0x1  }
.Ltmp0:
0x3d: {  	s23 =	simm.s32 $0x4;
	[smem:$0x7F8] =	sst s13;
	(pc) =	sbr.rel @!p1 .LBB2_1-.Ltmp0, $4  }
0x3e: {  	s21 =	simm.s32 $0x5;
	s5 =	simm.s32 $0x8;
	[smem:$0x7FA] =	sst s15  }
0x3f: {  	s16 =	simm.s32 $0xA;
	s14 =	simm.s32 $0xC;
	[smem:$0x7FB] =	sst s17  }
0x40: {  	s13 =	simm.s32 $0x200;
	s3 =	simm.s32 $0x4C00;
	s17 =	simm.s32 $0x9  }
0x41: {  	s15 =	simm.s32 $0xB;
	s1 =	sadd.s32 $0xFFFFFFFF, s19;
	s19 =	simm.s32 $0x6  }
0x42: {  	[tilespmem:s2], [sflag:$0xD] =	stream.linear.gather [hbm4b:s0+s2], $0x200, $0x38;
	[tilespmem:$0x18C00] =	vst v63  }
0x43: {  	_ =	swait.ge [sflag:s12], $0x200  }
0x44: {  	[sflag:s12] =	ssyncset.done $0x0  }
0x45: {  	[sflag:s12] =	ssyncadd.s32 $0xFFFFFE00  }
0x46: {  	[tilespmem:s6], [sflag:$0x1] =	stream.indirect.gather [hbm4b:s9+s13], $0x20, s2, s13, $0xb8;
	[tilespmem:$0x18C00] =	vst v63  }
0x47: {  	s31 =	rddreg [dreg:$0x4]  }
0x48: {  	[tilespmem:s13], [sflag:$0xD] =	stream.linear.gather [hbm4b:s31+s2], $0x200, $0x38;
	[tilespmem:$0x18C00] =	vst v63  }
0x49: {  	_ =	swait.ge [sflag:s12], $0x200  }
0x4a: {  	[sflag:s12] =	ssyncset.done $0x0  }
0x4b: {  	[sflag:s12] =	ssyncadd.s32 $0xFFFFFE00  }
0x4c: {  	[tilespmem:s3], [sflag:$0x2] =	stream.indirect.gather [hbm4b:s9+s13], $0x20, s13, s13, $0xb8;
	[tilespmem:$0x18C00] =	vst v63  }
0x4d: {  	s31 =	rddreg [dreg:$0x5]  }
0x4e: {  	[tilespmem:s30], [sflag:$0xD] =	stream.linear.gather [hbm4b:s31+s2], $0x200, $0x38;
	[tilespmem:$0x18C00] =	vst v63  }
0x4f: {  	_ =	swait.ge [sflag:s12], $0x200  }
0x50: {  	[sflag:s12] =	ssyncset.done $0x0  }
0x51: {  	[sflag:s12] =	ssyncadd.s32 $0xFFFFFE00  }
0x52: {  	[tilespmem:s24], [sflag:$0x3] =	stream.indirect.gather [hbm4b:s9+s13], $0x20, s30, s13, $0xb8;
	[tilespmem:$0x18C00] =	vst v63  }
0x53: {  	_ =	swait.ge [sflag:s10], $0x4000  }
0x54: {  	s31 =	smov.u32 s1;
	s1 =	sld [smem:$0x7FC]  }
0x55: {  	[sflag:s10] =	ssyncset.done $0x0  }
0x56: {  	[sflag:s10] =	ssyncadd.s32 $0xFFFFC000  }
0x57: {  	[hbm4b:s1+s7] =	stream.strided.scatter [tilespmem:s6], [sflag:$0x7], $0x4000, s8, s7, $0x38;
	[tilespmem:$0x18C00] =	vst v63  }
0x58: {  	s0 =	rddreg [dreg:$0x6]  }
0x59: {  	[tilespmem:s29], [sflag:$0xD] =	stream.linear.gather [hbm4b:s0+s2], $0x200, $0x38;
	[tilespmem:$0x18C00] =	vst v63  }
0x5a: {  	_ =	swait.ge [sflag:s12], $0x200  }
0x5b: {  	[sflag:s12] =	ssyncset.done $0x0  }
0x5c: {  	[sflag:s12] =	ssyncadd.s32 $0xFFFFFE00  }
0x5d: {  	[tilespmem:s22], [sflag:$0x4] =	stream.indirect.gather [hbm4b:s9+s13], $0x20, s29, s13, $0xb8;
	[tilespmem:$0x18C00] =	vst v63  }
0x5e: {  	_ =	swait.ge [sflag:s11], $0x4000  }
0x5f: {  	[sflag:s11] =	ssyncset.done $0x0  }
0x60: {  	s0 =	rddreg [dreg:$0x7];
	[sflag:s11] =	ssyncadd.s32 $0xFFFFC000  }
0x61: {  	[hbm4b:s0+s7] =	stream.strided.scatter [tilespmem:s3], [sflag:$0x8], $0x4000, s8, s7, $0x38;
	[tilespmem:$0x18C00] =	vst v63  }
0x62: {  	s1 =	rddreg [dreg:$0x8]  }
0x63: {  	[tilespmem:s28], [sflag:$0xD] =	stream.linear.gather [hbm4b:s1+s2], $0x200, $0x38;
	[tilespmem:$0x18C00] =	vst v63  }
0x64: {  	_ =	swait.ge [sflag:s12], $0x200  }
0x65: {  	[sflag:s12] =	ssyncset.done $0x0  }
0x66: {  	[sflag:s12] =	ssyncadd.s32 $0xFFFFFE00  }
0x67: {  	[tilespmem:s20], [sflag:$0x5] =	stream.indirect.gather [hbm4b:s9+s13], $0x20, s28, s13, $0xb8;
	[tilespmem:$0x18C00] =	vst v63  }
0x68: {  	_ =	swait.ge [sflag:s26], $0x4000  }
0x69: {  	[sflag:s26] =	ssyncset.done $0x0  }
0x6a: {  	s0 =	rddreg [dreg:$0x9];
	[sflag:s26] =	ssyncadd.s32 $0xFFFFC000  }
0x6b: {  	[hbm4b:s0+s7] =	stream.strided.scatter [tilespmem:s24], [sflag:$0x9], $0x4000, s8, s7, $0x38;
	[tilespmem:$0x18C00] =	vst v63  }
0x6c: {  	s1 =	rddreg [dreg:$0xa]  }
0x6d: {  	[tilespmem:s25], [sflag:$0xD] =	stream.linear.gather [hbm4b:s1+s2], $0x200, $0x38;
	[tilespmem:$0x18C00] =	vst v63  }
0x6e: {  	_ =	swait.ge [sflag:s12], $0x200  }
0x6f: {  	[sflag:s12] =	ssyncset.done $0x0  }
0x70: {  	[sflag:s12] =	ssyncadd.s32 $0xFFFFFE00  }
0x71: {  	[tilespmem:s18], [sflag:$0x6] =	stream.indirect.gather [hbm4b:s9+s13], $0x20, s25, s13, $0xb8;
	[tilespmem:$0x18C00] =	vst v63  }
0x72: {  	_ =	swait.ge [sflag:s23], $0x4000  }
0x73: {  	[sflag:s23] =	ssyncset.done $0x0  }
0x74: {  	s1 =	rddreg [dreg:$0xb];
	[sflag:s23] =	ssyncadd.s32 $0xFFFFC000  }
0x75: {  	[hbm4b:s1+s7] =	stream.strided.scatter [tilespmem:s22], [sflag:$0xA], $0x4000, s8, s7, $0x38;
	[tilespmem:$0x18C00] =	vst v63  }
0x76: {  	_ =	swait.ge [sflag:s4], $0x4000  }
0x77: {  	[sflag:s4] =	ssyncset.done $0x0  }
0x78: {  	s1 =	rddreg [dreg:$0xc];
	[sflag:s4] =	ssyncadd.s32 $0xFFFFC000  }
0x79: {  	[tilespmem:s2], [sflag:$0xD] =	stream.linear.gather [hbm4b:s1+s2], $0x200, $0x38;
	[tilespmem:$0x18C00] =	vst v63  }
0x7a: {  	_ =	swait.ge [sflag:s12], $0x200  }
0x7b: {  	[sflag:s12] =	ssyncset.done $0x0  }
0x7c: {  	[sflag:s12] =	ssyncadd.s32 $0xFFFFFE00  }
0x7d: {  	[tilespmem:s6], [sflag:$0x1] =	stream.indirect.gather [hbm4b:s9+s13], $0x20, s2, s13, $0xb8;
	[tilespmem:$0x18C00] =	vst v63  }
0x7e: {  	_ =	swait.ge [sflag:s21], $0x4000  }
0x7f: {  	[sflag:s21] =	ssyncset.done $0x0  }
0x80: {  	s1 =	rddreg [dreg:$0xd];
	[sflag:s21] =	ssyncadd.s32 $0xFFFFC000  }
0x81: {  	[hbm4b:s1+s7] =	stream.strided.scatter [tilespmem:s20], [sflag:$0xB], $0x4000, s8, s7, $0x38;
	[tilespmem:$0x18C00] =	vst v63  }
0x82: {  	_ =	swait.ge [sflag:s5], $0x4000  }
0x83: {  	[sflag:s5] =	ssyncset.done $0x0  }
0x84: {  	s1 =	rddreg [dreg:$0xe];
	[sflag:s5] =	ssyncadd.s32 $0xFFFFC000  }
0x85: {  	[tilespmem:s13], [sflag:$0xD] =	stream.linear.gather [hbm4b:s1+s2], $0x200, $0x38;
	[tilespmem:$0x18C00] =	vst v63  }
0x86: {  	_ =	swait.ge [sflag:s12], $0x200  }
0x87: {  	[sflag:s12] =	ssyncset.done $0x0  }
0x88: {  	[sflag:s12] =	ssyncadd.s32 $0xFFFFFE00  }
0x89: {  	[tilespmem:s3], [sflag:$0x2] =	stream.indirect.gather [hbm4b:s9+s13], $0x20, s13, s13, $0xb8;
	[tilespmem:$0x18C00] =	vst v63  }
0x8a: {  	_ =	swait.ge [sflag:s19], $0x4000  }
0x8b: {  	[sflag:s19] =	ssyncset.done $0x0  }
0x8c: {  	s1 =	rddreg [dreg:$0xf];
	[sflag:s19] =	ssyncadd.s32 $0xFFFFC000  }
0x8d: {  	[hbm4b:s1+s7] =	stream.strided.scatter [tilespmem:s18], [sflag:$0xC], $0x4000, s8, s7, $0x38;
	[tilespmem:$0x18C00] =	vst v63  }
0x8e: {  	_ =	swait.ge [sflag:s17], $0x4000  }
0x8f: {  	[sflag:s17] =	ssyncset.done $0x0  }
0x90: {  	s1 =	rddreg [dreg:$0x10];
	[sflag:s17] =	ssyncadd.s32 $0xFFFFC000  }
0x91: {  	[tilespmem:s30], [sflag:$0xD] =	stream.linear.gather [hbm4b:s1+s2], $0x200, $0x38;
	[tilespmem:$0x18C00] =	vst v63  }
0x92: {  	_ =	swait.ge [sflag:s12], $0x200  }
0x93: {  	[sflag:s12] =	ssyncset.done $0x0  }
0x94: {  	[sflag:s12] =	ssyncadd.s32 $0xFFFFFE00  }
0x95: {  	[tilespmem:s24], [sflag:$0x3] =	stream.indirect.gather [hbm4b:s9+s13], $0x20, s30, s13, $0xb8;
	[tilespmem:$0x18C00] =	vst v63  }
0x96: {  	_ =	swait.ge [sflag:s10], $0x4000  }
0x97: {  	[sflag:s10] =	ssyncset.done $0x0  }
0x98: {  	s1 =	rddreg [dreg:$0x11];
	[sflag:s10] =	ssyncadd.s32 $0xFFFFC000  }
0x99: {  	[hbm4b:s1+s7] =	stream.strided.scatter [tilespmem:s6], [sflag:$0x7], $0x4000, s8, s7, $0x38;
	[tilespmem:$0x18C00] =	vst v63  }
0x9a: {  	_ =	swait.ge [sflag:s16], $0x4000  }
0x9b: {  	[sflag:s16] =	ssyncset.done $0x0  }
0x9c: {  	s1 =	rddreg [dreg:$0x12];
	[sflag:s16] =	ssyncadd.s32 $0xFFFFC000  }
0x9d: {  	[tilespmem:s29], [sflag:$0xD] =	stream.linear.gather [hbm4b:s1+s2], $0x200, $0x38;
	[tilespmem:$0x18C00] =	vst v63  }
0x9e: {  	_ =	swait.ge [sflag:s12], $0x200  }
0x9f: {  	[sflag:s12] =	ssyncset.done $0x0  }
0xa0: {  	[sflag:s12] =	ssyncadd.s32 $0xFFFFFE00  }
0xa1: {  	[tilespmem:s22], [sflag:$0x4] =	stream.indirect.gather [hbm4b:s9+s13], $0x20, s29, s13, $0xb8;
	[tilespmem:$0x18C00] =	vst v63  }
0xa2: {  	_ =	swait.ge [sflag:s11], $0x4000  }
0xa3: {  	[sflag:s11] =	ssyncset.done $0x0  }
0xa4: {  	s1 =	rddreg [dreg:$0x13];
	[sflag:s11] =	ssyncadd.s32 $0xFFFFC000  }
0xa5: {  	[hbm4b:s1+s7] =	stream.strided.scatter [tilespmem:s3], [sflag:$0x8], $0x4000, s8, s7, $0x38;
	[tilespmem:$0x18C00] =	vst v63  }
0xa6: {  	_ =	swait.ge [sflag:s15], $0x4000  }
0xa7: {  	[sflag:s15] =	ssyncset.done $0x0  }
0xa8: {  	s1 =	rddreg [dreg:$0x14];
	[sflag:s15] =	ssyncadd.s32 $0xFFFFC000  }
0xa9: {  	[tilespmem:s28], [sflag:$0xD] =	stream.linear.gather [hbm4b:s1+s2], $0x200, $0x38;
	[tilespmem:$0x18C00] =	vst v63  }
0xaa: {  	_ =	swait.ge [sflag:s12], $0x200  }
0xab: {  	[sflag:s12] =	ssyncset.done $0x0  }
0xac: {  	[sflag:s12] =	ssyncadd.s32 $0xFFFFFE00  }
0xad: {  	[tilespmem:s20], [sflag:$0x5] =	stream.indirect.gather [hbm4b:s9+s13], $0x20, s28, s13, $0xb8;
	[tilespmem:$0x18C00] =	vst v63  }
0xae: {  	_ =	swait.ge [sflag:s26], $0x4000  }
0xaf: {  	[sflag:s26] =	ssyncset.done $0x0  }
0xb0: {  	s1 =	rddreg [dreg:$0x15];
	[sflag:s26] =	ssyncadd.s32 $0xFFFFC000  }
0xb1: {  	[hbm4b:s1+s7] =	stream.strided.scatter [tilespmem:s24], [sflag:$0x9], $0x4000, s8, s7, $0x38;
	[tilespmem:$0x18C00] =	vst v63  }
0xb2: {  	_ =	swait.ge [sflag:s14], $0x4000  }
0xb3: {  	[sflag:s14] =	ssyncset.done $0x0  }
0xb4: {  	s1 =	rddreg [dreg:$0x16];
	[sflag:s14] =	ssyncadd.s32 $0xFFFFC000  }
0xb5: {  	[tilespmem:s25], [sflag:$0xD] =	stream.linear.gather [hbm4b:s1+s2], $0x200, $0x38;
	[tilespmem:$0x18C00] =	vst v63  }
0xb6: {  	_ =	swait.ge [sflag:s12], $0x200  }
0xb7: {  	[sflag:s12] =	ssyncset.done $0x0  }
0xb8: {  	[sflag:s12] =	ssyncadd.s32 $0xFFFFFE00  }
0xb9: {  	[tilespmem:s18], [sflag:$0x6] =	stream.indirect.gather [hbm4b:s9+s13], $0x20, s25, s13, $0xb8;
	[tilespmem:$0x18C00] =	vst v63  }
0xba: {  	_ =	swait.ge [sflag:s23], $0x4000  }
0xbb: {  	[sflag:s23] =	ssyncset.done $0x0  }
0xbc: {  	s1 =	rddreg [dreg:$0x17];
	[sflag:s23] =	ssyncadd.s32 $0xFFFFC000  }
0xbd: {  	[hbm4b:s1+s7] =	stream.strided.scatter [tilespmem:s22], [sflag:$0xA], $0x4000, s8, s7, $0x38;
	[tilespmem:$0x18C00] =	vst v63  }
0xbe: {  	_ =	swait.ge [sflag:s4], $0x4000  }
0xbf: {  	[sflag:s4] =	ssyncset.done $0x0  }
0xc0: {  	s1 =	rddreg [dreg:$0x18];
	[sflag:s4] =	ssyncadd.s32 $0xFFFFC000  }
0xc1: {  	[tilespmem:s2], [sflag:$0xD] =	stream.linear.gather [hbm4b:s1+s2], $0x200, $0x38;
	[tilespmem:$0x18C00] =	vst v63  }
0xc2: {  	_ =	swait.ge [sflag:s12], $0x200  }
0xc3: {  	[sflag:s12] =	ssyncset.done $0x0  }
0xc4: {  	[sflag:s12] =	ssyncadd.s32 $0xFFFFFE00  }
0xc5: {  	[tilespmem:s6], [sflag:$0x1] =	stream.indirect.gather [hbm4b:s9+s13], $0x20, s2, s13, $0xb8;
	[tilespmem:$0x18C00] =	vst v63  }
0xc6: {  	_ =	swait.ge [sflag:s21], $0x4000  }
0xc7: {  	[sflag:s21] =	ssyncset.done $0x0  }
0xc8: {  	s1 =	rddreg [dreg:$0x19];
	[sflag:s21] =	ssyncadd.s32 $0xFFFFC000  }
0xc9: {  	[hbm4b:s1+s7] =	stream.strided.scatter [tilespmem:s20], [sflag:$0xB], $0x4000, s8, s7, $0x38;
	[tilespmem:$0x18C00] =	vst v63  }
0xca: {  	_ =	swait.ge [sflag:s5], $0x4000  }
0xcb: {  	[sflag:s5] =	ssyncset.done $0x0  }
0xcc: {  	s1 =	rddreg [dreg:$0x1a];
	[sflag:s5] =	ssyncadd.s32 $0xFFFFC000  }
0xcd: {  	[tilespmem:s13], [sflag:$0xD] =	stream.linear.gather [hbm4b:s1+s2], $0x200, $0x38;
	[tilespmem:$0x18C00] =	vst v63  }
0xce: {  	_ =	swait.ge [sflag:s12], $0x200  }
0xcf: {  	[sflag:s12] =	ssyncset.done $0x0  }
0xd0: {  	[sflag:s12] =	ssyncadd.s32 $0xFFFFFE00  }
0xd1: {  	[tilespmem:s3], [sflag:$0x2] =	stream.indirect.gather [hbm4b:s9+s13], $0x20, s13, s13, $0xb8;
	[tilespmem:$0x18C00] =	vst v63  }
0xd2: {  	_ =	swait.ge [sflag:s19], $0x4000  }
0xd3: {  	[sflag:s19] =	ssyncset.done $0x0  }
0xd4: {  	s1 =	rddreg [dreg:$0x1b];
	[sflag:s19] =	ssyncadd.s32 $0xFFFFC000  }
0xd5: {  	[hbm4b:s1+s7] =	stream.strided.scatter [tilespmem:s18], [sflag:$0xC], $0x4000, s8, s7, $0x38;
	[tilespmem:$0x18C00] =	vst v63  }
0xd6: {  	_ =	swait.ge [sflag:s17], $0x4000  }
0xd7: {  	[sflag:s17] =	ssyncset.done $0x0  }
0xd8: {  	s1 =	rddreg [dreg:$0x1c];
	[sflag:s17] =	ssyncadd.s32 $0xFFFFC000  }
0xd9: {  	[tilespmem:s30], [sflag:$0xD] =	stream.linear.gather [hbm4b:s1+s2], $0x200, $0x38;
	[tilespmem:$0x18C00] =	vst v63  }
0xda: {  	_ =	swait.ge [sflag:s12], $0x200  }
0xdb: {  	[sflag:s12] =	ssyncset.done $0x0  }
0xdc: {  	[sflag:s12] =	ssyncadd.s32 $0xFFFFFE00  }
0xdd: {  	[tilespmem:s24], [sflag:$0x3] =	stream.indirect.gather [hbm4b:s9+s13], $0x20, s30, s13, $0xb8;
	[tilespmem:$0x18C00] =	vst v63  }
0xde: {  	_ =	swait.ge [sflag:s10], $0x4000  }
0xdf: {  	[sflag:s10] =	ssyncset.done $0x0  }
0xe0: {  	s1 =	rddreg [dreg:$0x1d];
	[sflag:s10] =	ssyncadd.s32 $0xFFFFC000  }
0xe1: {  	[hbm4b:s1+s7] =	stream.strided.scatter [tilespmem:s6], [sflag:$0x7], $0x4000, s8, s7, $0x38;
	[tilespmem:$0x18C00] =	vst v63  }
0xe2: {  	_ =	swait.ge [sflag:s16], $0x4000  }
0xe3: {  	[sflag:s16] =	ssyncset.done $0x0  }
0xe4: {  	s1 =	rddreg [dreg:$0x1e];
	[sflag:s16] =	ssyncadd.s32 $0xFFFFC000  }
0xe5: {  	[tilespmem:s29], [sflag:$0xD] =	stream.linear.gather [hbm4b:s1+s2], $0x200, $0x38;
	[tilespmem:$0x18C00] =	vst v63  }
0xe6: {  	_ =	swait.ge [sflag:s12], $0x200  }
0xe7: {  	[sflag:s12] =	ssyncset.done $0x0  }
0xe8: {  	[sflag:s12] =	ssyncadd.s32 $0xFFFFFE00  }
0xe9: {  	[tilespmem:s22], [sflag:$0x4] =	stream.indirect.gather [hbm4b:s9+s13], $0x20, s29, s13, $0xb8;
	[tilespmem:$0x18C00] =	vst v63  }
0xea: {  	_ =	swait.ge [sflag:s11], $0x4000  }
0xeb: {  	[sflag:s11] =	ssyncset.done $0x0  }
0xec: {  	s1 =	rddreg [dreg:$0x1f];
	[sflag:s11] =	ssyncadd.s32 $0xFFFFC000  }
0xed: {  	[hbm4b:s1+s7] =	stream.strided.scatter [tilespmem:s3], [sflag:$0x8], $0x4000, s8, s7, $0x38;
	[tilespmem:$0x18C00] =	vst v63  }
0xee: {  	_ =	swait.ge [sflag:s15], $0x4000  }
0xef: {  	s1 =	sld [smem:$0x7E7]  }
0xf0: {  	[sflag:s15] =	ssyncset.done $0x0  }
0xf1: {  	[sflag:s15] =	ssyncadd.s32 $0xFFFFC000  }
0xf2: {  	[tilespmem:s28], [sflag:$0xD] =	stream.linear.gather [hbm4b:s1+s2], $0x200, $0x38;
	[tilespmem:$0x18C00] =	vst v63  }
0xf3: {  	_ =	swait.ge [sflag:s12], $0x200  }
0xf4: {  	[sflag:s12] =	ssyncset.done $0x0  }
0xf5: {  	[sflag:s12] =	ssyncadd.s32 $0xFFFFFE00  }
0xf6: {  	[tilespmem:s20], [sflag:$0x5] =	stream.indirect.gather [hbm4b:s9+s13], $0x20, s28, s13, $0xb8;
	[tilespmem:$0x18C00] =	vst v63  }
0xf7: {  	_ =	swait.ge [sflag:s26], $0x4000  }
0xf8: {  	s1 =	sld [smem:$0x7E8]  }
0xf9: {  	[sflag:s26] =	ssyncset.done $0x0  }
0xfa: {  	[sflag:s26] =	ssyncadd.s32 $0xFFFFC000  }
0xfb: {  	[hbm4b:s1+s7] =	stream.strided.scatter [tilespmem:s24], [sflag:$0x9], $0x4000, s8, s7, $0x38;
	[tilespmem:$0x18C00] =	vst v63  }
0xfc: {  	_ =	swait.ge [sflag:s14], $0x4000  }
0xfd: {  	s1 =	sld [smem:$0x7E9]  }
0xfe: {  	[sflag:s14] =	ssyncset.done $0x0  }
0xff: {  	[sflag:s14] =	ssyncadd.s32 $0xFFFFC000  }
0x100: {  	[tilespmem:s25], [sflag:$0xD] =	stream.linear.gather [hbm4b:s1+s2], $0x200, $0x38;
	[tilespmem:$0x18C00] =	vst v63  }
0x101: {  	_ =	swait.ge [sflag:s12], $0x200  }
0x102: {  	[sflag:s12] =	ssyncset.done $0x0  }
0x103: {  	[sflag:s12] =	ssyncadd.s32 $0xFFFFFE00  }
0x104: {  	[tilespmem:s18], [sflag:$0x6] =	stream.indirect.gather [hbm4b:s9+s13], $0x20, s25, s13, $0xb8;
	[tilespmem:$0x18C00] =	vst v63  }
0x105: {  	_ =	swait.ge [sflag:s23], $0x4000  }
0x106: {  	s1 =	sld [smem:$0x7EA]  }
0x107: {  	[sflag:s23] =	ssyncset.done $0x0  }
0x108: {  	[sflag:s23] =	ssyncadd.s32 $0xFFFFC000  }
0x109: {  	[hbm4b:s1+s7] =	stream.strided.scatter [tilespmem:s22], [sflag:$0xA], $0x4000, s8, s7, $0x38;
	[tilespmem:$0x18C00] =	vst v63  }
0x10a: {  	_ =	swait.ge [sflag:s4], $0x4000  }
0x10b: {  	s1 =	sld [smem:$0x7EB]  }
0x10c: {  	[sflag:s4] =	ssyncset.done $0x0  }
0x10d: {  	[sflag:s4] =	ssyncadd.s32 $0xFFFFC000  }
0x10e: {  	[tilespmem:s2], [sflag:$0xD] =	stream.linear.gather [hbm4b:s1+s2], $0x200, $0x38;
	[tilespmem:$0x18C00] =	vst v63  }
0x10f: {  	_ =	swait.ge [sflag:s12], $0x200  }
0x110: {  	[sflag:s12] =	ssyncset.done $0x0  }
0x111: {  	[sflag:s12] =	ssyncadd.s32 $0xFFFFFE00  }
0x112: {  	[tilespmem:s6], [sflag:$0x1] =	stream.indirect.gather [hbm4b:s9+s13], $0x20, s2, s13, $0xb8;
	[tilespmem:$0x18C00] =	vst v63  }
0x113: {  	_ =	swait.ge [sflag:s21], $0x4000  }
0x114: {  	s1 =	sld [smem:$0x7EC]  }
0x115: {  	[sflag:s21] =	ssyncset.done $0x0  }
0x116: {  	[sflag:s21] =	ssyncadd.s32 $0xFFFFC000  }
0x117: {  	[hbm4b:s1+s7] =	stream.strided.scatter [tilespmem:s20], [sflag:$0xB], $0x4000, s8, s7, $0x38;
	[tilespmem:$0x18C00] =	vst v63  }
0x118: {  	_ =	swait.ge [sflag:s5], $0x4000  }
0x119: {  	s1 =	sld [smem:$0x7ED]  }
0x11a: {  	[sflag:s5] =	ssyncset.done $0x0  }
0x11b: {  	[sflag:s5] =	ssyncadd.s32 $0xFFFFC000  }
0x11c: {  	[tilespmem:s13], [sflag:$0xD] =	stream.linear.gather [hbm4b:s1+s2], $0x200, $0x38;
	[tilespmem:$0x18C00] =	vst v63  }
0x11d: {  	_ =	swait.ge [sflag:s12], $0x200  }
0x11e: {  	[sflag:s12] =	ssyncset.done $0x0  }
0x11f: {  	[sflag:s12] =	ssyncadd.s32 $0xFFFFFE00  }
0x120: {  	[tilespmem:s3], [sflag:$0x2] =	stream.indirect.gather [hbm4b:s9+s13], $0x20, s13, s13, $0xb8;
	[tilespmem:$0x18C00] =	vst v63  }
0x121: {  	_ =	swait.ge [sflag:s19], $0x4000  }
0x122: {  	s1 =	sld [smem:$0x7EE]  }
0x123: {  	[sflag:s19] =	ssyncset.done $0x0  }
0x124: {  	[sflag:s19] =	ssyncadd.s32 $0xFFFFC000  }
0x125: {  	[hbm4b:s1+s7] =	stream.strided.scatter [tilespmem:s18], [sflag:$0xC], $0x4000, s8, s7, $0x38;
	[tilespmem:$0x18C00] =	vst v63  }
0x126: {  	_ =	swait.ge [sflag:s17], $0x4000  }
0x127: {  	s1 =	sld [smem:$0x7EF]  }
0x128: {  	[sflag:s17] =	ssyncset.done $0x0  }
0x129: {  	[sflag:s17] =	ssyncadd.s32 $0xFFFFC000  }
0x12a: {  	[tilespmem:s30], [sflag:$0xD] =	stream.linear.gather [hbm4b:s1+s2], $0x200, $0x38;
	[tilespmem:$0x18C00] =	vst v63  }
0x12b: {  	_ =	swait.ge [sflag:s12], $0x200  }
0x12c: {  	[sflag:s12] =	ssyncset.done $0x0  }
0x12d: {  	[sflag:s12] =	ssyncadd.s32 $0xFFFFFE00  }
0x12e: {  	[tilespmem:s24], [sflag:$0x3] =	stream.indirect.gather [hbm4b:s9+s13], $0x20, s30, s13, $0xb8;
	[tilespmem:$0x18C00] =	vst v63  }
0x12f: {  	_ =	swait.ge [sflag:s10], $0x4000  }
0x130: {  	s1 =	sld [smem:$0x7F0]  }
0x131: {  	[sflag:s10] =	ssyncset.done $0x0  }
0x132: {  	[sflag:s10] =	ssyncadd.s32 $0xFFFFC000  }
0x133: {  	[hbm4b:s1+s7] =	stream.strided.scatter [tilespmem:s6], [sflag:$0x7], $0x4000, s8, s7, $0x38;
	[tilespmem:$0x18C00] =	vst v63  }
0x134: {  	_ =	swait.ge [sflag:s16], $0x4000  }
0x135: {  	s1 =	sld [smem:$0x7F1]  }
0x136: {  	[sflag:s16] =	ssyncset.done $0x0  }
0x137: {  	[sflag:s16] =	ssyncadd.s32 $0xFFFFC000  }
0x138: {  	[tilespmem:s29], [sflag:$0xD] =	stream.linear.gather [hbm4b:s1+s2], $0x200, $0x38;
	[tilespmem:$0x18C00] =	vst v63  }
0x139: {  	_ =	swait.ge [sflag:s12], $0x200  }
0x13a: {  	[sflag:s12] =	ssyncset.done $0x0  }
0x13b: {  	[sflag:s12] =	ssyncadd.s32 $0xFFFFFE00  }
0x13c: {  	[tilespmem:s22], [sflag:$0x4] =	stream.indirect.gather [hbm4b:s9+s13], $0x20, s29, s13, $0xb8;
	[tilespmem:$0x18C00] =	vst v63  }
0x13d: {  	_ =	swait.ge [sflag:s11], $0x4000  }
0x13e: {  	s1 =	sld [smem:$0x7F2]  }
0x13f: {  	[sflag:s11] =	ssyncset.done $0x0  }
0x140: {  	[sflag:s11] =	ssyncadd.s32 $0xFFFFC000  }
0x141: {  	[hbm4b:s1+s7] =	stream.strided.scatter [tilespmem:s3], [sflag:$0x8], $0x4000, s8, s7, $0x38;
	[tilespmem:$0x18C00] =	vst v63  }
0x142: {  	_ =	swait.ge [sflag:s15], $0x4000  }
0x143: {  	s1 =	sld [smem:$0x7F3]  }
0x144: {  	[sflag:s15] =	ssyncset.done $0x0  }
0x145: {  	[sflag:s15] =	ssyncadd.s32 $0xFFFFC000  }
0x146: {  	[tilespmem:s28], [sflag:$0xD] =	stream.linear.gather [hbm4b:s1+s2], $0x200, $0x38;
	[tilespmem:$0x18C00] =	vst v63  }
0x147: {  	_ =	swait.ge [sflag:s12], $0x200  }
0x148: {  	[sflag:s12] =	ssyncset.done $0x0  }
0x149: {  	[sflag:s12] =	ssyncadd.s32 $0xFFFFFE00  }
0x14a: {  	[tilespmem:s20], [sflag:$0x5] =	stream.indirect.gather [hbm4b:s9+s13], $0x20, s28, s13, $0xb8;
	[tilespmem:$0x18C00] =	vst v63  }
0x14b: {  	_ =	swait.ge [sflag:s26], $0x4000  }
0x14c: {  	s1 =	sld [smem:$0x7F4]  }
0x14d: {  	[sflag:s26] =	ssyncset.done $0x0  }
0x14e: {  	[sflag:s26] =	ssyncadd.s32 $0xFFFFC000  }
0x14f: {  	[hbm4b:s1+s7] =	stream.strided.scatter [tilespmem:s24], [sflag:$0x9], $0x4000, s8, s7, $0x38;
	[tilespmem:$0x18C00] =	vst v63  }
0x150: {  	_ =	swait.ge [sflag:s14], $0x4000  }
0x151: {  	s1 =	sld [smem:$0x7F5]  }
0x152: {  	[sflag:s14] =	ssyncset.done $0x0  }
0x153: {  	[sflag:s14] =	ssyncadd.s32 $0xFFFFC000  }
0x154: {  	[tilespmem:s25], [sflag:$0xD] =	stream.linear.gather [hbm4b:s1+s2], $0x200, $0x38;
	[tilespmem:$0x18C00] =	vst v63  }
0x155: {  	_ =	swait.ge [sflag:s12], $0x200  }
0x156: {  	[sflag:s12] =	ssyncset.done $0x0  }
0x157: {  	[sflag:s12] =	ssyncadd.s32 $0xFFFFFE00  }
0x158: {  	[tilespmem:s18], [sflag:$0x6] =	stream.indirect.gather [hbm4b:s9+s13], $0x20, s25, s13, $0xb8;
	[tilespmem:$0x18C00] =	vst v63  }
0x159: {  	_ =	swait.ge [sflag:s23], $0x4000  }
0x15a: {  	s1 =	sld [smem:$0x7F6]  }
0x15b: {  	[sflag:s23] =	ssyncset.done $0x0  }
0x15c: {  	[sflag:s23] =	ssyncadd.s32 $0xFFFFC000  }
0x15d: {  	[hbm4b:s1+s7] =	stream.strided.scatter [tilespmem:s22], [sflag:$0xA], $0x4000, s8, s7, $0x38;
	[tilespmem:$0x18C00] =	vst v63  }
0x15e: {  	_ =	swait.ge [sflag:s4], $0x4000  }
0x15f: {  	s1 =	sld [smem:$0x7F7]  }
0x160: {  	[sflag:s4] =	ssyncset.done $0x0  }
0x161: {  	[sflag:s4] =	ssyncadd.s32 $0xFFFFC000  }
0x162: {  	[tilespmem:s2], [sflag:$0xD] =	stream.linear.gather [hbm4b:s1+s2], $0x200, $0x38;
	[tilespmem:$0x18C00] =	vst v63  }
0x163: {  	_ =	swait.ge [sflag:s12], $0x200  }
0x164: {  	[sflag:s12] =	ssyncset.done $0x0  }
0x165: {  	[sflag:s12] =	ssyncadd.s32 $0xFFFFFE00  }
0x166: {  	[tilespmem:s6], [sflag:$0x1] =	stream.indirect.gather [hbm4b:s9+s13], $0x20, s2, s13, $0xb8;
	[tilespmem:$0x18C00] =	vst v63  }
0x167: {  	_ =	swait.ge [sflag:s21], $0x4000  }
0x168: {  	s1 =	sld [smem:$0x7F8]  }
0x169: {  	[sflag:s21] =	ssyncset.done $0x0  }
0x16a: {  	[sflag:s21] =	ssyncadd.s32 $0xFFFFC000  }
0x16b: {  	[hbm4b:s1+s7] =	stream.strided.scatter [tilespmem:s20], [sflag:$0xB], $0x4000, s8, s7, $0x38;
	[tilespmem:$0x18C00] =	vst v63  }
0x16c: {  	_ =	swait.ge [sflag:s5], $0x4000  }
0x16d: {  	s1 =	sld [smem:$0x7F9]  }
0x16e: {  	[sflag:s5] =	ssyncset.done $0x0  }
0x16f: {  	[sflag:s5] =	ssyncadd.s32 $0xFFFFC000  }
0x170: {  	[tilespmem:s13], [sflag:$0xD] =	stream.linear.gather [hbm4b:s1+s2], $0x200, $0x38;
	[tilespmem:$0x18C00] =	vst v63  }
0x171: {  	_ =	swait.ge [sflag:s12], $0x200  }
0x172: {  	[sflag:s12] =	ssyncset.done $0x0  }
0x173: {  	[sflag:s12] =	ssyncadd.s32 $0xFFFFFE00  }
0x174: {  	[tilespmem:s3], [sflag:$0x2] =	stream.indirect.gather [hbm4b:s9+s13], $0x20, s13, s13, $0xb8;
	[tilespmem:$0x18C00] =	vst v63  }
0x175: {  	_ =	swait.ge [sflag:s19], $0x4000  }
0x176: {  	s1 =	sld [smem:$0x7FA]  }
0x177: {  	[sflag:s19] =	ssyncset.done $0x0  }
0x178: {  	[sflag:s19] =	ssyncadd.s32 $0xFFFFC000  }
0x179: {  	[hbm4b:s1+s7] =	stream.strided.scatter [tilespmem:s18], [sflag:$0xC], $0x4000, s8, s7, $0x38;
	[tilespmem:$0x18C00] =	vst v63  }
0x17a: {  	_ =	swait.ge [sflag:s10], $0x4000  }
0x17b: {  	s1 =	sld [smem:$0x7FB]  }
0x17c: {  	[sflag:s10] =	ssyncset.done $0x0  }
0x17d: {  	[sflag:s10] =	ssyncadd.s32 $0xFFFFC000  }
0x17e: {  	[hbm4b:s1+s7] =	stream.strided.scatter [tilespmem:s6], [sflag:$0x7], $0x4000, s8, s7, $0x38;
	[tilespmem:$0x18C00] =	vst v63  }
0x17f: {  	_ =	swait.ge [sflag:s11], $0x4000  }
0x180: {  	s1 =	sld [smem:$0x7FD]  }
0x181: {  	[sflag:s11] =	ssyncset.done $0x0  }
0x182: {  	[sflag:s11] =	ssyncadd.s32 $0xFFFFC000  }
0x183: {  	[hbm4b:s1+s7] =	stream.strided.scatter [tilespmem:s3], [sflag:$0x8], $0x4000, s8, s7, $0x38;
	[tilespmem:$0x18C00] =	vst v63  }
0x184: {  	_ =	swait.ge [sflag:s17], $0x4000  }
0x185: {  	[sflag:s17] =	ssyncset.done $0x0  }
0x186: {  	[sflag:s17] =	ssyncadd.s32 $0xFFFFC000  }
0x187: {  	_ =	swait.ge [sflag:s16], $0x4000  }
0x188: {  	[sflag:s16] =	ssyncset.done $0x0  }
0x189: {  	[sflag:s16] =	ssyncadd.s32 $0xFFFFC000  }
0x18a: {  	_ =	swait.ge [sflag:s15], $0x4000  }
0x18b: {  	[sflag:s15] =	ssyncset.done $0x0  }
0x18c: {  	[sflag:s15] =	ssyncadd.s32 $0xFFFFC000  }
0x18d: {  	_ =	swait.ge [sflag:s14], $0x4000  }
0x18e: {  	[sflag:s14] =	ssyncset.done $0x0  }
0x18f: {  	p1 =	sne.s32 s31, $0x1;
	[sflag:s14] =	ssyncadd.s32 $0xFFFFC000  }
.Ltmp1:
0x190: {  	_ =	swait.ge [sflag:s4], $0x4000;
	(pc) =	sbr.rel @!p1 .LBB2_3-.Ltmp1, $4  }
0x191: {  	[sflag:s4] =	ssyncset.done $0x0  }
0x192: {  	[sflag:s4] =	ssyncadd.s32 $0xFFFFC000  }
0x193: {  	p0 =	por $0x1, $0x1;
	_ =	swait.ge [sflag:s5], $0x4000  }
0x194: {  	s1 =	sadd.s32 $0xFFFFFFFF, s31;
	s0 =	rddreg [dreg:$0x3];
	[sflag:s5] =	ssyncset.done $0x0  }
.LBB2_4:
0x195: {  	[sflag:s5] =	ssyncadd.s32 $0xFFFFC000  }
0x196: {  	[tilespmem:s2], [sflag:$0xD] =	stream.linear.gather [hbm4b:s0+s2], $0x200, $0x38;
	[tilespmem:$0x18C00] =	vst v63  }
0x197: {  	_ =	swait.ge [sflag:s12], $0x200  }
0x198: {  	[sflag:s12] =	ssyncset.done $0x0  }
0x199: {  	[sflag:s12] =	ssyncadd.s32 $0xFFFFFE00  }
0x19a: {  	[tilespmem:s6], [sflag:$0x1] =	stream.indirect.gather [hbm4b:s9+s13], $0x20, s2, s13, $0xb8;
	[tilespmem:$0x18C00] =	vst v63  }
0x19b: {  	s31 =	rddreg [dreg:$0x4]  }
0x19c: {  	[tilespmem:s13], [sflag:$0xD] =	stream.linear.gather [hbm4b:s31+s2], $0x200, $0x38;
	[tilespmem:$0x18C00] =	vst v63  }
0x19d: {  	_ =	swait.ge [sflag:s12], $0x200  }
0x19e: {  	[sflag:s12] =	ssyncset.done $0x0  }
0x19f: {  	[sflag:s12] =	ssyncadd.s32 $0xFFFFFE00  }
0x1a0: {  	[tilespmem:s3], [sflag:$0x2] =	stream.indirect.gather [hbm4b:s9+s13], $0x20, s13, s13, $0xb8;
	[tilespmem:$0x18C00] =	vst v63  }
0x1a1: {  	s31 =	rddreg [dreg:$0x5]  }
0x1a2: {  	[tilespmem:s30], [sflag:$0xD] =	stream.linear.gather [hbm4b:s31+s2], $0x200, $0x38;
	[tilespmem:$0x18C00] =	vst v63  }
0x1a3: {  	_ =	swait.ge [sflag:s12], $0x200  }
0x1a4: {  	[sflag:s12] =	ssyncset.done $0x0  }
0x1a5: {  	[sflag:s12] =	ssyncadd.s32 $0xFFFFFE00  }
0x1a6: {  	[tilespmem:s24], [sflag:$0x3] =	stream.indirect.gather [hbm4b:s9+s13], $0x20, s30, s13, $0xb8;
	[tilespmem:$0x18C00] =	vst v63  }
0x1a7: {  	_ =	swait.ge [sflag:s10], $0x4000  }
0x1a8: {  	s31 =	sld [smem:$0x7FC]  }
0x1a9: {  	[sflag:s10] =	ssyncset.done $0x0  }
0x1aa: {  	[sflag:s10] =	ssyncadd.s32 $0xFFFFC000  }
0x1ab: {  	[hbm4b:s31+s7] =	stream.strided.scatter [tilespmem:s6], [sflag:$0x7], $0x4000, s8, s7, $0x38;
	[tilespmem:$0x18C00] =	vst v63  }
0x1ac: {  	s0 =	rddreg [dreg:$0x6]  }
0x1ad: {  	[tilespmem:s29], [sflag:$0xD] =	stream.linear.gather [hbm4b:s0+s2], $0x200, $0x38;
	[tilespmem:$0x18C00] =	vst v63  }
0x1ae: {  	_ =	swait.ge [sflag:s12], $0x200  }
0x1af: {  	[sflag:s12] =	ssyncset.done $0x0  }
0x1b0: {  	[sflag:s12] =	ssyncadd.s32 $0xFFFFFE00  }
0x1b1: {  	[tilespmem:s22], [sflag:$0x4] =	stream.indirect.gather [hbm4b:s9+s13], $0x20, s29, s13, $0xb8;
	[tilespmem:$0x18C00] =	vst v63  }
0x1b2: {  	_ =	swait.ge [sflag:s11], $0x4000  }
0x1b3: {  	[sflag:s11] =	ssyncset.done $0x0  }
0x1b4: {  	s0 =	rddreg [dreg:$0x7];
	[sflag:s11] =	ssyncadd.s32 $0xFFFFC000  }
0x1b5: {  	[hbm4b:s0+s7] =	stream.strided.scatter [tilespmem:s3], [sflag:$0x8], $0x4000, s8, s7, $0x38;
	[tilespmem:$0x18C00] =	vst v63  }
0x1b6: {  	s31 =	rddreg [dreg:$0x8]  }
0x1b7: {  	[tilespmem:s28], [sflag:$0xD] =	stream.linear.gather [hbm4b:s31+s2], $0x200, $0x38;
	[tilespmem:$0x18C00] =	vst v63  }
0x1b8: {  	_ =	swait.ge [sflag:s12], $0x200  }
0x1b9: {  	[sflag:s12] =	ssyncset.done $0x0  }
0x1ba: {  	[sflag:s12] =	ssyncadd.s32 $0xFFFFFE00  }
0x1bb: {  	[tilespmem:s20], [sflag:$0x5] =	stream.indirect.gather [hbm4b:s9+s13], $0x20, s28, s13, $0xb8;
	[tilespmem:$0x18C00] =	vst v63  }
0x1bc: {  	_ =	swait.ge [sflag:s26], $0x4000  }
0x1bd: {  	[sflag:s26] =	ssyncset.done $0x0  }
0x1be: {  	s0 =	rddreg [dreg:$0x9];
	[sflag:s26] =	ssyncadd.s32 $0xFFFFC000  }
0x1bf: {  	[hbm4b:s0+s7] =	stream.strided.scatter [tilespmem:s24], [sflag:$0x9], $0x4000, s8, s7, $0x38;
	[tilespmem:$0x18C00] =	vst v63  }
0x1c0: {  	s31 =	rddreg [dreg:$0xa]  }
0x1c1: {  	[tilespmem:s25], [sflag:$0xD] =	stream.linear.gather [hbm4b:s31+s2], $0x200, $0x38;
	[tilespmem:$0x18C00] =	vst v63  }
0x1c2: {  	_ =	swait.ge [sflag:s12], $0x200  }
0x1c3: {  	[sflag:s12] =	ssyncset.done $0x0  }
0x1c4: {  	[sflag:s12] =	ssyncadd.s32 $0xFFFFFE00  }
0x1c5: {  	[tilespmem:s18], [sflag:$0x6] =	stream.indirect.gather [hbm4b:s9+s13], $0x20, s25, s13, $0xb8;
	[tilespmem:$0x18C00] =	vst v63  }
0x1c6: {  	_ =	swait.ge [sflag:s23], $0x4000  }
0x1c7: {  	[sflag:s23] =	ssyncset.done $0x0  }
0x1c8: {  	s31 =	rddreg [dreg:$0xb];
	[sflag:s23] =	ssyncadd.s32 $0xFFFFC000  }
0x1c9: {  	[hbm4b:s31+s7] =	stream.strided.scatter [tilespmem:s22], [sflag:$0xA], $0x4000, s8, s7, $0x38;
	[tilespmem:$0x18C00] =	vst v63  }
0x1ca: {  	_ =	swait.ge [sflag:s4], $0x4000  }
0x1cb: {  	[sflag:s4] =	ssyncset.done $0x0  }
0x1cc: {  	s31 =	rddreg [dreg:$0xc];
	[sflag:s4] =	ssyncadd.s32 $0xFFFFC000  }
0x1cd: {  	[tilespmem:s2], [sflag:$0xD] =	stream.linear.gather [hbm4b:s31+s2], $0x200, $0x38;
	[tilespmem:$0x18C00] =	vst v63  }
0x1ce: {  	_ =	swait.ge [sflag:s12], $0x200  }
0x1cf: {  	[sflag:s12] =	ssyncset.done $0x0  }
0x1d0: {  	[sflag:s12] =	ssyncadd.s32 $0xFFFFFE00  }
0x1d1: {  	[tilespmem:s6], [sflag:$0x1] =	stream.indirect.gather [hbm4b:s9+s13], $0x20, s2, s13, $0xb8;
	[tilespmem:$0x18C00] =	vst v63  }
0x1d2: {  	_ =	swait.ge [sflag:s21], $0x4000  }
0x1d3: {  	[sflag:s21] =	ssyncset.done $0x0  }
0x1d4: {  	s31 =	rddreg [dreg:$0xd];
	[sflag:s21] =	ssyncadd.s32 $0xFFFFC000  }
0x1d5: {  	[hbm4b:s31+s7] =	stream.strided.scatter [tilespmem:s20], [sflag:$0xB], $0x4000, s8, s7, $0x38;
	[tilespmem:$0x18C00] =	vst v63  }
0x1d6: {  	_ =	swait.ge [sflag:s5], $0x4000  }
0x1d7: {  	[sflag:s5] =	ssyncset.done $0x0  }
0x1d8: {  	s31 =	rddreg [dreg:$0xe];
	[sflag:s5] =	ssyncadd.s32 $0xFFFFC000  }
0x1d9: {  	[tilespmem:s13], [sflag:$0xD] =	stream.linear.gather [hbm4b:s31+s2], $0x200, $0x38;
	[tilespmem:$0x18C00] =	vst v63  }
0x1da: {  	_ =	swait.ge [sflag:s12], $0x200  }
0x1db: {  	[sflag:s12] =	ssyncset.done $0x0  }
0x1dc: {  	[sflag:s12] =	ssyncadd.s32 $0xFFFFFE00  }
0x1dd: {  	[tilespmem:s3], [sflag:$0x2] =	stream.indirect.gather [hbm4b:s9+s13], $0x20, s13, s13, $0xb8;
	[tilespmem:$0x18C00] =	vst v63  }
0x1de: {  	_ =	swait.ge [sflag:s19], $0x4000  }
0x1df: {  	[sflag:s19] =	ssyncset.done $0x0  }
0x1e0: {  	s31 =	rddreg [dreg:$0xf];
	[sflag:s19] =	ssyncadd.s32 $0xFFFFC000  }
0x1e1: {  	[hbm4b:s31+s7] =	stream.strided.scatter [tilespmem:s18], [sflag:$0xC], $0x4000, s8, s7, $0x38;
	[tilespmem:$0x18C00] =	vst v63  }
0x1e2: {  	_ =	swait.ge [sflag:s17], $0x4000  }
0x1e3: {  	[sflag:s17] =	ssyncset.done $0x0  }
0x1e4: {  	s31 =	rddreg [dreg:$0x10];
	[sflag:s17] =	ssyncadd.s32 $0xFFFFC000  }
0x1e5: {  	[tilespmem:s30], [sflag:$0xD] =	stream.linear.gather [hbm4b:s31+s2], $0x200, $0x38;
	[tilespmem:$0x18C00] =	vst v63  }
0x1e6: {  	_ =	swait.ge [sflag:s12], $0x200  }
0x1e7: {  	[sflag:s12] =	ssyncset.done $0x0  }
0x1e8: {  	[sflag:s12] =	ssyncadd.s32 $0xFFFFFE00  }
0x1e9: {  	[tilespmem:s24], [sflag:$0x3] =	stream.indirect.gather [hbm4b:s9+s13], $0x20, s30, s13, $0xb8;
	[tilespmem:$0x18C00] =	vst v63  }
0x1ea: {  	_ =	swait.ge [sflag:s10], $0x4000  }
0x1eb: {  	[sflag:s10] =	ssyncset.done $0x0  }
0x1ec: {  	s31 =	rddreg [dreg:$0x11];
	[sflag:s10] =	ssyncadd.s32 $0xFFFFC000  }
0x1ed: {  	[hbm4b:s31+s7] =	stream.strided.scatter [tilespmem:s6], [sflag:$0x7], $0x4000, s8, s7, $0x38;
	[tilespmem:$0x18C00] =	vst v63  }
0x1ee: {  	_ =	swait.ge [sflag:s16], $0x4000  }
0x1ef: {  	[sflag:s16] =	ssyncset.done $0x0  }
0x1f0: {  	s31 =	rddreg [dreg:$0x12];
	[sflag:s16] =	ssyncadd.s32 $0xFFFFC000  }
0x1f1: {  	[tilespmem:s29], [sflag:$0xD] =	stream.linear.gather [hbm4b:s31+s2], $0x200, $0x38;
	[tilespmem:$0x18C00] =	vst v63  }
0x1f2: {  	_ =	swait.ge [sflag:s12], $0x200  }
0x1f3: {  	[sflag:s12] =	ssyncset.done $0x0  }
0x1f4: {  	[sflag:s12] =	ssyncadd.s32 $0xFFFFFE00  }
0x1f5: {  	[tilespmem:s22], [sflag:$0x4] =	stream.indirect.gather [hbm4b:s9+s13], $0x20, s29, s13, $0xb8;
	[tilespmem:$0x18C00] =	vst v63  }
0x1f6: {  	_ =	swait.ge [sflag:s11], $0x4000  }
0x1f7: {  	[sflag:s11] =	ssyncset.done $0x0  }
0x1f8: {  	s31 =	rddreg [dreg:$0x13];
	[sflag:s11] =	ssyncadd.s32 $0xFFFFC000  }
0x1f9: {  	[hbm4b:s31+s7] =	stream.strided.scatter [tilespmem:s3], [sflag:$0x8], $0x4000, s8, s7, $0x38;
	[tilespmem:$0x18C00] =	vst v63  }
0x1fa: {  	_ =	swait.ge [sflag:s15], $0x4000  }
0x1fb: {  	[sflag:s15] =	ssyncset.done $0x0  }
0x1fc: {  	s31 =	rddreg [dreg:$0x14];
	[sflag:s15] =	ssyncadd.s32 $0xFFFFC000  }
0x1fd: {  	[tilespmem:s28], [sflag:$0xD] =	stream.linear.gather [hbm4b:s31+s2], $0x200, $0x38;
	[tilespmem:$0x18C00] =	vst v63  }
0x1fe: {  	_ =	swait.ge [sflag:s12], $0x200  }
0x1ff: {  	[sflag:s12] =	ssyncset.done $0x0  }
0x200: {  	[sflag:s12] =	ssyncadd.s32 $0xFFFFFE00  }
0x201: {  	[tilespmem:s20], [sflag:$0x5] =	stream.indirect.gather [hbm4b:s9+s13], $0x20, s28, s13, $0xb8;
	[tilespmem:$0x18C00] =	vst v63  }
0x202: {  	_ =	swait.ge [sflag:s26], $0x4000  }
0x203: {  	[sflag:s26] =	ssyncset.done $0x0  }
0x204: {  	s31 =	rddreg [dreg:$0x15];
	[sflag:s26] =	ssyncadd.s32 $0xFFFFC000  }
0x205: {  	[hbm4b:s31+s7] =	stream.strided.scatter [tilespmem:s24], [sflag:$0x9], $0x4000, s8, s7, $0x38;
	[tilespmem:$0x18C00] =	vst v63  }
0x206: {  	_ =	swait.ge [sflag:s14], $0x4000  }
0x207: {  	[sflag:s14] =	ssyncset.done $0x0  }
0x208: {  	s31 =	rddreg [dreg:$0x16];
	[sflag:s14] =	ssyncadd.s32 $0xFFFFC000  }
0x209: {  	[tilespmem:s25], [sflag:$0xD] =	stream.linear.gather [hbm4b:s31+s2], $0x200, $0x38;
	[tilespmem:$0x18C00] =	vst v63  }
0x20a: {  	_ =	swait.ge [sflag:s12], $0x200  }
0x20b: {  	[sflag:s12] =	ssyncset.done $0x0  }
0x20c: {  	[sflag:s12] =	ssyncadd.s32 $0xFFFFFE00  }
0x20d: {  	[tilespmem:s18], [sflag:$0x6] =	stream.indirect.gather [hbm4b:s9+s13], $0x20, s25, s13, $0xb8;
	[tilespmem:$0x18C00] =	vst v63  }
0x20e: {  	_ =	swait.ge [sflag:s23], $0x4000  }
0x20f: {  	[sflag:s23] =	ssyncset.done $0x0  }
0x210: {  	s31 =	rddreg [dreg:$0x17];
	[sflag:s23] =	ssyncadd.s32 $0xFFFFC000  }
0x211: {  	[hbm4b:s31+s7] =	stream.strided.scatter [tilespmem:s22], [sflag:$0xA], $0x4000, s8, s7, $0x38;
	[tilespmem:$0x18C00] =	vst v63  }
0x212: {  	_ =	swait.ge [sflag:s4], $0x4000  }
0x213: {  	[sflag:s4] =	ssyncset.done $0x0  }
0x214: {  	s31 =	rddreg [dreg:$0x18];
	[sflag:s4] =	ssyncadd.s32 $0xFFFFC000  }
0x215: {  	[tilespmem:s2], [sflag:$0xD] =	stream.linear.gather [hbm4b:s31+s2], $0x200, $0x38;
	[tilespmem:$0x18C00] =	vst v63  }
0x216: {  	_ =	swait.ge [sflag:s12], $0x200  }
0x217: {  	[sflag:s12] =	ssyncset.done $0x0  }
0x218: {  	[sflag:s12] =	ssyncadd.s32 $0xFFFFFE00  }
0x219: {  	[tilespmem:s6], [sflag:$0x1] =	stream.indirect.gather [hbm4b:s9+s13], $0x20, s2, s13, $0xb8;
	[tilespmem:$0x18C00] =	vst v63  }
0x21a: {  	_ =	swait.ge [sflag:s21], $0x4000  }
0x21b: {  	[sflag:s21] =	ssyncset.done $0x0  }
0x21c: {  	s31 =	rddreg [dreg:$0x19];
	[sflag:s21] =	ssyncadd.s32 $0xFFFFC000  }
0x21d: {  	[hbm4b:s31+s7] =	stream.strided.scatter [tilespmem:s20], [sflag:$0xB], $0x4000, s8, s7, $0x38;
	[tilespmem:$0x18C00] =	vst v63  }
0x21e: {  	_ =	swait.ge [sflag:s5], $0x4000  }
0x21f: {  	[sflag:s5] =	ssyncset.done $0x0  }
0x220: {  	s31 =	rddreg [dreg:$0x1a];
	[sflag:s5] =	ssyncadd.s32 $0xFFFFC000  }
0x221: {  	[tilespmem:s13], [sflag:$0xD] =	stream.linear.gather [hbm4b:s31+s2], $0x200, $0x38;
	[tilespmem:$0x18C00] =	vst v63  }
0x222: {  	_ =	swait.ge [sflag:s12], $0x200  }
0x223: {  	[sflag:s12] =	ssyncset.done $0x0  }
0x224: {  	[sflag:s12] =	ssyncadd.s32 $0xFFFFFE00  }
0x225: {  	[tilespmem:s3], [sflag:$0x2] =	stream.indirect.gather [hbm4b:s9+s13], $0x20, s13, s13, $0xb8;
	[tilespmem:$0x18C00] =	vst v63  }
0x226: {  	_ =	swait.ge [sflag:s19], $0x4000  }
0x227: {  	[sflag:s19] =	ssyncset.done $0x0  }
0x228: {  	s31 =	rddreg [dreg:$0x1b];
	[sflag:s19] =	ssyncadd.s32 $0xFFFFC000  }
0x229: {  	[hbm4b:s31+s7] =	stream.strided.scatter [tilespmem:s18], [sflag:$0xC], $0x4000, s8, s7, $0x38;
	[tilespmem:$0x18C00] =	vst v63  }
0x22a: {  	_ =	swait.ge [sflag:s17], $0x4000  }
0x22b: {  	[sflag:s17] =	ssyncset.done $0x0  }
0x22c: {  	s31 =	rddreg [dreg:$0x1c];
	[sflag:s17] =	ssyncadd.s32 $0xFFFFC000  }
0x22d: {  	[tilespmem:s30], [sflag:$0xD] =	stream.linear.gather [hbm4b:s31+s2], $0x200, $0x38;
	[tilespmem:$0x18C00] =	vst v63  }
0x22e: {  	_ =	swait.ge [sflag:s12], $0x200  }
0x22f: {  	[sflag:s12] =	ssyncset.done $0x0  }
0x230: {  	[sflag:s12] =	ssyncadd.s32 $0xFFFFFE00  }
0x231: {  	[tilespmem:s24], [sflag:$0x3] =	stream.indirect.gather [hbm4b:s9+s13], $0x20, s30, s13, $0xb8;
	[tilespmem:$0x18C00] =	vst v63  }
0x232: {  	_ =	swait.ge [sflag:s10], $0x4000  }
0x233: {  	[sflag:s10] =	ssyncset.done $0x0  }
0x234: {  	s31 =	rddreg [dreg:$0x1d];
	[sflag:s10] =	ssyncadd.s32 $0xFFFFC000  }
0x235: {  	[hbm4b:s31+s7] =	stream.strided.scatter [tilespmem:s6], [sflag:$0x7], $0x4000, s8, s7, $0x38;
	[tilespmem:$0x18C00] =	vst v63  }
0x236: {  	_ =	swait.ge [sflag:s16], $0x4000  }
0x237: {  	[sflag:s16] =	ssyncset.done $0x0  }
0x238: {  	s31 =	rddreg [dreg:$0x1e];
	[sflag:s16] =	ssyncadd.s32 $0xFFFFC000  }
0x239: {  	[tilespmem:s29], [sflag:$0xD] =	stream.linear.gather [hbm4b:s31+s2], $0x200, $0x38;
	[tilespmem:$0x18C00] =	vst v63  }
0x23a: {  	_ =	swait.ge [sflag:s12], $0x200  }
0x23b: {  	[sflag:s12] =	ssyncset.done $0x0  }
0x23c: {  	[sflag:s12] =	ssyncadd.s32 $0xFFFFFE00  }
0x23d: {  	[tilespmem:s22], [sflag:$0x4] =	stream.indirect.gather [hbm4b:s9+s13], $0x20, s29, s13, $0xb8;
	[tilespmem:$0x18C00] =	vst v63  }
0x23e: {  	_ =	swait.ge [sflag:s11], $0x4000  }
0x23f: {  	[sflag:s11] =	ssyncset.done $0x0  }
0x240: {  	s31 =	rddreg [dreg:$0x1f];
	[sflag:s11] =	ssyncadd.s32 $0xFFFFC000  }
0x241: {  	[hbm4b:s31+s7] =	stream.strided.scatter [tilespmem:s3], [sflag:$0x8], $0x4000, s8, s7, $0x38;
	[tilespmem:$0x18C00] =	vst v63  }
0x242: {  	_ =	swait.ge [sflag:s15], $0x4000  }
0x243: {  	s31 =	sld [smem:$0x7E7]  }
0x244: {  	[sflag:s15] =	ssyncset.done $0x0  }
0x245: {  	[sflag:s15] =	ssyncadd.s32 $0xFFFFC000  }
0x246: {  	[tilespmem:s28], [sflag:$0xD] =	stream.linear.gather [hbm4b:s31+s2], $0x200, $0x38;
	[tilespmem:$0x18C00] =	vst v63  }
0x247: {  	_ =	swait.ge [sflag:s12], $0x200  }
0x248: {  	[sflag:s12] =	ssyncset.done $0x0  }
0x249: {  	[sflag:s12] =	ssyncadd.s32 $0xFFFFFE00  }
0x24a: {  	[tilespmem:s20], [sflag:$0x5] =	stream.indirect.gather [hbm4b:s9+s13], $0x20, s28, s13, $0xb8;
	[tilespmem:$0x18C00] =	vst v63  }
0x24b: {  	_ =	swait.ge [sflag:s26], $0x4000  }
0x24c: {  	s31 =	sld [smem:$0x7E8]  }
0x24d: {  	[sflag:s26] =	ssyncset.done $0x0  }
0x24e: {  	[sflag:s26] =	ssyncadd.s32 $0xFFFFC000  }
0x24f: {  	[hbm4b:s31+s7] =	stream.strided.scatter [tilespmem:s24], [sflag:$0x9], $0x4000, s8, s7, $0x38;
	[tilespmem:$0x18C00] =	vst v63  }
0x250: {  	_ =	swait.ge [sflag:s14], $0x4000  }
0x251: {  	s31 =	sld [smem:$0x7E9]  }
0x252: {  	[sflag:s14] =	ssyncset.done $0x0  }
0x253: {  	[sflag:s14] =	ssyncadd.s32 $0xFFFFC000  }
0x254: {  	[tilespmem:s25], [sflag:$0xD] =	stream.linear.gather [hbm4b:s31+s2], $0x200, $0x38;
	[tilespmem:$0x18C00] =	vst v63  }
0x255: {  	_ =	swait.ge [sflag:s12], $0x200  }
0x256: {  	[sflag:s12] =	ssyncset.done $0x0  }
0x257: {  	[sflag:s12] =	ssyncadd.s32 $0xFFFFFE00  }
0x258: {  	[tilespmem:s18], [sflag:$0x6] =	stream.indirect.gather [hbm4b:s9+s13], $0x20, s25, s13, $0xb8;
	[tilespmem:$0x18C00] =	vst v63  }
0x259: {  	_ =	swait.ge [sflag:s23], $0x4000  }
0x25a: {  	s31 =	sld [smem:$0x7EA]  }
0x25b: {  	[sflag:s23] =	ssyncset.done $0x0  }
0x25c: {  	[sflag:s23] =	ssyncadd.s32 $0xFFFFC000  }
0x25d: {  	[hbm4b:s31+s7] =	stream.strided.scatter [tilespmem:s22], [sflag:$0xA], $0x4000, s8, s7, $0x38;
	[tilespmem:$0x18C00] =	vst v63  }
0x25e: {  	_ =	swait.ge [sflag:s4], $0x4000  }
0x25f: {  	s31 =	sld [smem:$0x7EB]  }
0x260: {  	[sflag:s4] =	ssyncset.done $0x0  }
0x261: {  	[sflag:s4] =	ssyncadd.s32 $0xFFFFC000  }
0x262: {  	[tilespmem:s2], [sflag:$0xD] =	stream.linear.gather [hbm4b:s31+s2], $0x200, $0x38;
	[tilespmem:$0x18C00] =	vst v63  }
0x263: {  	_ =	swait.ge [sflag:s12], $0x200  }
0x264: {  	[sflag:s12] =	ssyncset.done $0x0  }
0x265: {  	[sflag:s12] =	ssyncadd.s32 $0xFFFFFE00  }
0x266: {  	[tilespmem:s6], [sflag:$0x1] =	stream.indirect.gather [hbm4b:s9+s13], $0x20, s2, s13, $0xb8;
	[tilespmem:$0x18C00] =	vst v63  }
0x267: {  	_ =	swait.ge [sflag:s21], $0x4000  }
0x268: {  	s31 =	sld [smem:$0x7EC]  }
0x269: {  	[sflag:s21] =	ssyncset.done $0x0  }
0x26a: {  	[sflag:s21] =	ssyncadd.s32 $0xFFFFC000  }
0x26b: {  	[hbm4b:s31+s7] =	stream.strided.scatter [tilespmem:s20], [sflag:$0xB], $0x4000, s8, s7, $0x38;
	[tilespmem:$0x18C00] =	vst v63  }
0x26c: {  	_ =	swait.ge [sflag:s5], $0x4000  }
0x26d: {  	s31 =	sld [smem:$0x7ED]  }
0x26e: {  	[sflag:s5] =	ssyncset.done $0x0  }
0x26f: {  	[sflag:s5] =	ssyncadd.s32 $0xFFFFC000  }
0x270: {  	[tilespmem:s13], [sflag:$0xD] =	stream.linear.gather [hbm4b:s31+s2], $0x200, $0x38;
	[tilespmem:$0x18C00] =	vst v63  }
0x271: {  	_ =	swait.ge [sflag:s12], $0x200  }
0x272: {  	[sflag:s12] =	ssyncset.done $0x0  }
0x273: {  	[sflag:s12] =	ssyncadd.s32 $0xFFFFFE00  }
0x274: {  	[tilespmem:s3], [sflag:$0x2] =	stream.indirect.gather [hbm4b:s9+s13], $0x20, s13, s13, $0xb8;
	[tilespmem:$0x18C00] =	vst v63  }
0x275: {  	_ =	swait.ge [sflag:s19], $0x4000  }
0x276: {  	s31 =	sld [smem:$0x7EE]  }
0x277: {  	[sflag:s19] =	ssyncset.done $0x0  }
0x278: {  	[sflag:s19] =	ssyncadd.s32 $0xFFFFC000  }
0x279: {  	[hbm4b:s31+s7] =	stream.strided.scatter [tilespmem:s18], [sflag:$0xC], $0x4000, s8, s7, $0x38;
	[tilespmem:$0x18C00] =	vst v63  }
0x27a: {  	_ =	swait.ge [sflag:s17], $0x4000  }
0x27b: {  	s31 =	sld [smem:$0x7EF]  }
0x27c: {  	[sflag:s17] =	ssyncset.done $0x0  }
0x27d: {  	[sflag:s17] =	ssyncadd.s32 $0xFFFFC000  }
0x27e: {  	[tilespmem:s30], [sflag:$0xD] =	stream.linear.gather [hbm4b:s31+s2], $0x200, $0x38;
	[tilespmem:$0x18C00] =	vst v63  }
0x27f: {  	_ =	swait.ge [sflag:s12], $0x200  }
0x280: {  	[sflag:s12] =	ssyncset.done $0x0  }
0x281: {  	[sflag:s12] =	ssyncadd.s32 $0xFFFFFE00  }
0x282: {  	[tilespmem:s24], [sflag:$0x3] =	stream.indirect.gather [hbm4b:s9+s13], $0x20, s30, s13, $0xb8;
	[tilespmem:$0x18C00] =	vst v63  }
0x283: {  	_ =	swait.ge [sflag:s10], $0x4000  }
0x284: {  	s31 =	sld [smem:$0x7F0]  }
0x285: {  	[sflag:s10] =	ssyncset.done $0x0  }
0x286: {  	[sflag:s10] =	ssyncadd.s32 $0xFFFFC000  }
0x287: {  	[hbm4b:s31+s7] =	stream.strided.scatter [tilespmem:s6], [sflag:$0x7], $0x4000, s8, s7, $0x38;
	[tilespmem:$0x18C00] =	vst v63  }
0x288: {  	_ =	swait.ge [sflag:s16], $0x4000  }
0x289: {  	s31 =	sld [smem:$0x7F1]  }
0x28a: {  	[sflag:s16] =	ssyncset.done $0x0  }
0x28b: {  	[sflag:s16] =	ssyncadd.s32 $0xFFFFC000  }
0x28c: {  	[tilespmem:s29], [sflag:$0xD] =	stream.linear.gather [hbm4b:s31+s2], $0x200, $0x38;
	[tilespmem:$0x18C00] =	vst v63  }
0x28d: {  	_ =	swait.ge [sflag:s12], $0x200  }
0x28e: {  	[sflag:s12] =	ssyncset.done $0x0  }
0x28f: {  	[sflag:s12] =	ssyncadd.s32 $0xFFFFFE00  }
0x290: {  	[tilespmem:s22], [sflag:$0x4] =	stream.indirect.gather [hbm4b:s9+s13], $0x20, s29, s13, $0xb8;
	[tilespmem:$0x18C00] =	vst v63  }
0x291: {  	_ =	swait.ge [sflag:s11], $0x4000  }
0x292: {  	s31 =	sld [smem:$0x7F2]  }
0x293: {  	[sflag:s11] =	ssyncset.done $0x0  }
0x294: {  	[sflag:s11] =	ssyncadd.s32 $0xFFFFC000  }
0x295: {  	[hbm4b:s31+s7] =	stream.strided.scatter [tilespmem:s3], [sflag:$0x8], $0x4000, s8, s7, $0x38;
	[tilespmem:$0x18C00] =	vst v63  }
0x296: {  	_ =	swait.ge [sflag:s15], $0x4000  }
0x297: {  	s31 =	sld [smem:$0x7F3]  }
0x298: {  	[sflag:s15] =	ssyncset.done $0x0  }
0x299: {  	[sflag:s15] =	ssyncadd.s32 $0xFFFFC000  }
0x29a: {  	[tilespmem:s28], [sflag:$0xD] =	stream.linear.gather [hbm4b:s31+s2], $0x200, $0x38;
	[tilespmem:$0x18C00] =	vst v63  }
0x29b: {  	_ =	swait.ge [sflag:s12], $0x200  }
0x29c: {  	[sflag:s12] =	ssyncset.done $0x0  }
0x29d: {  	[sflag:s12] =	ssyncadd.s32 $0xFFFFFE00  }
0x29e: {  	[tilespmem:s20], [sflag:$0x5] =	stream.indirect.gather [hbm4b:s9+s13], $0x20, s28, s13, $0xb8;
	[tilespmem:$0x18C00] =	vst v63  }
0x29f: {  	_ =	swait.ge [sflag:s26], $0x4000  }
0x2a0: {  	s31 =	sld [smem:$0x7F4]  }
0x2a1: {  	[sflag:s26] =	ssyncset.done $0x0  }
0x2a2: {  	[sflag:s26] =	ssyncadd.s32 $0xFFFFC000  }
0x2a3: {  	[hbm4b:s31+s7] =	stream.strided.scatter [tilespmem:s24], [sflag:$0x9], $0x4000, s8, s7, $0x38;
	[tilespmem:$0x18C00] =	vst v63  }
0x2a4: {  	_ =	swait.ge [sflag:s14], $0x4000  }
0x2a5: {  	s31 =	sld [smem:$0x7F5]  }
0x2a6: {  	[sflag:s14] =	ssyncset.done $0x0  }
0x2a7: {  	[sflag:s14] =	ssyncadd.s32 $0xFFFFC000  }
0x2a8: {  	[tilespmem:s25], [sflag:$0xD] =	stream.linear.gather [hbm4b:s31+s2], $0x200, $0x38;
	[tilespmem:$0x18C00] =	vst v63  }
0x2a9: {  	_ =	swait.ge [sflag:s12], $0x200  }
0x2aa: {  	[sflag:s12] =	ssyncset.done $0x0  }
0x2ab: {  	[sflag:s12] =	ssyncadd.s32 $0xFFFFFE00  }
0x2ac: {  	[tilespmem:s18], [sflag:$0x6] =	stream.indirect.gather [hbm4b:s9+s13], $0x20, s25, s13, $0xb8;
	[tilespmem:$0x18C00] =	vst v63  }
0x2ad: {  	_ =	swait.ge [sflag:s23], $0x4000  }
0x2ae: {  	s31 =	sld [smem:$0x7F6]  }
0x2af: {  	[sflag:s23] =	ssyncset.done $0x0  }
0x2b0: {  	[sflag:s23] =	ssyncadd.s32 $0xFFFFC000  }
0x2b1: {  	[hbm4b:s31+s7] =	stream.strided.scatter [tilespmem:s22], [sflag:$0xA], $0x4000, s8, s7, $0x38;
	[tilespmem:$0x18C00] =	vst v63  }
0x2b2: {  	_ =	swait.ge [sflag:s4], $0x4000  }
0x2b3: {  	s31 =	sld [smem:$0x7F7]  }
0x2b4: {  	[sflag:s4] =	ssyncset.done $0x0  }
0x2b5: {  	[sflag:s4] =	ssyncadd.s32 $0xFFFFC000  }
0x2b6: {  	[tilespmem:s2], [sflag:$0xD] =	stream.linear.gather [hbm4b:s31+s2], $0x200, $0x38;
	[tilespmem:$0x18C00] =	vst v63  }
0x2b7: {  	_ =	swait.ge [sflag:s12], $0x200  }
0x2b8: {  	[sflag:s12] =	ssyncset.done $0x0  }
0x2b9: {  	[sflag:s12] =	ssyncadd.s32 $0xFFFFFE00  }
0x2ba: {  	[tilespmem:s6], [sflag:$0x1] =	stream.indirect.gather [hbm4b:s9+s13], $0x20, s2, s13, $0xb8;
	[tilespmem:$0x18C00] =	vst v63  }
0x2bb: {  	_ =	swait.ge [sflag:s21], $0x4000  }
0x2bc: {  	s31 =	sld [smem:$0x7F8]  }
0x2bd: {  	[sflag:s21] =	ssyncset.done $0x0  }
0x2be: {  	[sflag:s21] =	ssyncadd.s32 $0xFFFFC000  }
0x2bf: {  	[hbm4b:s31+s7] =	stream.strided.scatter [tilespmem:s20], [sflag:$0xB], $0x4000, s8, s7, $0x38;
	[tilespmem:$0x18C00] =	vst v63  }
0x2c0: {  	_ =	swait.ge [sflag:s5], $0x4000  }
0x2c1: {  	s31 =	sld [smem:$0x7F9]  }
0x2c2: {  	[sflag:s5] =	ssyncset.done $0x0  }
0x2c3: {  	[sflag:s5] =	ssyncadd.s32 $0xFFFFC000  }
0x2c4: {  	[tilespmem:s13], [sflag:$0xD] =	stream.linear.gather [hbm4b:s31+s2], $0x200, $0x38;
	[tilespmem:$0x18C00] =	vst v63  }
0x2c5: {  	_ =	swait.ge [sflag:s12], $0x200  }
0x2c6: {  	[sflag:s12] =	ssyncset.done $0x0  }
0x2c7: {  	[sflag:s12] =	ssyncadd.s32 $0xFFFFFE00  }
0x2c8: {  	[tilespmem:s3], [sflag:$0x2] =	stream.indirect.gather [hbm4b:s9+s13], $0x20, s13, s13, $0xb8;
	[tilespmem:$0x18C00] =	vst v63  }
0x2c9: {  	_ =	swait.ge [sflag:s19], $0x4000  }
0x2ca: {  	s31 =	sld [smem:$0x7FA]  }
0x2cb: {  	[sflag:s19] =	ssyncset.done $0x0  }
0x2cc: {  	[sflag:s19] =	ssyncadd.s32 $0xFFFFC000  }
0x2cd: {  	[hbm4b:s31+s7] =	stream.strided.scatter [tilespmem:s18], [sflag:$0xC], $0x4000, s8, s7, $0x38;
	[tilespmem:$0x18C00] =	vst v63  }
0x2ce: {  	_ =	swait.ge [sflag:s10], $0x4000  }
0x2cf: {  	s31 =	sld [smem:$0x7FB]  }
0x2d0: {  	[sflag:s10] =	ssyncset.done $0x0  }
0x2d1: {  	[sflag:s10] =	ssyncadd.s32 $0xFFFFC000  }
0x2d2: {  	[hbm4b:s31+s7] =	stream.strided.scatter [tilespmem:s6], [sflag:$0x7], $0x4000, s8, s7, $0x38;
	[tilespmem:$0x18C00] =	vst v63  }
0x2d3: {  	_ =	swait.ge [sflag:s11], $0x4000  }
0x2d4: {  	s31 =	sld [smem:$0x7FD]  }
0x2d5: {  	[sflag:s11] =	ssyncset.done $0x0  }
0x2d6: {  	[sflag:s11] =	ssyncadd.s32 $0xFFFFC000  }
0x2d7: {  	[hbm4b:s31+s7] =	stream.strided.scatter [tilespmem:s3], [sflag:$0x8], $0x4000, s8, s7, $0x38;
	[tilespmem:$0x18C00] =	vst v63  }
0x2d8: {  	_ =	swait.ge [sflag:s17], $0x4000  }
0x2d9: {  	[sflag:s17] =	ssyncset.done $0x0  }
0x2da: {  	[sflag:s17] =	ssyncadd.s32 $0xFFFFC000  }
0x2db: {  	_ =	swait.ge [sflag:s16], $0x4000  }
0x2dc: {  	[sflag:s16] =	ssyncset.done $0x0  }
0x2dd: {  	[sflag:s16] =	ssyncadd.s32 $0xFFFFC000  }
0x2de: {  	_ =	swait.ge [sflag:s15], $0x4000  }
0x2df: {  	[sflag:s15] =	ssyncset.done $0x0  }
0x2e0: {  	[sflag:s15] =	ssyncadd.s32 $0xFFFFC000  }
0x2e1: {  	_ =	swait.ge [sflag:s14], $0x4000  }
0x2e2: {  	[sflag:s14] =	ssyncset.done $0x0  }
0x2e3: {  	p1 =	sne.s32 s1, $0x1;
	[sflag:s14] =	ssyncadd.s32 $0xFFFFC000  }
.Ltmp2:
0x2e4: {  	_ =	swait.ge [sflag:s4], $0x4000;
	(pc) =	sbr.rel @p1 .LBB2_4-.Ltmp2, $4  }
0x2e5: {  	[sflag:s4] =	ssyncset.done $0x0  }
0x2e6: {  	[sflag:s4] =	ssyncadd.s32 $0xFFFFC000  }
0x2e7: {  	_ =	swait.ge [sflag:s5], $0x4000  }
0x2e8: {  	s1 =	sadd.s32 $0xFFFFFFFF, s1;
	s0 =	rddreg [dreg:$0x3];
	[sflag:s5] =	ssyncset.done $0x0  }
0x2e9: {  	s1 =	sld [smem:$0x7FC];
	s31 =	stileid.u32  }
.LBB2_6:
0x2ea: {  	[sflag:s5] =	ssyncadd.s32 @p0 $0xFFFFC000  }
0x2eb: {  	[tilespmem:s2], [sflag:$0xD] =	stream.linear.gather [hbm4b:s0+s2], $0x200, $0x38;
	[tilespmem:$0x18C00] =	vst v63  }
0x2ec: {  	_ =	swait.ge [sflag:s12], $0x200  }
0x2ed: {  	[sflag:s12] =	ssyncset.done $0x0  }
0x2ee: {  	[sflag:s12] =	ssyncadd.s32 $0xFFFFFE00  }
0x2ef: {  	[tilespmem:s6], [sflag:$0x1] =	stream.indirect.gather [hbm4b:s9+s13], $0x20, s2, s13, $0xb8;
	[tilespmem:$0x18C00] =	vst v63  }
0x2f0: {  	s0 =	rddreg [dreg:$0x4]  }
0x2f1: {  	[tilespmem:s13], [sflag:$0xD] =	stream.linear.gather [hbm4b:s0+s2], $0x200, $0x38;
	[tilespmem:$0x18C00] =	vst v63  }
0x2f2: {  	_ =	swait.ge [sflag:s12], $0x200  }
0x2f3: {  	[sflag:s12] =	ssyncset.done $0x0  }
0x2f4: {  	[sflag:s12] =	ssyncadd.s32 $0xFFFFFE00  }
0x2f5: {  	[tilespmem:s3], [sflag:$0x2] =	stream.indirect.gather [hbm4b:s9+s13], $0x20, s13, s13, $0xb8;
	[tilespmem:$0x18C00] =	vst v63  }
0x2f6: {  	s0 =	rddreg [dreg:$0x5]  }
0x2f7: {  	[tilespmem:s30], [sflag:$0xD] =	stream.linear.gather [hbm4b:s0+s2], $0x200, $0x38;
	[tilespmem:$0x18C00] =	vst v63  }
0x2f8: {  	_ =	swait.ge [sflag:s12], $0x200  }
0x2f9: {  	[sflag:s12] =	ssyncset.done $0x0  }
0x2fa: {  	[sflag:s12] =	ssyncadd.s32 $0xFFFFFE00  }
0x2fb: {  	[tilespmem:s24], [sflag:$0x3] =	stream.indirect.gather [hbm4b:s9+s13], $0x20, s30, s13, $0xb8;
	[tilespmem:$0x18C00] =	vst v63  }
0x2fc: {  	_ =	swait.ge [sflag:s10], $0x4000  }
0x2fd: {  	[sflag:s10] =	ssyncset.done $0x0  }
0x2fe: {  	[sflag:s10] =	ssyncadd.s32 $0xFFFFC000  }
0x2ff: {  	[hbm4b:s1+s7] =	stream.strided.scatter [tilespmem:s6], [sflag:$0x7], $0x4000, s8, s7, $0x38;
	[tilespmem:$0x18C00] =	vst v63  }
0x300: {  	s0 =	rddreg [dreg:$0x6]  }
0x301: {  	[tilespmem:s29], [sflag:$0xD] =	stream.linear.gather [hbm4b:s0+s2], $0x200, $0x38;
	[tilespmem:$0x18C00] =	vst v63  }
0x302: {  	_ =	swait.ge [sflag:s12], $0x200  }
0x303: {  	[sflag:s12] =	ssyncset.done $0x0  }
0x304: {  	[sflag:s12] =	ssyncadd.s32 $0xFFFFFE00  }
0x305: {  	[tilespmem:s22], [sflag:$0x4] =	stream.indirect.gather [hbm4b:s9+s13], $0x20, s29, s13, $0xb8;
	[tilespmem:$0x18C00] =	vst v63  }
0x306: {  	_ =	swait.ge [sflag:s11], $0x4000  }
0x307: {  	[sflag:s11] =	ssyncset.done $0x0  }
0x308: {  	s0 =	rddreg [dreg:$0x7];
	[sflag:s11] =	ssyncadd.s32 $0xFFFFC000  }
0x309: {  	[hbm4b:s0+s7] =	stream.strided.scatter [tilespmem:s3], [sflag:$0x8], $0x4000, s8, s7, $0x38;
	[tilespmem:$0x18C00] =	vst v63  }
0x30a: {  	s1 =	rddreg [dreg:$0x8]  }
0x30b: {  	[tilespmem:s28], [sflag:$0xD] =	stream.linear.gather [hbm4b:s1+s2], $0x200, $0x38;
	[tilespmem:$0x18C00] =	vst v63  }
0x30c: {  	_ =	swait.ge [sflag:s12], $0x200  }
0x30d: {  	[sflag:s12] =	ssyncset.done $0x0  }
0x30e: {  	[sflag:s12] =	ssyncadd.s32 $0xFFFFFE00  }
0x30f: {  	[tilespmem:s20], [sflag:$0x5] =	stream.indirect.gather [hbm4b:s9+s13], $0x20, s28, s13, $0xb8;
	[tilespmem:$0x18C00] =	vst v63  }
0x310: {  	_ =	swait.ge [sflag:s26], $0x4000  }
0x311: {  	[sflag:s26] =	ssyncset.done $0x0  }
0x312: {  	s0 =	rddreg [dreg:$0x9];
	[sflag:s26] =	ssyncadd.s32 $0xFFFFC000  }
0x313: {  	[hbm4b:s0+s7] =	stream.strided.scatter [tilespmem:s24], [sflag:$0x9], $0x4000, s8, s7, $0x38;
	[tilespmem:$0x18C00] =	vst v63  }
0x314: {  	s1 =	rddreg [dreg:$0xa]  }
0x315: {  	[tilespmem:s25], [sflag:$0xD] =	stream.linear.gather [hbm4b:s1+s2], $0x200, $0x38;
	[tilespmem:$0x18C00] =	vst v63  }
0x316: {  	_ =	swait.ge [sflag:s12], $0x200  }
0x317: {  	[sflag:s12] =	ssyncset.done $0x0  }
0x318: {  	[sflag:s12] =	ssyncadd.s32 $0xFFFFFE00  }
0x319: {  	[tilespmem:s18], [sflag:$0x6] =	stream.indirect.gather [hbm4b:s9+s13], $0x20, s25, s13, $0xb8;
	[tilespmem:$0x18C00] =	vst v63  }
0x31a: {  	_ =	swait.ge [sflag:s23], $0x4000  }
0x31b: {  	[sflag:s23] =	ssyncset.done $0x0  }
0x31c: {  	s1 =	rddreg [dreg:$0xb];
	[sflag:s23] =	ssyncadd.s32 $0xFFFFC000  }
0x31d: {  	[hbm4b:s1+s7] =	stream.strided.scatter [tilespmem:s22], [sflag:$0xA], $0x4000, s8, s7, $0x38;
	[tilespmem:$0x18C00] =	vst v63  }
0x31e: {  	_ =	swait.ge [sflag:s4], $0x4000  }
0x31f: {  	[sflag:s4] =	ssyncset.done $0x0  }
0x320: {  	s1 =	rddreg [dreg:$0xc];
	[sflag:s4] =	ssyncadd.s32 $0xFFFFC000  }
0x321: {  	[tilespmem:s2], [sflag:$0xD] =	stream.linear.gather [hbm4b:s1+s2], $0x200, $0x38;
	[tilespmem:$0x18C00] =	vst v63  }
0x322: {  	_ =	swait.ge [sflag:s12], $0x200  }
0x323: {  	[sflag:s12] =	ssyncset.done $0x0  }
0x324: {  	[sflag:s12] =	ssyncadd.s32 $0xFFFFFE00  }
0x325: {  	[tilespmem:s6], [sflag:$0x1] =	stream.indirect.gather [hbm4b:s9+s13], $0x20, s2, s13, $0xb8;
	[tilespmem:$0x18C00] =	vst v63  }
0x326: {  	_ =	swait.ge [sflag:s21], $0x4000  }
0x327: {  	[sflag:s21] =	ssyncset.done $0x0  }
0x328: {  	s1 =	rddreg [dreg:$0xd];
	[sflag:s21] =	ssyncadd.s32 $0xFFFFC000  }
0x329: {  	[hbm4b:s1+s7] =	stream.strided.scatter [tilespmem:s20], [sflag:$0xB], $0x4000, s8, s7, $0x38;
	[tilespmem:$0x18C00] =	vst v63  }
0x32a: {  	_ =	swait.ge [sflag:s5], $0x4000  }
0x32b: {  	[sflag:s5] =	ssyncset.done $0x0  }
0x32c: {  	s1 =	rddreg [dreg:$0xe];
	[sflag:s5] =	ssyncadd.s32 $0xFFFFC000  }
0x32d: {  	[tilespmem:s13], [sflag:$0xD] =	stream.linear.gather [hbm4b:s1+s2], $0x200, $0x38;
	[tilespmem:$0x18C00] =	vst v63  }
0x32e: {  	_ =	swait.ge [sflag:s12], $0x200  }
0x32f: {  	[sflag:s12] =	ssyncset.done $0x0  }
0x330: {  	[sflag:s12] =	ssyncadd.s32 $0xFFFFFE00  }
0x331: {  	[tilespmem:s3], [sflag:$0x2] =	stream.indirect.gather [hbm4b:s9+s13], $0x20, s13, s13, $0xb8;
	[tilespmem:$0x18C00] =	vst v63  }
0x332: {  	_ =	swait.ge [sflag:s19], $0x4000  }
0x333: {  	[sflag:s19] =	ssyncset.done $0x0  }
0x334: {  	s1 =	rddreg [dreg:$0xf];
	[sflag:s19] =	ssyncadd.s32 $0xFFFFC000  }
0x335: {  	[hbm4b:s1+s7] =	stream.strided.scatter [tilespmem:s18], [sflag:$0xC], $0x4000, s8, s7, $0x38;
	[tilespmem:$0x18C00] =	vst v63  }
0x336: {  	_ =	swait.ge [sflag:s17], $0x4000  }
0x337: {  	[sflag:s17] =	ssyncset.done $0x0  }
0x338: {  	s1 =	rddreg [dreg:$0x10];
	[sflag:s17] =	ssyncadd.s32 $0xFFFFC000  }
0x339: {  	[tilespmem:s30], [sflag:$0xD] =	stream.linear.gather [hbm4b:s1+s2], $0x200, $0x38;
	[tilespmem:$0x18C00] =	vst v63  }
0x33a: {  	_ =	swait.ge [sflag:s12], $0x200  }
0x33b: {  	[sflag:s12] =	ssyncset.done $0x0  }
0x33c: {  	[sflag:s12] =	ssyncadd.s32 $0xFFFFFE00  }
0x33d: {  	[tilespmem:s24], [sflag:$0x3] =	stream.indirect.gather [hbm4b:s9+s13], $0x20, s30, s13, $0xb8;
	[tilespmem:$0x18C00] =	vst v63  }
0x33e: {  	_ =	swait.ge [sflag:s10], $0x4000  }
0x33f: {  	[sflag:s10] =	ssyncset.done $0x0  }
0x340: {  	s1 =	rddreg [dreg:$0x11];
	[sflag:s10] =	ssyncadd.s32 $0xFFFFC000  }
0x341: {  	[hbm4b:s1+s7] =	stream.strided.scatter [tilespmem:s6], [sflag:$0x7], $0x4000, s8, s7, $0x38;
	[tilespmem:$0x18C00] =	vst v63  }
0x342: {  	_ =	swait.ge [sflag:s16], $0x4000  }
0x343: {  	[sflag:s16] =	ssyncset.done $0x0  }
0x344: {  	s1 =	rddreg [dreg:$0x12];
	[sflag:s16] =	ssyncadd.s32 $0xFFFFC000  }
0x345: {  	[tilespmem:s29], [sflag:$0xD] =	stream.linear.gather [hbm4b:s1+s2], $0x200, $0x38;
	[tilespmem:$0x18C00] =	vst v63  }
0x346: {  	_ =	swait.ge [sflag:s12], $0x200  }
0x347: {  	[sflag:s12] =	ssyncset.done $0x0  }
0x348: {  	[sflag:s12] =	ssyncadd.s32 $0xFFFFFE00  }
0x349: {  	[tilespmem:s22], [sflag:$0x4] =	stream.indirect.gather [hbm4b:s9+s13], $0x20, s29, s13, $0xb8;
	[tilespmem:$0x18C00] =	vst v63  }
0x34a: {  	_ =	swait.ge [sflag:s11], $0x4000  }
0x34b: {  	[sflag:s11] =	ssyncset.done $0x0  }
0x34c: {  	s1 =	rddreg [dreg:$0x13];
	[sflag:s11] =	ssyncadd.s32 $0xFFFFC000  }
0x34d: {  	[hbm4b:s1+s7] =	stream.strided.scatter [tilespmem:s3], [sflag:$0x8], $0x4000, s8, s7, $0x38;
	[tilespmem:$0x18C00] =	vst v63  }
0x34e: {  	_ =	swait.ge [sflag:s15], $0x4000  }
0x34f: {  	[sflag:s15] =	ssyncset.done $0x0  }
0x350: {  	s1 =	rddreg [dreg:$0x14];
	[sflag:s15] =	ssyncadd.s32 $0xFFFFC000  }
0x351: {  	[tilespmem:s28], [sflag:$0xD] =	stream.linear.gather [hbm4b:s1+s2], $0x200, $0x38;
	[tilespmem:$0x18C00] =	vst v63  }
0x352: {  	_ =	swait.ge [sflag:s12], $0x200  }
0x353: {  	[sflag:s12] =	ssyncset.done $0x0  }
0x354: {  	[sflag:s12] =	ssyncadd.s32 $0xFFFFFE00  }
0x355: {  	[tilespmem:s20], [sflag:$0x5] =	stream.indirect.gather [hbm4b:s9+s13], $0x20, s28, s13, $0xb8;
	[tilespmem:$0x18C00] =	vst v63  }
0x356: {  	_ =	swait.ge [sflag:s26], $0x4000  }
0x357: {  	[sflag:s26] =	ssyncset.done $0x0  }
0x358: {  	s1 =	rddreg [dreg:$0x15];
	[sflag:s26] =	ssyncadd.s32 $0xFFFFC000  }
0x359: {  	[hbm4b:s1+s7] =	stream.strided.scatter [tilespmem:s24], [sflag:$0x9], $0x4000, s8, s7, $0x38;
	[tilespmem:$0x18C00] =	vst v63  }
0x35a: {  	_ =	swait.ge [sflag:s14], $0x4000  }
0x35b: {  	[sflag:s14] =	ssyncset.done $0x0  }
0x35c: {  	s1 =	rddreg [dreg:$0x16];
	[sflag:s14] =	ssyncadd.s32 $0xFFFFC000  }
0x35d: {  	[tilespmem:s25], [sflag:$0xD] =	stream.linear.gather [hbm4b:s1+s2], $0x200, $0x38;
	[tilespmem:$0x18C00] =	vst v63  }
0x35e: {  	_ =	swait.ge [sflag:s12], $0x200  }
0x35f: {  	[sflag:s12] =	ssyncset.done $0x0  }
0x360: {  	[sflag:s12] =	ssyncadd.s32 $0xFFFFFE00  }
0x361: {  	[tilespmem:s18], [sflag:$0x6] =	stream.indirect.gather [hbm4b:s9+s13], $0x20, s25, s13, $0xb8;
	[tilespmem:$0x18C00] =	vst v63  }
0x362: {  	_ =	swait.ge [sflag:s23], $0x4000  }
0x363: {  	[sflag:s23] =	ssyncset.done $0x0  }
0x364: {  	s1 =	rddreg [dreg:$0x17];
	[sflag:s23] =	ssyncadd.s32 $0xFFFFC000  }
0x365: {  	[hbm4b:s1+s7] =	stream.strided.scatter [tilespmem:s22], [sflag:$0xA], $0x4000, s8, s7, $0x38;
	[tilespmem:$0x18C00] =	vst v63  }
0x366: {  	_ =	swait.ge [sflag:s4], $0x4000  }
0x367: {  	[sflag:s4] =	ssyncset.done $0x0  }
0x368: {  	s1 =	rddreg [dreg:$0x18];
	[sflag:s4] =	ssyncadd.s32 $0xFFFFC000  }
0x369: {  	[tilespmem:s2], [sflag:$0xD] =	stream.linear.gather [hbm4b:s1+s2], $0x200, $0x38;
	[tilespmem:$0x18C00] =	vst v63  }
0x36a: {  	_ =	swait.ge [sflag:s12], $0x200  }
0x36b: {  	[sflag:s12] =	ssyncset.done $0x0  }
0x36c: {  	[sflag:s12] =	ssyncadd.s32 $0xFFFFFE00  }
0x36d: {  	[tilespmem:s6], [sflag:$0x1] =	stream.indirect.gather [hbm4b:s9+s13], $0x20, s2, s13, $0xb8;
	[tilespmem:$0x18C00] =	vst v63  }
0x36e: {  	_ =	swait.ge [sflag:s21], $0x4000  }
0x36f: {  	[sflag:s21] =	ssyncset.done $0x0  }
0x370: {  	s1 =	rddreg [dreg:$0x19];
	[sflag:s21] =	ssyncadd.s32 $0xFFFFC000  }
0x371: {  	[hbm4b:s1+s7] =	stream.strided.scatter [tilespmem:s20], [sflag:$0xB], $0x4000, s8, s7, $0x38;
	[tilespmem:$0x18C00] =	vst v63  }
0x372: {  	_ =	swait.ge [sflag:s5], $0x4000  }
0x373: {  	[sflag:s5] =	ssyncset.done $0x0  }
0x374: {  	s1 =	rddreg [dreg:$0x1a];
	[sflag:s5] =	ssyncadd.s32 $0xFFFFC000  }
0x375: {  	[tilespmem:s13], [sflag:$0xD] =	stream.linear.gather [hbm4b:s1+s2], $0x200, $0x38;
	[tilespmem:$0x18C00] =	vst v63  }
0x376: {  	_ =	swait.ge [sflag:s12], $0x200  }
0x377: {  	[sflag:s12] =	ssyncset.done $0x0  }
0x378: {  	[sflag:s12] =	ssyncadd.s32 $0xFFFFFE00  }
0x379: {  	[tilespmem:s3], [sflag:$0x2] =	stream.indirect.gather [hbm4b:s9+s13], $0x20, s13, s13, $0xb8;
	[tilespmem:$0x18C00] =	vst v63  }
0x37a: {  	_ =	swait.ge [sflag:s19], $0x4000  }
0x37b: {  	[sflag:s19] =	ssyncset.done $0x0  }
0x37c: {  	s1 =	rddreg [dreg:$0x1b];
	[sflag:s19] =	ssyncadd.s32 $0xFFFFC000  }
0x37d: {  	[hbm4b:s1+s7] =	stream.strided.scatter [tilespmem:s18], [sflag:$0xC], $0x4000, s8, s7, $0x38;
	[tilespmem:$0x18C00] =	vst v63  }
0x37e: {  	_ =	swait.ge [sflag:s17], $0x4000  }
0x37f: {  	[sflag:s17] =	ssyncset.done $0x0  }
0x380: {  	s1 =	rddreg [dreg:$0x1c];
	[sflag:s17] =	ssyncadd.s32 $0xFFFFC000  }
0x381: {  	[tilespmem:s30], [sflag:$0xD] =	stream.linear.gather [hbm4b:s1+s2], $0x200, $0x38;
	[tilespmem:$0x18C00] =	vst v63  }
0x382: {  	_ =	swait.ge [sflag:s12], $0x200  }
0x383: {  	[sflag:s12] =	ssyncset.done $0x0  }
0x384: {  	[sflag:s12] =	ssyncadd.s32 $0xFFFFFE00  }
0x385: {  	[tilespmem:s24], [sflag:$0x3] =	stream.indirect.gather [hbm4b:s9+s13], $0x20, s30, s13, $0xb8;
	[tilespmem:$0x18C00] =	vst v63  }
0x386: {  	_ =	swait.ge [sflag:s10], $0x4000  }
0x387: {  	[sflag:s10] =	ssyncset.done $0x0  }
0x388: {  	s1 =	rddreg [dreg:$0x1d];
	[sflag:s10] =	ssyncadd.s32 $0xFFFFC000  }
0x389: {  	[hbm4b:s1+s7] =	stream.strided.scatter [tilespmem:s6], [sflag:$0x7], $0x4000, s8, s7, $0x38;
	[tilespmem:$0x18C00] =	vst v63  }
0x38a: {  	_ =	swait.ge [sflag:s16], $0x4000  }
0x38b: {  	[sflag:s16] =	ssyncset.done $0x0  }
0x38c: {  	s1 =	rddreg [dreg:$0x1e];
	[sflag:s16] =	ssyncadd.s32 $0xFFFFC000  }
0x38d: {  	[tilespmem:s29], [sflag:$0xD] =	stream.linear.gather [hbm4b:s1+s2], $0x200, $0x38;
	[tilespmem:$0x18C00] =	vst v63  }
0x38e: {  	_ =	swait.ge [sflag:s12], $0x200  }
0x38f: {  	[sflag:s12] =	ssyncset.done $0x0  }
0x390: {  	[sflag:s12] =	ssyncadd.s32 $0xFFFFFE00  }
0x391: {  	[tilespmem:s22], [sflag:$0x4] =	stream.indirect.gather [hbm4b:s9+s13], $0x20, s29, s13, $0xb8;
	[tilespmem:$0x18C00] =	vst v63  }
0x392: {  	_ =	swait.ge [sflag:s11], $0x4000  }
0x393: {  	[sflag:s11] =	ssyncset.done $0x0  }
0x394: {  	s1 =	rddreg [dreg:$0x1f];
	[sflag:s11] =	ssyncadd.s32 $0xFFFFC000  }
0x395: {  	[hbm4b:s1+s7] =	stream.strided.scatter [tilespmem:s3], [sflag:$0x8], $0x4000, s8, s7, $0x38;
	[tilespmem:$0x18C00] =	vst v63  }
0x396: {  	_ =	swait.ge [sflag:s15], $0x4000  }
0x397: {  	s1 =	sld [smem:$0x7E7]  }
0x398: {  	[sflag:s15] =	ssyncset.done $0x0  }
0x399: {  	[sflag:s15] =	ssyncadd.s32 $0xFFFFC000  }
0x39a: {  	[tilespmem:s28], [sflag:$0xD] =	stream.linear.gather [hbm4b:s1+s2], $0x200, $0x38;
	[tilespmem:$0x18C00] =	vst v63  }
0x39b: {  	_ =	swait.ge [sflag:s12], $0x200  }
0x39c: {  	[sflag:s12] =	ssyncset.done $0x0  }
0x39d: {  	[sflag:s12] =	ssyncadd.s32 $0xFFFFFE00  }
0x39e: {  	[tilespmem:s20], [sflag:$0x5] =	stream.indirect.gather [hbm4b:s9+s13], $0x20, s28, s13, $0xb8;
	[tilespmem:$0x18C00] =	vst v63  }
0x39f: {  	_ =	swait.ge [sflag:s26], $0x4000  }
0x3a0: {  	s1 =	sld [smem:$0x7E8]  }
0x3a1: {  	[sflag:s26] =	ssyncset.done $0x0  }
0x3a2: {  	[sflag:s26] =	ssyncadd.s32 $0xFFFFC000  }
0x3a3: {  	[hbm4b:s1+s7] =	stream.strided.scatter [tilespmem:s24], [sflag:$0x9], $0x4000, s8, s7, $0x38;
	[tilespmem:$0x18C00] =	vst v63  }
0x3a4: {  	_ =	swait.ge [sflag:s14], $0x4000  }
0x3a5: {  	s1 =	sld [smem:$0x7E9]  }
0x3a6: {  	[sflag:s14] =	ssyncset.done $0x0  }
0x3a7: {  	[sflag:s14] =	ssyncadd.s32 $0xFFFFC000  }
0x3a8: {  	[tilespmem:s25], [sflag:$0xD] =	stream.linear.gather [hbm4b:s1+s2], $0x200, $0x38;
	[tilespmem:$0x18C00] =	vst v63  }
0x3a9: {  	_ =	swait.ge [sflag:s12], $0x200  }
0x3aa: {  	[sflag:s12] =	ssyncset.done $0x0  }
0x3ab: {  	[sflag:s12] =	ssyncadd.s32 $0xFFFFFE00  }
0x3ac: {  	[tilespmem:s18], [sflag:$0x6] =	stream.indirect.gather [hbm4b:s9+s13], $0x20, s25, s13, $0xb8;
	[tilespmem:$0x18C00] =	vst v63  }
0x3ad: {  	_ =	swait.ge [sflag:s23], $0x4000  }
0x3ae: {  	s1 =	sld [smem:$0x7EA]  }
0x3af: {  	[sflag:s23] =	ssyncset.done $0x0  }
0x3b0: {  	[sflag:s23] =	ssyncadd.s32 $0xFFFFC000  }
0x3b1: {  	[hbm4b:s1+s7] =	stream.strided.scatter [tilespmem:s22], [sflag:$0xA], $0x4000, s8, s7, $0x38;
	[tilespmem:$0x18C00] =	vst v63  }
0x3b2: {  	_ =	swait.ge [sflag:s4], $0x4000  }
0x3b3: {  	s1 =	sld [smem:$0x7EB]  }
0x3b4: {  	[sflag:s4] =	ssyncset.done $0x0  }
0x3b5: {  	[sflag:s4] =	ssyncadd.s32 $0xFFFFC000  }
0x3b6: {  	[tilespmem:s2], [sflag:$0xD] =	stream.linear.gather [hbm4b:s1+s2], $0x200, $0x38;
	[tilespmem:$0x18C00] =	vst v63  }
0x3b7: {  	_ =	swait.ge [sflag:s12], $0x200  }
0x3b8: {  	[sflag:s12] =	ssyncset.done $0x0  }
0x3b9: {  	[sflag:s12] =	ssyncadd.s32 $0xFFFFFE00  }
0x3ba: {  	[tilespmem:s6], [sflag:$0x1] =	stream.indirect.gather [hbm4b:s9+s13], $0x20, s2, s13, $0xb8;
	[tilespmem:$0x18C00] =	vst v63  }
0x3bb: {  	_ =	swait.ge [sflag:s21], $0x4000  }
0x3bc: {  	s1 =	sld [smem:$0x7EC]  }
0x3bd: {  	[sflag:s21] =	ssyncset.done $0x0  }
0x3be: {  	[sflag:s21] =	ssyncadd.s32 $0xFFFFC000  }
0x3bf: {  	[hbm4b:s1+s7] =	stream.strided.scatter [tilespmem:s20], [sflag:$0xB], $0x4000, s8, s7, $0x38;
	[tilespmem:$0x18C00] =	vst v63  }
0x3c0: {  	_ =	swait.ge [sflag:s5], $0x4000  }
0x3c1: {  	s1 =	sld [smem:$0x7ED]  }
0x3c2: {  	[sflag:s5] =	ssyncset.done $0x0  }
0x3c3: {  	[sflag:s5] =	ssyncadd.s32 $0xFFFFC000  }
0x3c4: {  	[tilespmem:s13], [sflag:$0xD] =	stream.linear.gather [hbm4b:s1+s2], $0x200, $0x38;
	[tilespmem:$0x18C00] =	vst v63  }
0x3c5: {  	_ =	swait.ge [sflag:s12], $0x200  }
0x3c6: {  	[sflag:s12] =	ssyncset.done $0x0  }
0x3c7: {  	[sflag:s12] =	ssyncadd.s32 $0xFFFFFE00  }
0x3c8: {  	[tilespmem:s3], [sflag:$0x2] =	stream.indirect.gather [hbm4b:s9+s13], $0x20, s13, s13, $0xb8;
	[tilespmem:$0x18C00] =	vst v63  }
0x3c9: {  	_ =	swait.ge [sflag:s19], $0x4000  }
0x3ca: {  	s1 =	sld [smem:$0x7EE]  }
0x3cb: {  	[sflag:s19] =	ssyncset.done $0x0  }
0x3cc: {  	[sflag:s19] =	ssyncadd.s32 $0xFFFFC000  }
0x3cd: {  	[hbm4b:s1+s7] =	stream.strided.scatter [tilespmem:s18], [sflag:$0xC], $0x4000, s8, s7, $0x38;
	[tilespmem:$0x18C00] =	vst v63  }
0x3ce: {  	_ =	swait.ge [sflag:s17], $0x4000  }
0x3cf: {  	s1 =	sld [smem:$0x7EF]  }
0x3d0: {  	[sflag:s17] =	ssyncset.done $0x0  }
0x3d1: {  	[sflag:s17] =	ssyncadd.s32 $0xFFFFC000  }
0x3d2: {  	[tilespmem:s30], [sflag:$0xD] =	stream.linear.gather [hbm4b:s1+s2], $0x200, $0x38;
	[tilespmem:$0x18C00] =	vst v63  }
0x3d3: {  	_ =	swait.ge [sflag:s12], $0x200  }
0x3d4: {  	[sflag:s12] =	ssyncset.done $0x0  }
0x3d5: {  	[sflag:s12] =	ssyncadd.s32 $0xFFFFFE00  }
0x3d6: {  	[tilespmem:s24], [sflag:$0x3] =	stream.indirect.gather [hbm4b:s9+s13], $0x20, s30, s13, $0xb8;
	[tilespmem:$0x18C00] =	vst v63  }
0x3d7: {  	_ =	swait.ge [sflag:s10], $0x4000  }
0x3d8: {  	s30 =	sld [smem:$0x7F0]  }
0x3d9: {  	[sflag:s10] =	ssyncset.done $0x0  }
0x3da: {  	[sflag:s10] =	ssyncadd.s32 $0xFFFFC000  }
0x3db: {  	[hbm4b:s30+s7] =	stream.strided.scatter [tilespmem:s6], [sflag:$0x7], $0x4000, s8, s7, $0x38;
	[tilespmem:$0x18C00] =	vst v63  }
0x3dc: {  	_ =	swait.ge [sflag:s16], $0x4000  }
0x3dd: {  	s1 =	sld [smem:$0x7F1]  }
0x3de: {  	[sflag:s16] =	ssyncset.done $0x0  }
0x3df: {  	[sflag:s16] =	ssyncadd.s32 $0xFFFFC000  }
0x3e0: {  	[tilespmem:s29], [sflag:$0xD] =	stream.linear.gather [hbm4b:s1+s2], $0x200, $0x38;
	[tilespmem:$0x18C00] =	vst v63  }
0x3e1: {  	_ =	swait.ge [sflag:s12], $0x200  }
0x3e2: {  	[sflag:s12] =	ssyncset.done $0x0  }
0x3e3: {  	[sflag:s12] =	ssyncadd.s32 $0xFFFFFE00  }
0x3e4: {  	[tilespmem:s22], [sflag:$0x4] =	stream.indirect.gather [hbm4b:s9+s13], $0x20, s29, s13, $0xb8;
	[tilespmem:$0x18C00] =	vst v63  }
0x3e5: {  	_ =	swait.ge [sflag:s11], $0x4000  }
0x3e6: {  	s30 =	sld [smem:$0x7F2]  }
0x3e7: {  	[sflag:s11] =	ssyncset.done $0x0  }
0x3e8: {  	[sflag:s11] =	ssyncadd.s32 $0xFFFFC000  }
0x3e9: {  	[hbm4b:s30+s7] =	stream.strided.scatter [tilespmem:s3], [sflag:$0x8], $0x4000, s8, s7, $0x38;
	[tilespmem:$0x18C00] =	vst v63  }
0x3ea: {  	_ =	swait.ge [sflag:s15], $0x4000  }
0x3eb: {  	s1 =	sld [smem:$0x7F3]  }
0x3ec: {  	[sflag:s15] =	ssyncset.done $0x0  }
0x3ed: {  	[sflag:s15] =	ssyncadd.s32 $0xFFFFC000  }
0x3ee: {  	[tilespmem:s28], [sflag:$0xD] =	stream.linear.gather [hbm4b:s1+s2], $0x200, $0x38;
	[tilespmem:$0x18C00] =	vst v63  }
0x3ef: {  	_ =	swait.ge [sflag:s12], $0x200  }
0x3f0: {  	[sflag:s12] =	ssyncset.done $0x0  }
0x3f1: {  	[sflag:s12] =	ssyncadd.s32 $0xFFFFFE00  }
0x3f2: {  	[tilespmem:s20], [sflag:$0x5] =	stream.indirect.gather [hbm4b:s9+s13], $0x20, s28, s13, $0xb8;
	[tilespmem:$0x18C00] =	vst v63  }
0x3f3: {  	_ =	swait.ge [sflag:s26], $0x4000  }
0x3f4: {  	s29 =	sld [smem:$0x7F4]  }
0x3f5: {  	[sflag:s26] =	ssyncset.done $0x0  }
0x3f6: {  	[sflag:s26] =	ssyncadd.s32 $0xFFFFC000  }
0x3f7: {  	[hbm4b:s29+s7] =	stream.strided.scatter [tilespmem:s24], [sflag:$0x9], $0x4000, s8, s7, $0x38;
	[tilespmem:$0x18C00] =	vst v63  }
0x3f8: {  	_ =	swait.ge [sflag:s14], $0x4000  }
0x3f9: {  	s30 =	sld [smem:$0x7F5]  }
0x3fa: {  	[sflag:s14] =	ssyncset.done $0x0  }
0x3fb: {  	[sflag:s14] =	ssyncadd.s32 $0xFFFFC000  }
0x3fc: {  	[tilespmem:s25], [sflag:$0xD] =	stream.linear.gather [hbm4b:s30+s2], $0x200, $0x38;
	[tilespmem:$0x18C00] =	vst v63  }
0x3fd: {  	_ =	swait.ge [sflag:s12], $0x200  }
0x3fe: {  	[sflag:s12] =	ssyncset.done $0x0  }
0x3ff: {  	[sflag:s12] =	ssyncadd.s32 $0xFFFFFE00  }
0x400: {  	[tilespmem:s18], [sflag:$0x6] =	stream.indirect.gather [hbm4b:s9+s13], $0x20, s25, s13, $0xb8;
	[tilespmem:$0x18C00] =	vst v63  }
0x401: {  	_ =	swait.ge [sflag:s23], $0x4000  }
0x402: {  	s1 =	sld [smem:$0x7F6]  }
0x403: {  	[sflag:s23] =	ssyncset.done $0x0  }
0x404: {  	[sflag:s23] =	ssyncadd.s32 $0xFFFFC000  }
0x405: {  	[hbm4b:s1+s7] =	stream.strided.scatter [tilespmem:s22], [sflag:$0xA], $0x4000, s8, s7, $0x38;
	[tilespmem:$0x18C00] =	vst v63  }
0x406: {  	_ =	swait.ge [sflag:s4], $0x4000  }
0x407: {  	s24 =	sld [smem:$0x7F7]  }
0x408: {  	[sflag:s4] =	ssyncset.done $0x0  }
0x409: {  	[sflag:s4] =	ssyncadd.s32 $0xFFFFC000  }
0x40a: {  	[tilespmem:s2], [sflag:$0xD] =	stream.linear.gather [hbm4b:s24+s2], $0x200, $0x38;
	[tilespmem:$0x18C00] =	vst v63  }
0x40b: {  	_ =	swait.ge [sflag:s12], $0x200  }
0x40c: {  	[sflag:s12] =	ssyncset.done $0x0  }
0x40d: {  	[sflag:s12] =	ssyncadd.s32 $0xFFFFFE00  }
0x40e: {  	[tilespmem:s6], [sflag:$0x1] =	stream.indirect.gather [hbm4b:s9+s13], $0x20, s2, s13, $0xb8;
	[tilespmem:$0x18C00] =	vst v63  }
0x40f: {  	_ =	swait.ge [sflag:s21], $0x4000  }
0x410: {  	s25 =	sld [smem:$0x7F8]  }
0x411: {  	[sflag:s21] =	ssyncset.done $0x0  }
0x412: {  	[sflag:s21] =	ssyncadd.s32 $0xFFFFC000  }
0x413: {  	[hbm4b:s25+s7] =	stream.strided.scatter [tilespmem:s20], [sflag:$0xB], $0x4000, s8, s7, $0x38;
	[tilespmem:$0x18C00] =	vst v63  }
0x414: {  	_ =	swait.ge [sflag:s5], $0x4000  }
0x415: {  	s26 =	sld [smem:$0x7F9]  }
0x416: {  	[sflag:s5] =	ssyncset.done $0x0  }
0x417: {  	[sflag:s5] =	ssyncadd.s32 $0xFFFFC000  }
0x418: {  	[tilespmem:s13], [sflag:$0xD] =	stream.linear.gather [hbm4b:s26+s2], $0x200, $0x38;
	[tilespmem:$0x18C00] =	vst v63  }
0x419: {  	_ =	swait.ge [sflag:s12], $0x200  }
0x41a: {  	[sflag:s12] =	ssyncset.done $0x0  }
0x41b: {  	[sflag:s12] =	ssyncadd.s32 $0xFFFFFE00  }
0x41c: {  	[tilespmem:s3], [sflag:$0x2] =	stream.indirect.gather [hbm4b:s9+s13], $0x20, s13, s13, $0xb8;
	[tilespmem:$0x18C00] =	vst v63  }
0x41d: {  	_ =	swait.ge [sflag:s19], $0x4000  }
0x41e: {  	s28 =	sld [smem:$0x7FA]  }
0x41f: {  	[sflag:s19] =	ssyncset.done $0x0  }
0x420: {  	[sflag:s19] =	ssyncadd.s32 $0xFFFFC000  }
0x421: {  	[hbm4b:s28+s7] =	stream.strided.scatter [tilespmem:s18], [sflag:$0xC], $0x4000, s8, s7, $0x38;
	[tilespmem:$0x18C00] =	vst v63  }
0x422: {  	_ =	swait.ge [sflag:s10], $0x4000  }
0x423: {  	s29 =	sld [smem:$0x7FB]  }
0x424: {  	[sflag:s10] =	ssyncset.done $0x0  }
0x425: {  	[sflag:s10] =	ssyncadd.s32 $0xFFFFC000  }
0x426: {  	[hbm4b:s29+s7] =	stream.strided.scatter [tilespmem:s6], [sflag:$0x7], $0x4000, s8, s7, $0x38;
	[tilespmem:$0x18C00] =	vst v63  }
0x427: {  	_ =	swait.ge [sflag:s11], $0x4000  }
0x428: {  	s30 =	sld [smem:$0x7FD]  }
0x429: {  	[sflag:s11] =	ssyncset.done $0x0  }
0x42a: {  	[sflag:s11] =	ssyncadd.s32 $0xFFFFC000  }
0x42b: {  	[hbm4b:s30+s7] =	stream.strided.scatter [tilespmem:s3], [sflag:$0x8], $0x4000, s8, s7, $0x38;
	[tilespmem:$0x18C00] =	vst v63  }
0x42c: {  	_ =	swait.ge [sflag:s17], $0x4000  }
0x42d: {  	[sflag:s17] =	ssyncset.done $0x0  }
0x42e: {  	[sflag:s17] =	ssyncadd.s32 $0xFFFFC000  }
0x42f: {  	_ =	swait.ge [sflag:s16], $0x4000  }
0x430: {  	[sflag:s16] =	ssyncset.done $0x0  }
0x431: {  	[sflag:s16] =	ssyncadd.s32 $0xFFFFC000  }
0x432: {  	_ =	swait.ge [sflag:s15], $0x4000  }
0x433: {  	[sflag:s15] =	ssyncset.done $0x0  }
0x434: {  	[sflag:s15] =	ssyncadd.s32 $0xFFFFC000  }
0x435: {  	_ =	swait.ge [sflag:s14], $0x4000  }
0x436: {  	[sflag:s14] =	ssyncset.done $0x0  }
0x437: {  	[sflag:s14] =	ssyncadd.s32 $0xFFFFC000  }
0x438: {  	_ =	swait.ge [sflag:s4], $0x4000  }
0x439: {  	[sflag:s4] =	ssyncset.done $0x0  }
0x43a: {  	[sflag:s4] =	ssyncadd.s32 $0xFFFFC000  }
0x43b: {  	_ =	swait.ge [sflag:s5], $0x4000  }
0x43c: {  	[sflag:s5] =	ssyncset.done $0x0  }
0x43d: {  	[sflag:s5] =	ssyncadd.s32 $0xFFFFC000  }
0x43e: {  	_ =	sfence.sel $0x180000  }
0x43f: {  	[bflag:$0x0] =	sbarrier.arrive $0xFFFF  }
0x440: {  	_ =	strace $0x90000047  }
0x441: {  	[bflag:$0x2] =	sbarrier.arrive $0xFFFF  }
0x442: {  	p0 =	sne.s32 s31, $0x0;
	s0 =	rddreg [dreg:$0x2]  }
0x443: {  	s0 =	sadd.s32 @!p0 $0x100000, s0  }
0x444: {  	[sflag:s0] =	ssyncadd.tile.s32 @!p0 $0x1;
	_ =	shalt  }
.LBB2_1:
.Ltmp3:
0x445: {  	(pc) =	sbr.rel .LBB2_6-.Ltmp3, $2  }
0x446: {  	_ =	sdelay $0x2  }
0x447: {  	s1 =	sld [smem:$0x7FC]  }
.LBB2_3:
.Ltmp4:
0x448: {  	(pc) =	sbr.rel .LBB2_6-.Ltmp4, $2  }
0x449: {  	_ =	sdelay $0x2  }
0x44a: {  	s1 =	sld [smem:$0x7FC];
	s31 =	stileid.u32  }
.Lfunc_end2:
_tile_overlayer_lowered:
.L_overlay_start_2:
0x44b: {  	(tag) =	ssettag $0x2  }
0x44c: {  	s0 =	rddreg [dreg:$0x0];
	s2 =	stileid.u32  }
0x44d: {  	s1 =	rddreg [dreg:$0x1];
	p0 =	sne.s32 s2, $0x0  }
0x44e: {  	s3 =	rddreg [dreg:$0x2];
	[bflag:$0x3] =	sbarrier.arrive $0xFFFF;
	s2 =	simm.s32 @!p0 $0x1C0D  }
0x44f: {  	[timem:s3], [sflag:s2] =	dma.local @!p0 [hbm:s0], s1  }
0x450: {  	s0 =	simm.s32 @!p0 $0xD  }
0x451: {  	_ =	swait.ge @!p0 [sflag:s0], s1  }
0x452: {  	s1 =	ssub.s32 @!p0 $0x0, s1;
	[sflag:s0] =	ssyncset.done @!p0 $0x0  }
0x453: {  	[sflag:s0] =	ssyncadd.s32 @!p0 s1  }
0x454: {  	[bflag:$0x3] =	sbarrier.arrive $0xFFFF  }
0x455: {  	_ =	shalt  }

// kernel: sparse-core-data-format-call.cloned.1.call-start
scs
called_computation_lowered:
.L_overlay_start_0:
0x0: {  	s2 =	sld [smem:$0x3FD9]  }
0x1: {  	s3 =	sld [smem:$0x3FFE];
	_ =	sdelay $0x1  }
0x2: {  	s1 =	srdreg.scid  }
0x3: {  	s0 =	sand.u32 $0x1, s1  }
0x4: {  	s18 =	sshll.u32 s0, $0xA;
	s2 =	sadd.s32 s3, s2  }
0x5: {  	s2 =	sadd.s32 s2, s18  }
0x6: {  	[smem:$0x3FC6] =	sst s2  }
0x7: {  	_ = 	snop  }
0x8: {  	s2 =	sld [smem:$0x3FD0];
	(tm) =	ssettm $0x1  }
0x9: {  	s19 =	sld [smem:$0x3FFB];
	_ =	sdelay $0x3  }
0xa: {  	_ =	strace s19  }
0xb: {  	s3 =	sld [smem:$0x3FFC];
	_ =	sdelay $0x3  }
0xc: {  	_ =	strace s3  }
0xd: {  	s3 =	sld [smem:$0x3FFD];
	_ =	sdelay $0x3  }
0xe: {  	_ =	strace s3  }
0xf: {  	_ =	strace $0x8FFFFFFF  }
0x10: {  	s20 =	sld [smem:$0x3FDB];
	_ =	sdelay $0x1  }
0x11: {  	s4 =	simm.s32 $_scs_section_size  }
0x12: {  	s5 =	simm.s32 $_size__tile_overlayer_lowered;
	s6 =	simm.s32 $_tile_overlayer_lowered  }
0x13: {  	s23 =	simm.s32 $0x1BFF;
	s22 =	sshll.u32 s6, $0x1;
	s3 =	sadd.s32 s4, s20  }
0x14: {  	s7 =	simm.s32 $0x0;
	s21 =	sshll.u32 s5, $0x1;
	s5 =	sadd.s32 s22, s3  }
0x15: {  	[timem:s7], [sflag:s23] =	dma.local [hbm:s5], s21  }
0x16: {  	_ =	swait.ge [sflag:s23], s21  }
0x17: {  	s4 =	ssub.s32 $0x0, s21;
	[sflag:s23] =	ssyncset.done $0x0  }
0x18: {  	[sflag:s23] =	ssyncadd.s32 s4;
	_ =	sdelay $0x1  }
0x19: {  	s24 =	simm.s32 $0x1B8B  }
0x1a: {  	_ =	swait.ge [sflag:s24], $0x1  }
0x1b: {  	[sflag:s24] =	ssyncset.done $0x0  }
0x1c: {  	s26 =	simm.s32 $0x1B8E;
	s25 =	sld [smem:$0x3FFE];
	[sflag:s24] =	ssyncadd.s32 $0xFFFFFFFF  }
0x1d: {  	s27 =	simm.s32 $execute0_lowered;
	[smem:$0x3FD2] =	sst s26  }
0x1e: {  	s5 =	sshll.u32 s27, $0x1;
	_ =	strace $0x80000049;
	[dreg:$0x1] =	wrdreg $0xFFFFFFFF  }
0x1f: {  	s28 =	simm.s32 $_size_execute0_lowered;
	s3 =	sadd.s32 s3, s5;
	[dreg:$0x0] =	wrdreg $0x0  }
0x20: {  	s5 =	sshll.u32 s28, $0x1;
	[dreg:$0x2] =	wrdreg s3  }
0x21: {  	[dreg:$0x3] =	wrdreg s5  }
0x22: {  	[dreg:$0x4] =	wrdreg $0xC0  }
0x23: {  	_ =	task [dreg:s7], $0x5FFFF  }
0x24: {  	[dreg:$0x1] =	wrdreg $0xFFFFFFFF  }
0x25: {  	[dreg:$0x0] =	wrdreg $0x60  }
0x26: {  	[dreg:$0x2] =	wrdreg s25  }
0x27: {  	[dreg:$0x3] =	wrdreg s2  }
0x28: {  	[dreg:$0x4] =	wrdreg $0x9  }
0x29: {  	_ =	task.clear_ibuf [dreg:s7], $0x5FFFF;
	_ =	strace $0x90000049  }
0x2a: {  	s29 =	simm.s32 $0x9;
	_ =	strace $0x8000004B  }
0x2b: {  	_ =	swait.ge [sflag:s29], $0x1  }
0x2c: {  	[sflag:s29] =	ssyncadd.s32 $0xFFFFFFFF  }
0x2d: {  	_ =	strace $0x9000004B  }
0x2e: {  	_ =	sfence  }
0x2f: {  	s30 =	sld [smem:$0x0];
	_ =	sdelay $0x2  }
0x30: {  	s31 =	sshll.u32 s1, $0xD;
	s1 =	sshrl.u32 s1, $0x2  }
0x31: {  	s3 =	sand.u32 $0x4000, s31;
	s1 =	sadd.s32 s1, s30  }
0x32: {  	s0 =	sor.u32 s3, s0;
	s1 =	sshll.u32 s1, $0x11  }
0x33: {  	s0 =	sor.u32 s1, s0  }
0x34: {  	s0 =	sadd.s32 $0x8F2B, s0  }
0x35: {  	[sflag:s0] =	ssyncadd.remote.s32 $0x1  }
0x36: {  	_ =	sfence.sel $0xFFFF  }
0x37: {  	[dreg:$0x0] =	wrdreg $0xFFFFFFFF;
	(pc) =	sbr.abs _section_cstart, $3  }
0x38: {  	[dreg:$0x1] =	wrdreg $0xFFFFFFFF  }
0x39: {  	_ =	task.clear_ibuf [dreg:s7], $0x2FFFF;
	_ =	strace $0x9FFFFFFF  }
0x3a: {  	(tm) =	ssettm $0x7FFFFFFF  }
0x3b: {  	_ =	shalt  }
tec
execute0_lowered:
.L_overlay_start_1:
0x0: {  	(tag) =	ssettag $0x1  }
0x1: {  	s0 =	srdreg.scid  }
0x2: {  	s1 =	sshll.u32 s0, $0x4  }
0x3: {  	s0 =	stileid.u32;
	s1 =	sand.u32 $0x10, s1  }
0x4: {  	s1 =	sor.u32 s0, s1  }
0x5: {  	s6 =	rddreg [dreg:$0x0];
	s4 =	simm.s32 $0x1;
	s2 =	sshll.u32 s1, $0x7  }
0x6: {  	s7 =	simm.s32 $0x2;
	s12 =	simm.s32 $0x0;
	s1 =	ssub.s32 $0x4000, s2  }
0x7: {  	s8 =	simm.s32 $0x20000;
	s13 =	simm.s32 $0x0;
	s3 =	sand.u32 $0xF80, s1  }
0x8: {  	s9 =	simm.s32 $0x0;
	s5 =	sshrl.u32 s1, $0xC;
	p0 =	sne.s32 s3, $0x0  }
.Ltmp0:
0x9: {  	s1 =	rddreg [dreg:$0x2];
	s4 =	simm.s32 @!p0 $0x0;
	(pc) =	sbr.rel .LBB1_1-.Ltmp0, $4  }
0xa: {  	s11 =	simm.s32 $0x0;
	s3 =	rddreg [dreg:$0x1];
	s5 =	sadd.s32 s4, s5  }
0xb: {  	_ =	strace $0x8000004A;
	s4 =	simm.s32 $0x1;
	s5 =	smul.u32 $0x1A, s5  }
0xc: {  	s6 =	sadd.s32 $0xA00, s6;
	s10 =	smov.u32 s2;
	[sflag:s4] =	ssyncpa.u1 $0x0  }
0xd: {  	p0 =	por $0x0, $0x0;
	[sflag:s7] =	ssyncpa.u1 $0x0;
	s7 =	sor.u32 $0x1, s5  }
.LBB1_4:
0xe: {  	s16 =	sshll.u32 s13, $0x3;
	s17 =	sand.u32 $0x78, s13  }
0xf: {  	s30 =	sand.u32 $0xF800, s13;
	s12 =	sshll.u32 s12, $0x10;
	s16 =	sand.u32 $0x3C00, s16  }
0x10: {  	s31 =	sand.u32 $0x7, s13;
	s16 =	sor.u32 s17, s16;
	s17 =	sadd.s32 s3, s30  }
0x11: {  	s13 =	sshll.u32 s31, $0x12;
	s16 =	sshrl.u32 s16, $0x3;
	s12 =	sadd.s32 s12, s17  }
0x12: {  	[tilespmem:s15+$0x0 ss:$0x81] =	vst.msk $0xffff, v0;
	s13 =	sor.u32 $0x400, s13;
	s12 =	sadd.s32 s16, s12  }
0x13: {  	[hbm4b:s12+s13] =	stream.strided.scatter [tilespmem:s14], [sflag:$0x2], $0x1000, s8, s13, $0x20;
	[tilespmem:$0x4040] =	vst v63  }
.LBB1_5:
0x14: {  	s14 =	sadd.s32 $0x1, s9  }
0x15: {  	s12 =	sadd.s32 $0x1000, s10;
	s16 =	smov.u32 s10;
	p2 =	sgt.s32 s14, $0x19  }
0x16: {  	s16 =	smov.u32 @p2 s12  }
0x17: {  	s14 =	simm.s32 @p2 $0x0;
	p2 =	sgt.s32 s16, $0x3FFF  }
0x18: {  	s16 =	smov.u32 @p2 s2;
	p2 =	sne.s32 s11, s7  }
.Ltmp1:
0x19: {  	p1 =	slt.u32 s11, $0x2;
	(pc) =	sbr.rel @!p2 .LBB1_6-.Ltmp1, $4  }
0x1a: {  	s15 =	simm.s32 @!p1 $0x2  }
0x1b: {  	s13 =	smov.u32 s10;
	p0 =	por !p0, !p0;
	_ =	swait.ge @!p1 [sflag:s15], $0x1000  }
0x1c: {  	s12 =	smov.u32 s9;
	[sflag:s15] =	ssyncset.done @!p1 $0x0;
	s9 =	smov.u32 s14  }
0x1d: {  	s11 =	sadd.s32 $0x1, s11;
	[sflag:s15] =	ssyncadd.s32 @!p1 $0xFFFFF000;
	s10 =	smov.u32 s16  }
.LBB1_1:
0x1e: {  	p1 =	sge.u32 s11, s5  }
0x1f: {  	s31 =	sadd.s32 $0xFFFFFFFF, s11;
	s14 =	sxor.u32 @!p1 $0xFFFFFFFF, s11  }
0x20: {  	s15 =	sshll.u32 @!p1 s10, $0x9;
	s16 =	sshll.u32 @!p1 s9, $0x4;
	s17 =	simm.s32 @!p1 $0x1000  }
0x21: {  	s14 =	sshll.u32 @!p1 s14, $0xC;
	s16 =	sand.u32 @!p1 $0x1F0, s16;
	s15 =	sadd.s32 @!p1 s6, s15  }
0x22: {  	s14 =	sand.u32 @!p1 $0x1000, s14;
	s15 =	sadd.s32 @!p1 s16, s15;
	s16 =	simm.s32 @!p1 $0x20  }
0x23: {  	[tilespmem:s14], [sflag:$0x1] =	stream.strided.gather @!p1 [hbm4b:s15+s16], $0x1000, s17, s16, $0x38;
	[tilespmem:$0x4040] =	vst v63  }
0x24: {  	p1 =	sge.u32 s31, s5  }
.Ltmp2:
0x25: {  	_ = 	snop;
	(pc) =	sbr.rel @p1 .LBB1_5-.Ltmp2, $1  }
0x26: {  	_ =	sdelay $0x3  }
0x27: {  	s14 =	simm.s32 $0x1  }
0x28: {  	_ =	swait.ge [sflag:s4], $0x1000;
	s14 =	simm.s32 @!p0 $0x0  }
0x29: {  	[sflag:s4] =	ssyncset.done $0x0;
	s15 =	sshll.u32 s14, $0xC  }
0x2a: {  	[sflag:s4] =	ssyncadd.s32 $0xFFFFF000;
	s18 =	sor.u32 $0x10, s15  }
0x2b: {  	s14 =	smul.u32 $0x4080, s14;
	v1 =	vld [tilespmem:s18+$0x0]  }
0x2c: {  	s30 =	sand.u32 $0x1, s11;
	v0 =	vld [tilespmem:s18+$0xFFFFFFF0]  }
0x2d: {  	s15 =	smul.u32 $0x4080, s30;
	s14 =	sshrl.u32 s14, $0x2  }
0x2e: {  	s16 =	sor.u32 $0x2000, s14  }
0x2f: {  	s31 =	sshrl.u32 s15, $0x2;
	s15 =	sadd.s32 $0x0, s16  }
0x30: {  	s17 =	simm.s32 $0x4;
	s18 =	sadd.s32 $0x20, s18;
	s14 =	sor.u32 $0x2000, s31;
	[tilespmem:s15+$0x810 ss:$0x81] =	vst.msk $0xffff, v1  }
.LBB1_3:
0x31: {  	v1 =	vld [tilespmem:s18+$0x0];
	p1 =	sne.s32 s17, $0x1FC;
	[tilespmem:s15+$0x0 ss:$0x81] =	vst.msk $0xffff, v0;
	s15 =	smov.u32 s17;
	s17 =	sadd.s32 $0x4, s17  }
.Ltmp3:
0x32: {  	v0 =	vld [tilespmem:s18+$0xFFFFFFF0];
	(pc) =	sbr.rel @p1 .LBB1_3-.Ltmp3, $4  }
0x33: {  	_ = 	snop  }
0x34: {  	s15 =	sshra.s32 s15, $0x2  }
0x35: {  	s15 =	sadd.s32 s15, s16  }
0x36: {  	s18 =	sadd.s32 $0x20, s18;
	[tilespmem:s15+$0x810 ss:$0x81] =	vst.msk $0xffff, v1  }
.Ltmp4:
0x37: {  	_ = 	snop;
	(pc) =	sbr.rel .LBB1_4-.Ltmp4, $1  }
0x38: {  	_ =	sdelay $0x3  }
.LBB1_6:
0x39: {  	_ =	sfence.sel $0x180000  }
0x3a: {  	s2 =	simm.s32 $0x1;
	[bflag:$0x0] =	sbarrier.arrive $0xFFFF  }
0x3b: {  	s31 =	simm.s32 $0x2;
	[sflag:s2] =	ssyncpa.u1 $0x1  }
0x3c: {  	[sflag:s31] =	ssyncpa.u1 $0x1  }
0x3d: {  	p0 =	sne.s32 s0, $0x0;
	_ =	strace $0x9000004A  }
0x3e: {  	s0 =	sadd.s32 @!p0 $0x100000, s1;
	[bflag:$0x2] =	sbarrier.arrive $0xFFFF  }
0x3f: {  	[sflag:s0] =	ssyncadd.tile.s32 @!p0 $0x1;
	_ =	shalt  }
.Lfunc_end1:
_tile_overlayer_lowered:
.L_overlay_start_2:
0x40: {  	(tag) =	ssettag $0x2  }
0x41: {  	s0 =	rddreg [dreg:$0x0];
	s2 =	stileid.u32  }
0x42: {  	s1 =	rddreg [dreg:$0x1];
	p0 =	sne.s32 s2, $0x0  }
0x43: {  	s3 =	rddreg [dreg:$0x2];
	[bflag:$0x3] =	sbarrier.arrive $0xFFFF;
	s2 =	simm.s32 @!p0 $0x1C01  }
0x44: {  	[timem:s3], [sflag:s2] =	dma.local @!p0 [hbm:s0], s1  }
0x45: {  	s0 =	simm.s32 @!p0 $0x1  }
0x46: {  	_ =	swait.ge @!p0 [sflag:s0], s1  }
0x47: {  	s1 =	ssub.s32 @!p0 $0x0, s1;
	[sflag:s0] =	ssyncset.done @!p0 $0x0  }
0x48: {  	[sflag:s0] =	ssyncadd.s32 @!p0 s1  }
0x49: {  	[bflag:$0x3] =	sbarrier.arrive $0xFFFF  }
0x4a: {  	_ =	shalt  }

</sc_bundles>
